<compile_context>
chip_gen: v7x
topology: tpu7x:2x2x1
jax: 0.10.2.dev20260603
libtpu: 0.0.44.dev20260713+nightly
codegen_flags: <defaults>
</compile_context>

<pallas_src>
import functools

import jax
import jax.numpy as jnp
from jax import lax
from jax.experimental import pallas as pl
from jax.experimental.pallas import tpu as pltpu
from jax.experimental.pallas import tpu_sc as plsc

B, C, N, K, OUT = 16, 64, 1024, 20, 128
EPS = 1e-5
NW = 32
ROWS_PER_W = B * N // NW


def _prep_body(x_ref, w_ref, d_ref, pt_ref, qt_ref):
    xb = x_ref[0]
    wa = w_ref[:, :C]
    wq = w_ref[:, C:] - wa
    xx = jnp.sum(xb * xb, axis=0, keepdims=True)
    g = lax.dot_general(xb, xb, (((0,), (0,)), ((), ())),
                        preferred_element_type=jnp.float32)
    d_ref[0] = 2.0 * g - xx
    pt_ref[0] = lax.dot_general(xb, wa, (((0,), (1,)), ((), ())),
                                preferred_element_type=jnp.float32)
    qt_ref[0] = lax.dot_general(xb, wq, (((0,), (1,)), ((), ())),
                                preferred_element_type=jnp.float32)


def _prep(x, W):
    return pl.pallas_call(
        _prep_body,
        grid=(B,),
        in_specs=[
            pl.BlockSpec((1, C, N), lambda b: (b, 0, 0)),
            pl.BlockSpec((OUT, 2 * C), lambda b: (0, 0)),
        ],
        out_specs=[
            pl.BlockSpec((1, N, N), lambda b: (b, 0, 0)),
            pl.BlockSpec((1, N, OUT), lambda b: (b, 0, 0)),
            pl.BlockSpec((1, N, OUT), lambda b: (b, 0, 0)),
        ],
        out_shape=[
            jax.ShapeDtypeStruct((B, N, N), jnp.float32),
            jax.ShapeDtypeStruct((B, N, OUT), jnp.float32),
            jax.ShapeDtypeStruct((B, N, OUT), jnp.float32),
        ],
    )(x, W)


def _sort16(kk, vv):
    return plsc.sort_key_val(kk, vv)


def _merge16_to_32(a, bq):
    ak, ai = a
    bk, bi = bq
    brk = lax.rev(bk, (0,))
    bri = lax.rev(bi, (0,))
    m = ak <= brk
    lok = jnp.where(m, ak, brk)
    loi = jnp.where(m, ai, bri)
    hik = jnp.where(m, brk, ak)
    hii = jnp.where(m, bri, ai)
    lok, loi = _sort16(lok, loi)
    hik, hii = _sort16(hik, hii)
    return (lok, hik, loi, hii)


def _merge32_top32(A, Bq):
    a0, a1, ai0, ai1 = A
    b0, b1, bi0, bi1 = Bq
    rb1 = lax.rev(b1, (0,))
    rbi1 = lax.rev(bi1, (0,))
    rb0 = lax.rev(b0, (0,))
    rbi0 = lax.rev(bi0, (0,))
    m0 = a0 >= rb1
    c0 = jnp.where(m0, a0, rb1)
    ci0 = jnp.where(m0, ai0, rbi1)
    m1 = a1 >= rb0
    c1 = jnp.where(m1, a1, rb0)
    ci1 = jnp.where(m1, ai1, rbi0)
    m = c0 <= c1
    d0 = jnp.where(m, c0, c1)
    e0 = jnp.where(m, ci0, ci1)
    d1 = jnp.where(m, c1, c0)
    e1 = jnp.where(m, ci1, ci0)
    d0, e0 = _sort16(d0, e0)
    d1, e1 = _sort16(d1, e1)
    return (d0, d1, e0, e1)


def _select(d, ptf):
    mesh = plsc.VectorSubcoreMesh(core_axis_name="c", subcore_axis_name="s")

    @functools.partial(
        pl.kernel, mesh=mesh,
        compiler_params=pltpu.CompilerParams(needs_layout_passes=False),
        out_type=[
            jax.ShapeDtypeStruct((B, N, OUT), jnp.float32),
            jax.ShapeDtypeStruct((B, N, OUT), jnp.float32),
            jax.ShapeDtypeStruct((B, N, OUT), jnp.float32),
            jax.ShapeDtypeStruct((NW, N), jnp.int32),
        ],
        scratch_types=[
            pltpu.VMEM((2, 8, N), jnp.float32),
            pltpu.VMEM((N,), jnp.int32),
            pltpu.VMEM((2, 56), jnp.int32),
            pltpu.VMEM((2, 48, OUT), jnp.float32),
            pltpu.VMEM((2, 8, OUT), jnp.float32),
            pltpu.VMEM((2, 8, OUT), jnp.float32),
            pltpu.VMEM((2, 8, OUT), jnp.float32),
            pltpu.VMEM((N,), jnp.int32),
            pltpu.SemaphoreType.DMA,
            pltpu.SemaphoreType.DMA,
            pltpu.SemaphoreType.DMA,
        ],
    )
    def sel(d_hbm, pt_hbm, smin_hbm, smax_hbm, ssum_hbm, cnt_hbm,
            d_v, iota_v, idx_v, g_v, smin_v, smax_v, ssum_v, cnt_v,
            d_sem, g_sem, o_sem):
        wid = lax.axis_index("s") * 2 + lax.axis_index("c")
        b = wid // 2
        n0 = (wid % 2) * (N // 2)
        lane = lax.broadcasted_iota(jnp.int32, (16,), 0)
        zero16 = jnp.zeros((16,), jnp.int32)
        ones16 = jnp.ones((16,), jnp.int32)
        hi_mask = lane >= 12
        for r in range(N // 16):
            iota_v[pl.ds(r * 16, 16)] = lane + r * 16
            cnt_v[pl.ds(r * 16, 16)] = zero16
        base = b * N
        for s in range(2):
            for u in range(2):
                idx_v[s, pl.ds(u * 24 + 16, 16)] = base + lane + u * 16
        R = ROWS_PER_W

        def d_copy(tb):
            return pltpu.make_async_copy(d_hbm.at[b, pl.ds(n0 + 8 * tb, 8)],
                                         d_v.at[tb % 2], d_sem)

        def g_copy(gb):
            return pltpu.make_async_copy(pt_hbm.at[idx_v.at[gb % 2, pl.ds(0, 48)]],
                                         g_v.at[gb % 2], g_sem)

        def o_copies(tb):
            nd = pl.ds(n0 + 8 * tb, 8)
            s = tb % 2
            return (
                pltpu.make_async_copy(smin_v.at[s], smin_hbm.at[b, nd], o_sem),
                pltpu.make_async_copy(smax_v.at[s], smax_hbm.at[b, nd], o_sem),
                pltpu.make_async_copy(ssum_v.at[s], ssum_hbm.at[b, nd], o_sem),
            )

        def topk(i):
            s = i % 4
            db = (i // 8) % 2
            du = i % 8
            d0 = d_v[db, du, pl.ds(0, 16)]
            d1 = d_v[db, du, pl.ds(16, 16)]
            e0 = iota_v[pl.ds(0, 16)]
            e1 = iota_v[pl.ds(16, 16)]
            stack = [(0, (d0, d1, e0, e1))]
            d0, d1, e0, e1 = stack[0][1]
            u24 = (i % 2) * 24
            gs = (i // 2) % 2
            idx_v[gs, pl.ds(u24, 16)] = e1 + base
            plsc.store_compressed(idx_v.at[gs, pl.ds(u24 + 16, 16)], e0 + base,
                                  mask=hi_mask)
            plsc.addupdate_scatter(cnt_v, [e0], ones16, mask=hi_mask)
            plsc.addupdate_scatter(cnt_v, [e1], ones16)

        def reduce(i):
            ng = OUT // 16
            gr = g_v.at[(i // 2) % 2]
            r0 = (i % 2) * 24
            mn = [gr[r0, pl.ds(gi * 16, 16)] for gi in range(ng)]
            mx = list(mn)
            sm = list(mn)
            for j in range(1, 2):
                for gi in range(ng):
                    v = gr[r0 + j, pl.ds(gi * 16, 16)]
                    mn[gi] = jnp.minimum(mn[gi], v)
                    mx[gi] = jnp.maximum(mx[gi], v)
                    sm[gi] = sm[gi] + v
            ob = (i // 8) % 2
            ou = i % 8
            for gi in range(ng):
                sl = pl.ds(gi * 16, 16)
                smin_v[ob, ou, sl] = mn[gi]
                smax_v[ob, ou, sl] = mx[gi]
                ssum_v[ob, ou, sl] = sm[gi]

        TB = R // 8
        d_copy(0).start()

        def body(i, carry):
            j = i - 4

            @pl.when(j >= 0)
            def _():

                @pl.when((j % 8 == 0) & (j >= 16))
                def _():
                    for cp in o_copies(j // 8 - 2):
                        cp.wait()

                reduce(j)

                @pl.when(j % 8 == 7)
                def _():
                    for cp in o_copies(j // 8):
                        cp.start()

            @pl.when(i < R)
            def _():
                @pl.when(i % 8 == 0)
                def _():
                    d_copy(i // 8).wait()

                    @pl.when(i // 8 + 1 < TB)
                    def _():
                        d_copy(i // 8 + 1).start()

                topk(i)

            return carry

        lax.fori_loop(0, R + 4, body, 0)
        for tb in (TB - 2, TB - 1):
            for cp in o_copies(tb):
                cp.wait()
        pltpu.sync_copy(cnt_v, cnt_hbm.at[wid])

    return sel(d, ptf)


def _stats_body(ssum_ref, qt_ref, pt_ref, cnt_ref, o_ref):
    bb = pl.program_id(0)

    @pl.when(bb == 0)
    def _init():
        o_ref[...] = jnp.zeros_like(o_ref)

    s = ssum_ref[0]
    q = qt_ref[0]
    p = pt_ref[0]
    c = cnt_ref[0]
    o_ref[0, :] += jnp.sum(s, axis=0)
    o_ref[1, :] += jnp.sum(q, axis=0)
    o_ref[2, :] += jnp.sum(q * q, axis=0)
    o_ref[3, :] += jnp.sum(q * s, axis=0)
    o_ref[4, :] += jnp.sum(c * p * p, axis=0)


def _stats(ssum, qt, pt, cntf):
    return pl.pallas_call(
        _stats_body,
        grid=(B,),
        in_specs=[
            pl.BlockSpec((1, N, OUT), lambda b: (b, 0, 0)),
            pl.BlockSpec((1, N, OUT), lambda b: (b, 0, 0)),
            pl.BlockSpec((1, N, OUT), lambda b: (b, 0, 0)),
            pl.BlockSpec((1, N, 1), lambda b: (b, 0, 0)),
        ],
        out_specs=pl.BlockSpec((8, OUT), lambda b: (0, 0)),
        out_shape=jax.ShapeDtypeStruct((8, OUT), jnp.float32),
    )(ssum, qt, pt, cntf)


def _gelu(z):
    return 0.5 * z * (1.0 + lax.erf(z * 0.7071067811865476))


def _final_body(smin_ref, smax_ref, qt_ref, sc_ref, sh_ref, o_ref):
    q = qt_ref[0]
    sc = sc_ref[0, :]
    sh = sh_ref[0, :]
    z1 = (smin_ref[0] + q) * sc + sh
    z2 = (smax_ref[0] + q) * sc + sh
    o_ref[0] = jnp.transpose(jnp.maximum(_gelu(z1), _gelu(z2)))


def _final(smin, smax, qt, scale, shift):
    return pl.pallas_call(
        _final_body,
        grid=(B,),
        in_specs=[
            pl.BlockSpec((1, N, OUT), lambda b: (b, 0, 0)),
            pl.BlockSpec((1, N, OUT), lambda b: (b, 0, 0)),
            pl.BlockSpec((1, N, OUT), lambda b: (b, 0, 0)),
            pl.BlockSpec((1, OUT), lambda b: (0, 0)),
            pl.BlockSpec((1, OUT), lambda b: (0, 0)),
        ],
        out_specs=pl.BlockSpec((1, OUT, N), lambda b: (b, 0, 0)),
        out_shape=jax.ShapeDtypeStruct((B, OUT, N), jnp.float32),
    )(smin, smax, qt, scale, shift)


def kernel(x, W, gamma, beta):
    d, pt, qt = _prep(x, W)
    smin, smax, ssum, cnt = _select(d, pt.reshape(B * N, OUT))
    cntf = cnt.reshape(B, 2, N).sum(axis=1).astype(jnp.float32).reshape(B, N, 1)
    sums = _stats(ssum, qt, pt, cntf)
    m = float(B * N * K)
    mean = (sums[0] + K * sums[1]) / m
    ey2 = (sums[4] + 2.0 * sums[3] + K * sums[2]) / m
    var = ey2 - mean * mean
    scale = gamma / jnp.sqrt(var + EPS)
    shift = beta - mean * scale
    return _final(smin, smax, qt, scale.reshape(1, OUT), shift.reshape(1, OUT))

# --- scband reference (transcript-rebuilt; emitter-appended) ---
"""Pipeline reference for scband-edge-conv-19456201851242 (READ-ONLY COPY).

The authoritative reference and input builder live on the scoring server;
editing this copy changes nothing except your own understanding.
"""

import jax, jax.numpy as jnp
import numpy as np

B, C, N, K, OUT = 16, 64, 1024, 20, 128

def setup_inputs(seed: int = 0) -> dict:
    key = jax.random.key(seed)
    k1, k2, k3, k4 = jax.random.split(key, 4)
    x = jax.random.normal(k1, (B, C, N), dtype=jnp.float32)
    # Conv2d(128, 128, kernel_size=1, bias=False) -> weight [OUT, 2C]
    fan_in = 2 * C
    bound = 1.0 / np.sqrt(fan_in)
    W = jax.random.uniform(k2, (OUT, 2 * C), dtype=jnp.float32, minval=-bound, maxval=bound)
    gamma = jnp.ones((OUT,), dtype=jnp.float32)
    beta = jnp.zeros((OUT,), dtype=jnp.float32)
    return {"x": x, "W": W, "gamma": gamma, "beta": beta}

def _knn(x, k):
    # x: [B, C, N]
    xt = jnp.transpose(x, (0, 2, 1))  # [B, N, C]
    inner = -2.0 * jnp.matmul(xt, x)  # [B, N, N]
    xx = jnp.sum(x ** 2, axis=1, keepdims=True)  # [B, 1, N]
    pairwise = -xx - inner - jnp.transpose(xx, (0, 2, 1))  # [B, N, N]
    _, idx = jax.lax.top_k(pairwise, k)  # [B, N, k]
    return idx

def _get_graph_feature(x, k):
    b, c, n = x.shape
    idx = _knn(x, k)  # [B, N, k]
    xt = jnp.transpose(x, (0, 2, 1))  # [B, N, C]
    batch_idx = jnp.arange(b)[:, None, None]
    feature = xt[batch_idx, idx]  # [B, N, k, C]
    center = jnp.broadcast_to(xt[:, :, None, :], (b, n, k, c))
    feat = jnp.concatenate((feature - center, center), axis=3)  # [B, N, k, 2C]
    return jnp.transpose(feat, (0, 3, 1, 2))  # [B, 2C, N, k]

def reference(x, W, gamma, beta):
    feat = _get_graph_feature(x, K)  # [B, 2C, N, k]
    # 1x1 conv (no bias)
    y = jnp.einsum('oi,binj->bonj', W, feat)  # [B, OUT, N, k]
    # BatchNorm2d (training-mode batch statistics, eps=1e-5)
    mean = jnp.mean(y, axis=(0, 2, 3), keepdims=True)
    var = jnp.mean((y - mean) ** 2, axis=(0, 2, 3), keepdims=True)
    y = (y - mean) / jnp.sqrt(var + 1e-5)
    y = y * gamma[None, :, None, None] + beta[None, :, None, None]
    # GELU (exact erf, matching torch nn.GELU default)
    y = jax.nn.gelu(y, approximate=False)
    # max over neighbor dim
    return jnp.max(y, axis=-1)  # [B, OUT, N]

if __name__ == "__main__":
    import jax
    _d = setup_inputs()
    print(jax.jit(kernel)(*tuple(_d.values())))

</pallas_src>

<mosaic_0001>
#map = affine_map<(d0, d1) -> (0, 0, 0)>
#map1 = affine_map<(d0, d1) -> (0, 0)>
module attributes {stable_mosaic.version = 14 : i64} {
  func.func @sel(%arg0: i32, %arg1: i32, %arg2: memref<16x1024x1024xf32, #tpu.memory_space<hbm>>, %arg3: memref<16384x128xf32, #tpu.memory_space<hbm>>, %arg4: memref<16x1024x128xf32, #tpu.memory_space<hbm>>, %arg5: memref<16x1024x128xf32, #tpu.memory_space<hbm>>, %arg6: memref<16x1024x128xf32, #tpu.memory_space<hbm>>, %arg7: memref<32x1024xi32, #tpu.memory_space<hbm>>, %arg8: memref<2x8x1024xf32, #tpu.memory_space<vmem>>, %arg9: memref<1024xi32, #tpu.memory_space<vmem>>, %arg10: memref<2x56xi32, #tpu.memory_space<vmem>>, %arg11: memref<2x48x128xf32, #tpu.memory_space<vmem>>, %arg12: memref<2x8x128xf32, #tpu.memory_space<vmem>>, %arg13: memref<2x8x128xf32, #tpu.memory_space<vmem>>, %arg14: memref<2x8x128xf32, #tpu.memory_space<vmem>>, %arg15: memref<1024xi32, #tpu.memory_space<vmem>>, %arg16: memref<!tpu.dma_semaphore, #tpu.memory_space<semaphore_mem>>, %arg17: memref<!tpu.dma_semaphore, #tpu.memory_space<semaphore_mem>>, %arg18: memref<!tpu.dma_semaphore, #tpu.memory_space<semaphore_mem>>) attributes {dimension_semantics = [#tpu.dimension_semantics<core_parallel>, #tpu.dimension_semantics<subcore_parallel>], iteration_bounds = array<i64: 2, 16>, scalar_prefetch = 0 : i64, scratch_operands = 11 : i64, tpu.core_type = #tpu.core_type<sc_vector_subcore>, window_params = [{transform_indices = #map}, {transform_indices = #map1}, {transform_indices = #map}, {transform_indices = #map}, {transform_indices = #map}, {transform_indices = #map1}]} {
    %mul3A = arith.constant 2 : i32
    %mul3A_0 = arith.muli %arg1, %mul3A : i32
    %add3A = arith.addi %mul3A_0, %arg0 : i32
    %jit3A = arith.constant 2 : i32
    %div3A = arith.divsi %add3A, %jit3A : i32
    %sign3A = arith.constant 0 : i32
    %sign3A_1 = arith.cmpi sgt, %add3A, %sign3A : i32
    %sign3A_2 = arith.extui %sign3A_1 : i1 to i32
    %sign3A_3 = arith.constant 0 : i32
    %sign3A_4 = arith.cmpi slt, %add3A, %sign3A_3 : i32
    %sign3A_5 = arith.extui %sign3A_4 : i1 to i32
    %sign3A_6 = arith.subi %sign3A_2, %sign3A_5 : i32
    %sign3A_7 = arith.constant 0 : i32
    %sign3A_8 = arith.cmpi sgt, %jit3A, %sign3A_7 : i32
    %sign3A_9 = arith.extui %sign3A_8 : i1 to i32
    %sign3A_10 = arith.constant 0 : i32
    %sign3A_11 = arith.cmpi slt, %jit3A, %sign3A_10 : i32
    %sign3A_12 = arith.extui %sign3A_11 : i1 to i32
    %sign3A_13 = arith.subi %sign3A_9, %sign3A_12 : i32
    %ne3A = arith.cmpi ne, %sign3A_6, %sign3A_13 : i32
    %rem3A = arith.remsi %add3A, %jit3A : i32
    %ne3A_14 = arith.constant 0 : i32
    %ne3A_15 = arith.cmpi ne, %rem3A, %ne3A_14 : i32
    %and3A = arith.andi %ne3A, %ne3A_15 : i1
    %sub3A = arith.constant 1 : i32
    %sub3A_16 = arith.subi %div3A, %sub3A : i32
    %select_n3A = arith.select %and3A, %sub3A_16, %div3A : i32
    %jit3A_17 = arith.constant 2 : i32
    %eq3A = arith.constant 0 : i32
    %eq3A_18 = arith.cmpi eq, %jit3A_17, %eq3A : i32
    %jit3A_19 = arith.constant 1 : i32
    %select_n3A_20 = arith.select %eq3A_18, %jit3A_19, %jit3A_17 : i32
    %rem3A_21 = arith.remsi %add3A, %select_n3A_20 : i32
    %ne3A_22 = arith.constant 0 : i32
    %ne3A_23 = arith.cmpi ne, %rem3A_21, %ne3A_22 : i32
    %lt3A = arith.constant 0 : i32
    %lt3A_24 = arith.cmpi slt, %rem3A_21, %lt3A : i32
    %lt3A_25 = arith.constant 0 : i32
    %lt3A_26 = arith.cmpi slt, %select_n3A_20, %lt3A_25 : i32
    %ne3A_27 = arith.xori %lt3A_24, %lt3A_26 : i1
    %and3A_28 = arith.andi %ne3A_27, %ne3A_23 : i1
    %add3A_29 = arith.addi %rem3A_21, %select_n3A_20 : i32
    %select_n3A_30 = arith.select %and3A_28, %add3A_29, %rem3A_21 : i32
    %mul3A_31 = arith.constant 512 : i32
    %mul3A_32 = arith.muli %select_n3A_30, %mul3A_31 : i32
    %iota3A = tpu.iota {dimensions = array<i32: 0>} : vector<16xi32>
    %broadcast_in_dim3A = arith.constant 0 : i32
    %broadcast_in_dim3A_33 = vector.broadcast %broadcast_in_dim3A : i32 to vector<16xi32>
    %broadcast_in_dim3A_34 = arith.constant 1 : i32
    %broadcast_in_dim3A_35 = vector.broadcast %broadcast_in_dim3A_34 : i32 to vector<16xi32>
    %ge3A = arith.constant 12 : i32
    %ge3A_36 = vector.broadcast %ge3A : i32 to vector<16xi32>
    %ge3A_37 = arith.cmpi sge, %iota3A, %ge3A_36 : vector<16xi32>
    %add3A_38 = arith.constant 0 : i32
    %add3A_39 = vector.broadcast %add3A_38 : i32 to vector<16xi32>
    %add3A_40 = arith.addi %iota3A, %add3A_39 : vector<16xi32>
    %swap3A = arith.constant 0 : index
    %swap3A_41 = tpu.vector_load %arg9[%swap3A] {strides = array<i32>} : memref<1024xi32, #tpu.memory_space<vmem>>, vector<16xi32>,
    tpu.vector_store %arg9[%swap3A], %add3A_40 {strides = array<i32>} : memref<1024xi32, #tpu.memory_space<vmem>>, vector<16xi32>,
    %swap3A_42 = arith.constant 0 : index
    %swap3A_43 = tpu.vector_load %arg15[%swap3A_42] {strides = array<i32>} : memref<1024xi32, #tpu.memory_space<vmem>>, vector<16xi32>,
    tpu.vector_store %arg15[%swap3A_42], %broadcast_in_dim3A_33 {strides = array<i32>} : memref<1024xi32, #tpu.memory_space<vmem>>, vector<16xi32>,
    %add3A_44 = arith.constant 16 : i32
    %add3A_45 = vector.broadcast %add3A_44 : i32 to vector<16xi32>
    %add3A_46 = arith.addi %iota3A, %add3A_45 : vector<16xi32>
    %swap3A_47 = arith.constant 16 : index
    %swap3A_48 = tpu.vector_load %arg9[%swap3A_47] {strides = array<i32>} : memref<1024xi32, #tpu.memory_space<vmem>>, vector<16xi32>,
    tpu.vector_store %arg9[%swap3A_47], %add3A_46 {strides = array<i32>} : memref<1024xi32, #tpu.memory_space<vmem>>, vector<16xi32>,
    %swap3A_49 = arith.constant 16 : index
    %swap3A_50 = tpu.vector_load %arg15[%swap3A_49] {strides = array<i32>} : memref<1024xi32, #tpu.memory_space<vmem>>, vector<16xi32>,
    tpu.vector_store %arg15[%swap3A_49], %broadcast_in_dim3A_33 {strides = array<i32>} : memref<1024xi32, #tpu.memory_space<vmem>>, vector<16xi32>,
    %add3A_51 = arith.constant 32 : i32
    %add3A_52 = vector.broadcast %add3A_51 : i32 to vector<16xi32>
    %add3A_53 = arith.addi %iota3A, %add3A_52 : vector<16xi32>
    %swap3A_54 = arith.constant 32 : index
    %swap3A_55 = tpu.vector_load %arg9[%swap3A_54] {strides = array<i32>} : memref<1024xi32, #tpu.memory_space<vmem>>, vector<16xi32>,
    tpu.vector_store %arg9[%swap3A_54], %add3A_53 {strides = array<i32>} : memref<1024xi32, #tpu.memory_space<vmem>>, vector<16xi32>,
    %swap3A_56 = arith.constant 32 : index
    %swap3A_57 = tpu.vector_load %arg15[%swap3A_56] {strides = array<i32>} : memref<1024xi32, #tpu.memory_space<vmem>>, vector<16xi32>,
    tpu.vector_store %arg15[%swap3A_56], %broadcast_in_dim3A_33 {strides = array<i32>} : memref<1024xi32, #tpu.memory_space<vmem>>, vector<16xi32>,
    %add3A_58 = arith.constant 48 : i32
    %add3A_59 = vector.broadcast %add3A_58 : i32 to vector<16xi32>
    %add3A_60 = arith.addi %iota3A, %add3A_59 : vector<16xi32>
    %swap3A_61 = arith.constant 48 : index
    %swap3A_62 = tpu.vector_load %arg9[%swap3A_61] {strides = array<i32>} : memref<1024xi32, #tpu.memory_space<vmem>>, vector<16xi32>,
    tpu.vector_store %arg9[%swap3A_61], %add3A_60 {strides = array<i32>} : memref<1024xi32, #tpu.memory_space<vmem>>, vector<16xi32>,
    %swap3A_63 = arith.constant 48 : index
    %swap3A_64 = tpu.vector_load %arg15[%swap3A_63] {strides = array<i32>} : memref<1024xi32, #tpu.memory_space<vmem>>, vector<16xi32>,
    tpu.vector_store %arg15[%swap3A_63], %broadcast_in_dim3A_33 {strides = array<i32>} : memref<1024xi32, #tpu.memory_space<vmem>>, vector<16xi32>,
    %add3A_65 = arith.constant 64 : i32
    %add3A_66 = vector.broadcast %add3A_65 : i32 to vector<16xi32>
    %add3A_67 = arith.addi %iota3A, %add3A_66 : vector<16xi32>
    %swap3A_68 = arith.constant 64 : index
    %swap3A_69 = tpu.vector_load %arg9[%swap3A_68] {strides = array<i32>} : memref<1024xi32, #tpu.memory_space<vmem>>, vector<16xi32>,
    tpu.vector_store %arg9[%swap3A_68], %add3A_67 {strides = array<i32>} : memref<1024xi32, #tpu.memory_space<vmem>>, vector<16xi32>,
    %swap3A_70 = arith.constant 64 : index
    %swap3A_71 = tpu.vector_load %arg15[%swap3A_70] {strides = array<i32>} : memref<1024xi32, #tpu.memory_space<vmem>>, vector<16xi32>,
    tpu.vector_store %arg15[%swap3A_70], %broadcast_in_dim3A_33 {strides = array<i32>} : memref<1024xi32, #tpu.memory_space<vmem>>, vector<16xi32>,
    %add3A_72 = arith.constant 80 : i32
    %add3A_73 = vector.broadcast %add3A_72 : i32 to vector<16xi32>
    %add3A_74 = arith.addi %iota3A, %add3A_73 : vector<16xi32>
    %swap3A_75 = arith.constant 80 : index
    %swap3A_76 = tpu.vector_load %arg9[%swap3A_75] {strides = array<i32>} : memref<1024xi32, #tpu.memory_space<vmem>>, vector<16xi32>,
    tpu.vector_store %arg9[%swap3A_75], %add3A_74 {strides = array<i32>} : memref<1024xi32, #tpu.memory_space<vmem>>, vector<16xi32>,
    %swap3A_77 = arith.constant 80 : index
    %swap3A_78 = tpu.vector_load %arg15[%swap3A_77] {strides = array<i32>} : memref<1024xi32, #tpu.memory_space<vmem>>, vector<16xi32>,
    tpu.vector_store %arg15[%swap3A_77], %broadcast_in_dim3A_33 {strides = array<i32>} : memref<1024xi32, #tpu.memory_space<vmem>>, vector<16xi32>,
    %add3A_79 = arith.constant 96 : i32
    %add3A_80 = vector.broadcast %add3A_79 : i32 to vector<16xi32>
    %add3A_81 = arith.addi %iota3A, %add3A_80 : vector<16xi32>
    %swap3A_82 = arith.constant 96 : index
    %swap3A_83 = tpu.vector_load %arg9[%swap3A_82] {strides = array<i32>} : memref<1024xi32, #tpu.memory_space<vmem>>, vector<16xi32>,
    tpu.vector_store %arg9[%swap3A_82], %add3A_81 {strides = array<i32>} : memref<1024xi32, #tpu.memory_space<vmem>>, vector<16xi32>,
    %swap3A_84 = arith.constant 96 : index
    %swap3A_85 = tpu.vector_load %arg15[%swap3A_84] {strides = array<i32>} : memref<1024xi32, #tpu.memory_space<vmem>>, vector<16xi32>,
    tpu.vector_store %arg15[%swap3A_84], %broadcast_in_dim3A_33 {strides = array<i32>} : memref<1024xi32, #tpu.memory_space<vmem>>, vector<16xi32>,
    %add3A_86 = arith.constant 112 : i32
    %add3A_87 = vector.broadcast %add3A_86 : i32 to vector<16xi32>
    %add3A_88 = arith.addi %iota3A, %add3A_87 : vector<16xi32>
    %swap3A_89 = arith.constant 112 : index
    %swap3A_90 = tpu.vector_load %arg9[%swap3A_89] {strides = array<i32>} : memref<1024xi32, #tpu.memory_space<vmem>>, vector<16xi32>,
    tpu.vector_store %arg9[%swap3A_89], %add3A_88 {strides = array<i32>} : memref<1024xi32, #tpu.memory_space<vmem>>, vector<16xi32>,
    %swap3A_91 = arith.constant 112 : index
    %swap3A_92 = tpu.vector_load %arg15[%swap3A_91] {strides = array<i32>} : memref<1024xi32, #tpu.memory_space<vmem>>, vector<16xi32>,
    tpu.vector_store %arg15[%swap3A_91], %broadcast_in_dim3A_33 {strides = array<i32>} : memref<1024xi32, #tpu.memory_space<vmem>>, vector<16xi32>,
    %add3A_93 = arith.constant 128 : i32
    %add3A_94 = vector.broadcast %add3A_93 : i32 to vector<16xi32>
    %add3A_95 = arith.addi %iota3A, %add3A_94 : vector<16xi32>
    %swap3A_96 = arith.constant 128 : index
    %swap3A_97 = tpu.vector_load %arg9[%swap3A_96] {strides = array<i32>} : memref<1024xi32, #tpu.memory_space<vmem>>, vector<16xi32>,
    tpu.vector_store %arg9[%swap3A_96], %add3A_95 {strides = array<i32>} : memref<1024xi32, #tpu.memory_space<vmem>>, vector<16xi32>,
    %swap3A_98 = arith.constant 128 : index
    %swap3A_99 = tpu.vector_load %arg15[%swap3A_98] {strides = array<i32>} : memref<1024xi32, #tpu.memory_space<vmem>>, vector<16xi32>,
    tpu.vector_store %arg15[%swap3A_98], %broadcast_in_dim3A_33 {strides = array<i32>} : memref<1024xi32, #tpu.memory_space<vmem>>, vector<16xi32>,
    %add3A_100 = arith.constant 144 : i32
    %add3A_101 = vector.broadcast %add3A_100 : i32 to vector<16xi32>
    %add3A_102 = arith.addi %iota3A, %add3A_101 : vector<16xi32>
    %swap3A_103 = arith.constant 144 : index
    %swap3A_104 = tpu.vector_load %arg9[%swap3A_103] {strides = array<i32>} : memref<1024xi32, #tpu.memory_space<vmem>>, vector<16xi32>,
    tpu.vector_store %arg9[%swap3A_103], %add3A_102 {strides = array<i32>} : memref<1024xi32, #tpu.memory_space<vmem>>, vector<16xi32>,
    %swap3A_105 = arith.constant 144 : index
    %swap3A_106 = tpu.vector_load %arg15[%swap3A_105] {strides = array<i32>} : memref<1024xi32, #tpu.memory_space<vmem>>, vector<16xi32>,
    tpu.vector_store %arg15[%swap3A_105], %broadcast_in_dim3A_33 {strides = array<i32>} : memref<1024xi32, #tpu.memory_space<vmem>>, vector<16xi32>,
    %add3A_107 = arith.constant 160 : i32
    %add3A_108 = vector.broadcast %add3A_107 : i32 to vector<16xi32>
    %add3A_109 = arith.addi %iota3A, %add3A_108 : vector<16xi32>
    %swap3A_110 = arith.constant 160 : index
    %swap3A_111 = tpu.vector_load %arg9[%swap3A_110] {strides = array<i32>} : memref<1024xi32, #tpu.memory_space<vmem>>, vector<16xi32>,
    tpu.vector_store %arg9[%swap3A_110], %add3A_109 {strides = array<i32>} : memref<1024xi32, #tpu.memory_space<vmem>>, vector<16xi32>,
    %swap3A_112 = arith.constant 160 : index
    %swap3A_113 = tpu.vector_load %arg15[%swap3A_112] {strides = array<i32>} : memref<1024xi32, #tpu.memory_space<vmem>>, vector<16xi32>,
    tpu.vector_store %arg15[%swap3A_112], %broadcast_in_dim3A_33 {strides = array<i32>} : memref<1024xi32, #tpu.memory_space<vmem>>, vector<16xi32>,
    %add3A_114 = arith.constant 176 : i32
    %add3A_115 = vector.broadcast %add3A_114 : i32 to vector<16xi32>
    %add3A_116 = arith.addi %iota3A, %add3A_115 : vector<16xi32>
    %swap3A_117 = arith.constant 176 : index
    %swap3A_118 = tpu.vector_load %arg9[%swap3A_117] {strides = array<i32>} : memref<1024xi32, #tpu.memory_space<vmem>>, vector<16xi32>,
    tpu.vector_store %arg9[%swap3A_117], %add3A_116 {strides = array<i32>} : memref<1024xi32, #tpu.memory_space<vmem>>, vector<16xi32>,
    %swap3A_119 = arith.constant 176 : index
    %swap3A_120 = tpu.vector_load %arg15[%swap3A_119] {strides = array<i32>} : memref<1024xi32, #tpu.memory_space<vmem>>, vector<16xi32>,
    tpu.vector_store %arg15[%swap3A_119], %broadcast_in_dim3A_33 {strides = array<i32>} : memref<1024xi32, #tpu.memory_space<vmem>>, vector<16xi32>,
    %add3A_121 = arith.constant 192 : i32
    %add3A_122 = vector.broadcast %add3A_121 : i32 to vector<16xi32>
    %add3A_123 = arith.addi %iota3A, %add3A_122 : vector<16xi32>
    %swap3A_124 = arith.constant 192 : index
    %swap3A_125 = tpu.vector_load %arg9[%swap3A_124] {strides = array<i32>} : memref<1024xi32, #tpu.memory_space<vmem>>, vector<16xi32>,
    tpu.vector_store %arg9[%swap3A_124], %add3A_123 {strides = array<i32>} : memref<1024xi32, #tpu.memory_space<vmem>>, vector<16xi32>,
    %swap3A_126 = arith.constant 192 : index
    %swap3A_127 = tpu.vector_load %arg15[%swap3A_126] {strides = array<i32>} : memref<1024xi32, #tpu.memory_space<vmem>>, vector<16xi32>,
    tpu.vector_store %arg15[%swap3A_126], %broadcast_in_dim3A_33 {strides = array<i32>} : memref<1024xi32, #tpu.memory_space<vmem>>, vector<16xi32>,
    %add3A_128 = arith.constant 208 : i32
    %add3A_129 = vector.broadcast %add3A_128 : i32 to vector<16xi32>
    %add3A_130 = arith.addi %iota3A, %add3A_129 : vector<16xi32>
    %swap3A_131 = arith.constant 208 : index
    %swap3A_132 = tpu.vector_load %arg9[%swap3A_131] {strides = array<i32>} : memref<1024xi32, #tpu.memory_space<vmem>>, vector<16xi32>,
    tpu.vector_store %arg9[%swap3A_131], %add3A_130 {strides = array<i32>} : memref<1024xi32, #tpu.memory_space<vmem>>, vector<16xi32>,
    %swap3A_133 = arith.constant 208 : index
    %swap3A_134 = tpu.vector_load %arg15[%swap3A_133] {strides = array<i32>} : memref<1024xi32, #tpu.memory_space<vmem>>, vector<16xi32>,
    tpu.vector_store %arg15[%swap3A_133], %broadcast_in_dim3A_33 {strides = array<i32>} : memref<1024xi32, #tpu.memory_space<vmem>>, vector<16xi32>,
    %add3A_135 = arith.constant 224 : i32
    %add3A_136 = vector.broadcast %add3A_135 : i32 to vector<16xi32>
    %add3A_137 = arith.addi %iota3A, %add3A_136 : vector<16xi32>
    %swap3A_138 = arith.constant 224 : index
    %swap3A_139 = tpu.vector_load %arg9[%swap3A_138] {strides = array<i32>} : memref<1024xi32, #tpu.memory_space<vmem>>, vector<16xi32>,
    tpu.vector_store %arg9[%swap3A_138], %add3A_137 {strides = array<i32>} : memref<1024xi32, #tpu.memory_space<vmem>>, vector<16xi32>,
    %swap3A_140 = arith.constant 224 : index
    %swap3A_141 = tpu.vector_load %arg15[%swap3A_140] {strides = array<i32>} : memref<1024xi32, #tpu.memory_space<vmem>>, vector<16xi32>,
    tpu.vector_store %arg15[%swap3A_140], %broadcast_in_dim3A_33 {strides = array<i32>} : memref<1024xi32, #tpu.memory_space<vmem>>, vector<16xi32>,
    %add3A_142 = arith.constant 240 : i32
    %add3A_143 = vector.broadcast %add3A_142 : i32 to vector<16xi32>
    %add3A_144 = arith.addi %iota3A, %add3A_143 : vector<16xi32>
    %swap3A_145 = arith.constant 240 : index
    %swap3A_146 = tpu.vector_load %arg9[%swap3A_145] {strides = array<i32>} : memref<1024xi32, #tpu.memory_space<vmem>>, vector<16xi32>,
    tpu.vector_store %arg9[%swap3A_145], %add3A_144 {strides = array<i32>} : memref<1024xi32, #tpu.memory_space<vmem>>, vector<16xi32>,
    %swap3A_147 = arith.constant 240 : index
    %swap3A_148 = tpu.vector_load %arg15[%swap3A_147] {strides = array<i32>} : memref<1024xi32, #tpu.memory_space<vmem>>, vector<16xi32>,
    tpu.vector_store %arg15[%swap3A_147], %broadcast_in_dim3A_33 {strides = array<i32>} : memref<1024xi32, #tpu.memory_space<vmem>>, vector<16xi32>,
    %add3A_149 = arith.constant 256 : i32
    %add3A_150 = vector.broadcast %add3A_149 : i32 to vector<16xi32>
    %add3A_151 = arith.addi %iota3A, %add3A_150 : vector<16xi32>
    %swap3A_152 = arith.constant 256 : index
    %swap3A_153 = tpu.vector_load %arg9[%swap3A_152] {strides = array<i32>} : memref<1024xi32, #tpu.memory_space<vmem>>, vector<16xi32>,
    tpu.vector_store %arg9[%swap3A_152], %add3A_151 {strides = array<i32>} : memref<1024xi32, #tpu.memory_space<vmem>>, vector<16xi32>,
    %swap3A_154 = arith.constant 256 : index
    %swap3A_155 = tpu.vector_load %arg15[%swap3A_154] {strides = array<i32>} : memref<1024xi32, #tpu.memory_space<vmem>>, vector<16xi32>,
    tpu.vector_store %arg15[%swap3A_154], %broadcast_in_dim3A_33 {strides = array<i32>} : memref<1024xi32, #tpu.memory_space<vmem>>, vector<16xi32>,
    %add3A_156 = arith.constant 272 : i32
    %add3A_157 = vector.broadcast %add3A_156 : i32 to vector<16xi32>
    %add3A_158 = arith.addi %iota3A, %add3A_157 : vector<16xi32>
    %swap3A_159 = arith.constant 272 : index
    %swap3A_160 = tpu.vector_load %arg9[%swap3A_159] {strides = array<i32>} : memref<1024xi32, #tpu.memory_space<vmem>>, vector<16xi32>,
    tpu.vector_store %arg9[%swap3A_159], %add3A_158 {strides = array<i32>} : memref<1024xi32, #tpu.memory_space<vmem>>, vector<16xi32>,
    %swap3A_161 = arith.constant 272 : index
    %swap3A_162 = tpu.vector_load %arg15[%swap3A_161] {strides = array<i32>} : memref<1024xi32, #tpu.memory_space<vmem>>, vector<16xi32>,
    tpu.vector_store %arg15[%swap3A_161], %broadcast_in_dim3A_33 {strides = array<i32>} : memref<1024xi32, #tpu.memory_space<vmem>>, vector<16xi32>,
    %add3A_163 = arith.constant 288 : i32
    %add3A_164 = vector.broadcast %add3A_163 : i32 to vector<16xi32>
    %add3A_165 = arith.addi %iota3A, %add3A_164 : vector<16xi32>
    %swap3A_166 = arith.constant 288 : index
    %swap3A_167 = tpu.vector_load %arg9[%swap3A_166] {strides = array<i32>} : memref<1024xi32, #tpu.memory_space<vmem>>, vector<16xi32>,
    tpu.vector_store %arg9[%swap3A_166], %add3A_165 {strides = array<i32>} : memref<1024xi32, #tpu.memory_space<vmem>>, vector<16xi32>,
    %swap3A_168 = arith.constant 288 : index
    %swap3A_169 = tpu.vector_load %arg15[%swap3A_168] {strides = array<i32>} : memref<1024xi32, #tpu.memory_space<vmem>>, vector<16xi32>,
    tpu.vector_store %arg15[%swap3A_168], %broadcast_in_dim3A_33 {strides = array<i32>} : memref<1024xi32, #tpu.memory_space<vmem>>, vector<16xi32>,
    %add3A_170 = arith.constant 304 : i32
    %add3A_171 = vector.broadcast %add3A_170 : i32 to vector<16xi32>
    %add3A_172 = arith.addi %iota3A, %add3A_171 : vector<16xi32>
    %swap3A_173 = arith.constant 304 : index
    %swap3A_174 = tpu.vector_load %arg9[%swap3A_173] {strides = array<i32>} : memref<1024xi32, #tpu.memory_space<vmem>>, vector<16xi32>,
    tpu.vector_store %arg9[%swap3A_173], %add3A_172 {strides = array<i32>} : memref<1024xi32, #tpu.memory_space<vmem>>, vector<16xi32>,
    %swap3A_175 = arith.constant 304 : index
    %swap3A_176 = tpu.vector_load %arg15[%swap3A_175] {strides = array<i32>} : memref<1024xi32, #tpu.memory_space<vmem>>, vector<16xi32>,
    tpu.vector_store %arg15[%swap3A_175], %broadcast_in_dim3A_33 {strides = array<i32>} : memref<1024xi32, #tpu.memory_space<vmem>>, vector<16xi32>,
    %add3A_177 = arith.constant 320 : i32
    %add3A_178 = vector.broadcast %add3A_177 : i32 to vector<16xi32>
    %add3A_179 = arith.addi %iota3A, %add3A_178 : vector<16xi32>
    %swap3A_180 = arith.constant 320 : index
    %swap3A_181 = tpu.vector_load %arg9[%swap3A_180] {strides = array<i32>} : memref<1024xi32, #tpu.memory_space<vmem>>, vector<16xi32>,
    tpu.vector_store %arg9[%swap3A_180], %add3A_179 {strides = array<i32>} : memref<1024xi32, #tpu.memory_space<vmem>>, vector<16xi32>,
    %swap3A_182 = arith.constant 320 : index
    %swap3A_183 = tpu.vector_load %arg15[%swap3A_182] {strides = array<i32>} : memref<1024xi32, #tpu.memory_space<vmem>>, vector<16xi32>,
    tpu.vector_store %arg15[%swap3A_182], %broadcast_in_dim3A_33 {strides = array<i32>} : memref<1024xi32, #tpu.memory_space<vmem>>, vector<16xi32>,
    %add3A_184 = arith.constant 336 : i32
    %add3A_185 = vector.broadcast %add3A_184 : i32 to vector<16xi32>
    %add3A_186 = arith.addi %iota3A, %add3A_185 : vector<16xi32>
    %swap3A_187 = arith.constant 336 : index
    %swap3A_188 = tpu.vector_load %arg9[%swap3A_187] {strides = array<i32>} : memref<1024xi32, #tpu.memory_space<vmem>>, vector<16xi32>,
    tpu.vector_store %arg9[%swap3A_187], %add3A_186 {strides = array<i32>} : memref<1024xi32, #tpu.memory_space<vmem>>, vector<16xi32>,
    %swap3A_189 = arith.constant 336 : index
    %swap3A_190 = tpu.vector_load %arg15[%swap3A_189] {strides = array<i32>} : memref<1024xi32, #tpu.memory_space<vmem>>, vector<16xi32>,
    tpu.vector_store %arg15[%swap3A_189], %broadcast_in_dim3A_33 {strides = array<i32>} : memref<1024xi32, #tpu.memory_space<vmem>>, vector<16xi32>,
    %add3A_191 = arith.constant 352 : i32
    %add3A_192 = vector.broadcast %add3A_191 : i32 to vector<16xi32>
    %add3A_193 = arith.addi %iota3A, %add3A_192 : vector<16xi32>
    %swap3A_194 = arith.constant 352 : index
    %swap3A_195 = tpu.vector_load %arg9[%swap3A_194] {strides = array<i32>} : memref<1024xi32, #tpu.memory_space<vmem>>, vector<16xi32>,
    tpu.vector_store %arg9[%swap3A_194], %add3A_193 {strides = array<i32>} : memref<1024xi32, #tpu.memory_space<vmem>>, vector<16xi32>,
    %swap3A_196 = arith.constant 352 : index
    %swap3A_197 = tpu.vector_load %arg15[%swap3A_196] {strides = array<i32>} : memref<1024xi32, #tpu.memory_space<vmem>>, vector<16xi32>,
    tpu.vector_store %arg15[%swap3A_196], %broadcast_in_dim3A_33 {strides = array<i32>} : memref<1024xi32, #tpu.memory_space<vmem>>, vector<16xi32>,
    %add3A_198 = arith.constant 368 : i32
    %add3A_199 = vector.broadcast %add3A_198 : i32 to vector<16xi32>
    %add3A_200 = arith.addi %iota3A, %add3A_199 : vector<16xi32>
    %swap3A_201 = arith.constant 368 : index
    %swap3A_202 = tpu.vector_load %arg9[%swap3A_201] {strides = array<i32>} : memref<1024xi32, #tpu.memory_space<vmem>>, vector<16xi32>,
    tpu.vector_store %arg9[%swap3A_201], %add3A_200 {strides = array<i32>} : memref<1024xi32, #tpu.memory_space<vmem>>, vector<16xi32>,
    %swap3A_203 = arith.constant 368 : index
    %swap3A_204 = tpu.vector_load %arg15[%swap3A_203] {strides = array<i32>} : memref<1024xi32, #tpu.memory_space<vmem>>, vector<16xi32>,
    tpu.vector_store %arg15[%swap3A_203], %broadcast_in_dim3A_33 {strides = array<i32>} : memref<1024xi32, #tpu.memory_space<vmem>>, vector<16xi32>,
    %add3A_205 = arith.constant 384 : i32
    %add3A_206 = vector.broadcast %add3A_205 : i32 to vector<16xi32>
    %add3A_207 = arith.addi %iota3A, %add3A_206 : vector<16xi32>
    %swap3A_208 = arith.constant 384 : index
    %swap3A_209 = tpu.vector_load %arg9[%swap3A_208] {strides = array<i32>} : memref<1024xi32, #tpu.memory_space<vmem>>, vector<16xi32>,
    tpu.vector_store %arg9[%swap3A_208], %add3A_207 {strides = array<i32>} : memref<1024xi32, #tpu.memory_space<vmem>>, vector<16xi32>,
    %swap3A_210 = arith.constant 384 : index
    %swap3A_211 = tpu.vector_load %arg15[%swap3A_210] {strides = array<i32>} : memref<1024xi32, #tpu.memory_space<vmem>>, vector<16xi32>,
    tpu.vector_store %arg15[%swap3A_210], %broadcast_in_dim3A_33 {strides = array<i32>} : memref<1024xi32, #tpu.memory_space<vmem>>, vector<16xi32>,
    %add3A_212 = arith.constant 400 : i32
    %add3A_213 = vector.broadcast %add3A_212 : i32 to vector<16xi32>
    %add3A_214 = arith.addi %iota3A, %add3A_213 : vector<16xi32>
    %swap3A_215 = arith.constant 400 : index
    %swap3A_216 = tpu.vector_load %arg9[%swap3A_215] {strides = array<i32>} : memref<1024xi32, #tpu.memory_space<vmem>>, vector<16xi32>,
    tpu.vector_store %arg9[%swap3A_215], %add3A_214 {strides = array<i32>} : memref<1024xi32, #tpu.memory_space<vmem>>, vector<16xi32>,
    %swap3A_217 = arith.constant 400 : index
    %swap3A_218 = tpu.vector_load %arg15[%swap3A_217] {strides = array<i32>} : memref<1024xi32, #tpu.memory_space<vmem>>, vector<16xi32>,
    tpu.vector_store %arg15[%swap3A_217], %broadcast_in_dim3A_33 {strides = array<i32>} : memref<1024xi32, #tpu.memory_space<vmem>>, vector<16xi32>,
    %add3A_219 = arith.constant 416 : i32
    %add3A_220 = vector.broadcast %add3A_219 : i32 to vector<16xi32>
    %add3A_221 = arith.addi %iota3A, %add3A_220 : vector<16xi32>
    %swap3A_222 = arith.constant 416 : index
    %swap3A_223 = tpu.vector_load %arg9[%swap3A_222] {strides = array<i32>} : memref<1024xi32, #tpu.memory_space<vmem>>, vector<16xi32>,
    tpu.vector_store %arg9[%swap3A_222], %add3A_221 {strides = array<i32>} : memref<1024xi32, #tpu.memory_space<vmem>>, vector<16xi32>,
    %swap3A_224 = arith.constant 416 : index
    %swap3A_225 = tpu.vector_load %arg15[%swap3A_224] {strides = array<i32>} : memref<1024xi32, #tpu.memory_space<vmem>>, vector<16xi32>,
    tpu.vector_store %arg15[%swap3A_224], %broadcast_in_dim3A_33 {strides = array<i32>} : memref<1024xi32, #tpu.memory_space<vmem>>, vector<16xi32>,
    %add3A_226 = arith.constant 432 : i32
    %add3A_227 = vector.broadcast %add3A_226 : i32 to vector<16xi32>
    %add3A_228 = arith.addi %iota3A, %add3A_227 : vector<16xi32>
    %swap3A_229 = arith.constant 432 : index
    %swap3A_230 = tpu.vector_load %arg9[%swap3A_229] {strides = array<i32>} : memref<1024xi32, #tpu.memory_space<vmem>>, vector<16xi32>,
    tpu.vector_store %arg9[%swap3A_229], %add3A_228 {strides = array<i32>} : memref<1024xi32, #tpu.memory_space<vmem>>, vector<16xi32>,
    %swap3A_231 = arith.constant 432 : index
    %swap3A_232 = tpu.vector_load %arg15[%swap3A_231] {strides = array<i32>} : memref<1024xi32, #tpu.memory_space<vmem>>, vector<16xi32>,
    tpu.vector_store %arg15[%swap3A_231], %broadcast_in_dim3A_33 {strides = array<i32>} : memref<1024xi32, #tpu.memory_space<vmem>>, vector<16xi32>,
    %add3A_233 = arith.constant 448 : i32
    %add3A_234 = vector.broadcast %add3A_233 : i32 to vector<16xi32>
    %add3A_235 = arith.addi %iota3A, %add3A_234 : vector<16xi32>
    %swap3A_236 = arith.constant 448 : index
    %swap3A_237 = tpu.vector_load %arg9[%swap3A_236] {strides = array<i32>} : memref<1024xi32, #tpu.memory_space<vmem>>, vector<16xi32>,
    tpu.vector_store %arg9[%swap3A_236], %add3A_235 {strides = array<i32>} : memref<1024xi32, #tpu.memory_space<vmem>>, vector<16xi32>,
    %swap3A_238 = arith.constant 448 : index
    %swap3A_239 = tpu.vector_load %arg15[%swap3A_238] {strides = array<i32>} : memref<1024xi32, #tpu.memory_space<vmem>>, vector<16xi32>,
    tpu.vector_store %arg15[%swap3A_238], %broadcast_in_dim3A_33 {strides = array<i32>} : memref<1024xi32, #tpu.memory_space<vmem>>, vector<16xi32>,
    %add3A_240 = arith.constant 464 : i32
    %add3A_241 = vector.broadcast %add3A_240 : i32 to vector<16xi32>
    %add3A_242 = arith.addi %iota3A, %add3A_241 : vector<16xi32>
    %swap3A_243 = arith.constant 464 : index
    %swap3A_244 = tpu.vector_load %arg9[%swap3A_243] {strides = array<i32>} : memref<1024xi32, #tpu.memory_space<vmem>>, vector<16xi32>,
    tpu.vector_store %arg9[%swap3A_243], %add3A_242 {strides = array<i32>} : memref<1024xi32, #tpu.memory_space<vmem>>, vector<16xi32>,
    %swap3A_245 = arith.constant 464 : index
    %swap3A_246 = tpu.vector_load %arg15[%swap3A_245] {strides = array<i32>} : memref<1024xi32, #tpu.memory_space<vmem>>, vector<16xi32>,
    tpu.vector_store %arg15[%swap3A_245], %broadcast_in_dim3A_33 {strides = array<i32>} : memref<1024xi32, #tpu.memory_space<vmem>>, vector<16xi32>,
    %add3A_247 = arith.constant 480 : i32
    %add3A_248 = vector.broadcast %add3A_247 : i32 to vector<16xi32>
    %add3A_249 = arith.addi %iota3A, %add3A_248 : vector<16xi32>
    %swap3A_250 = arith.constant 480 : index
    %swap3A_251 = tpu.vector_load %arg9[%swap3A_250] {strides = array<i32>} : memref<1024xi32, #tpu.memory_space<vmem>>, vector<16xi32>,
    tpu.vector_store %arg9[%swap3A_250], %add3A_249 {strides = array<i32>} : memref<1024xi32, #tpu.memory_space<vmem>>, vector<16xi32>,
    %swap3A_252 = arith.constant 480 : index
    %swap3A_253 = tpu.vector_load %arg15[%swap3A_252] {strides = array<i32>} : memref<1024xi32, #tpu.memory_space<vmem>>, vector<16xi32>,
    tpu.vector_store %arg15[%swap3A_252], %broadcast_in_dim3A_33 {strides = array<i32>} : memref<1024xi32, #tpu.memory_space<vmem>>, vector<16xi32>,
    %add3A_254 = arith.constant 496 : i32
    %add3A_255 = vector.broadcast %add3A_254 : i32 to vector<16xi32>
    %add3A_256 = arith.addi %iota3A, %add3A_255 : vector<16xi32>
    %swap3A_257 = arith.constant 496 : index
    %swap3A_258 = tpu.vector_load %arg9[%swap3A_257] {strides = array<i32>} : memref<1024xi32, #tpu.memory_space<vmem>>, vector<16xi32>,
    tpu.vector_store %arg9[%swap3A_257], %add3A_256 {strides = array<i32>} : memref<1024xi32, #tpu.memory_space<vmem>>, vector<16xi32>,
    %swap3A_259 = arith.constant 496 : index
    %swap3A_260 = tpu.vector_load %arg15[%swap3A_259] {strides = array<i32>} : memref<1024xi32, #tpu.memory_space<vmem>>, vector<16xi32>,
    tpu.vector_store %arg15[%swap3A_259], %broadcast_in_dim3A_33 {strides = array<i32>} : memref<1024xi32, #tpu.memory_space<vmem>>, vector<16xi32>,
    %add3A_261 = arith.constant 512 : i32
    %add3A_262 = vector.broadcast %add3A_261 : i32 to vector<16xi32>
    %add3A_263 = arith.addi %iota3A, %add3A_262 : vector<16xi32>
    %swap3A_264 = arith.constant 512 : index
    %swap3A_265 = tpu.vector_load %arg9[%swap3A_264] {strides = array<i32>} : memref<1024xi32, #tpu.memory_space<vmem>>, vector<16xi32>,
    tpu.vector_store %arg9[%swap3A_264], %add3A_263 {strides = array<i32>} : memref<1024xi32, #tpu.memory_space<vmem>>, vector<16xi32>,
    %swap3A_266 = arith.constant 512 : index
    %swap3A_267 = tpu.vector_load %arg15[%swap3A_266] {strides = array<i32>} : memref<1024xi32, #tpu.memory_space<vmem>>, vector<16xi32>,
    tpu.vector_store %arg15[%swap3A_266], %broadcast_in_dim3A_33 {strides = array<i32>} : memref<1024xi32, #tpu.memory_space<vmem>>, vector<16xi32>,
    %add3A_268 = arith.constant 528 : i32
    %add3A_269 = vector.broadcast %add3A_268 : i32 to vector<16xi32>
    %add3A_270 = arith.addi %iota3A, %add3A_269 : vector<16xi32>
    %swap3A_271 = arith.constant 528 : index
    %swap3A_272 = tpu.vector_load %arg9[%swap3A_271] {strides = array<i32>} : memref<1024xi32, #tpu.memory_space<vmem>>, vector<16xi32>,
    tpu.vector_store %arg9[%swap3A_271], %add3A_270 {strides = array<i32>} : memref<1024xi32, #tpu.memory_space<vmem>>, vector<16xi32>,
    %swap3A_273 = arith.constant 528 : index
    %swap3A_274 = tpu.vector_load %arg15[%swap3A_273] {strides = array<i32>} : memref<1024xi32, #tpu.memory_space<vmem>>, vector<16xi32>,
    tpu.vector_store %arg15[%swap3A_273], %broadcast_in_dim3A_33 {strides = array<i32>} : memref<1024xi32, #tpu.memory_space<vmem>>, vector<16xi32>,
    %add3A_275 = arith.constant 544 : i32
    %add3A_276 = vector.broadcast %add3A_275 : i32 to vector<16xi32>
    %add3A_277 = arith.addi %iota3A, %add3A_276 : vector<16xi32>
    %swap3A_278 = arith.constant 544 : index
    %swap3A_279 = tpu.vector_load %arg9[%swap3A_278] {strides = array<i32>} : memref<1024xi32, #tpu.memory_space<vmem>>, vector<16xi32>,
    tpu.vector_store %arg9[%swap3A_278], %add3A_277 {strides = array<i32>} : memref<1024xi32, #tpu.memory_space<vmem>>, vector<16xi32>,
    %swap3A_280 = arith.constant 544 : index
    %swap3A_281 = tpu.vector_load %arg15[%swap3A_280] {strides = array<i32>} : memref<1024xi32, #tpu.memory_space<vmem>>, vector<16xi32>,
    tpu.vector_store %arg15[%swap3A_280], %broadcast_in_dim3A_33 {strides = array<i32>} : memref<1024xi32, #tpu.memory_space<vmem>>, vector<16xi32>,
    %add3A_282 = arith.constant 560 : i32
    %add3A_283 = vector.broadcast %add3A_282 : i32 to vector<16xi32>
    %add3A_284 = arith.addi %iota3A, %add3A_283 : vector<16xi32>
    %swap3A_285 = arith.constant 560 : index
    %swap3A_286 = tpu.vector_load %arg9[%swap3A_285] {strides = array<i32>} : memref<1024xi32, #tpu.memory_space<vmem>>, vector<16xi32>,
    tpu.vector_store %arg9[%swap3A_285], %add3A_284 {strides = array<i32>} : memref<1024xi32, #tpu.memory_space<vmem>>, vector<16xi32>,
    %swap3A_287 = arith.constant 560 : index
    %swap3A_288 = tpu.vector_load %arg15[%swap3A_287] {strides = array<i32>} : memref<1024xi32, #tpu.memory_space<vmem>>, vector<16xi32>,
    tpu.vector_store %arg15[%swap3A_287], %broadcast_in_dim3A_33 {strides = array<i32>} : memref<1024xi32, #tpu.memory_space<vmem>>, vector<16xi32>,
    %add3A_289 = arith.constant 576 : i32
    %add3A_290 = vector.broadcast %add3A_289 : i32 to vector<16xi32>
    %add3A_291 = arith.addi %iota3A, %add3A_290 : vector<16xi32>
    %swap3A_292 = arith.constant 576 : index
    %swap3A_293 = tpu.vector_load %arg9[%swap3A_292] {strides = array<i32>} : memref<1024xi32, #tpu.memory_space<vmem>>, vector<16xi32>,
    tpu.vector_store %arg9[%swap3A_292], %add3A_291 {strides = array<i32>} : memref<1024xi32, #tpu.memory_space<vmem>>, vector<16xi32>,
    %swap3A_294 = arith.constant 576 : index
    %swap3A_295 = tpu.vector_load %arg15[%swap3A_294] {strides = array<i32>} : memref<1024xi32, #tpu.memory_space<vmem>>, vector<16xi32>,
    tpu.vector_store %arg15[%swap3A_294], %broadcast_in_dim3A_33 {strides = array<i32>} : memref<1024xi32, #tpu.memory_space<vmem>>, vector<16xi32>,
    %add3A_296 = arith.constant 592 : i32
    %add3A_297 = vector.broadcast %add3A_296 : i32 to vector<16xi32>
    %add3A_298 = arith.addi %iota3A, %add3A_297 : vector<16xi32>
    %swap3A_299 = arith.constant 592 : index
    %swap3A_300 = tpu.vector_load %arg9[%swap3A_299] {strides = array<i32>} : memref<1024xi32, #tpu.memory_space<vmem>>, vector<16xi32>,
    tpu.vector_store %arg9[%swap3A_299], %add3A_298 {strides = array<i32>} : memref<1024xi32, #tpu.memory_space<vmem>>, vector<16xi32>,
    %swap3A_301 = arith.constant 592 : index
    %swap3A_302 = tpu.vector_load %arg15[%swap3A_301] {strides = array<i32>} : memref<1024xi32, #tpu.memory_space<vmem>>, vector<16xi32>,
    tpu.vector_store %arg15[%swap3A_301], %broadcast_in_dim3A_33 {strides = array<i32>} : memref<1024xi32, #tpu.memory_space<vmem>>, vector<16xi32>,
    %add3A_303 = arith.constant 608 : i32
    %add3A_304 = vector.broadcast %add3A_303 : i32 to vector<16xi32>
    %add3A_305 = arith.addi %iota3A, %add3A_304 : vector<16xi32>
    %swap3A_306 = arith.constant 608 : index
    %swap3A_307 = tpu.vector_load %arg9[%swap3A_306] {strides = array<i32>} : memref<1024xi32, #tpu.memory_space<vmem>>, vector<16xi32>,
    tpu.vector_store %arg9[%swap3A_306], %add3A_305 {strides = array<i32>} : memref<1024xi32, #tpu.memory_space<vmem>>, vector<16xi32>,
    %swap3A_308 = arith.constant 608 : index
    %swap3A_309 = tpu.vector_load %arg15[%swap3A_308] {strides = array<i32>} : memref<1024xi32, #tpu.memory_space<vmem>>, vector<16xi32>,
    tpu.vector_store %arg15[%swap3A_308], %broadcast_in_dim3A_33 {strides = array<i32>} : memref<1024xi32, #tpu.memory_space<vmem>>, vector<16xi32>,
    %add3A_310 = arith.constant 624 : i32
    %add3A_311 = vector.broadcast %add3A_310 : i32 to vector<16xi32>
    %add3A_312 = arith.addi %iota3A, %add3A_311 : vector<16xi32>
    %swap3A_313 = arith.constant 624 : index
    %swap3A_314 = tpu.vector_load %arg9[%swap3A_313] {strides = array<i32>} : memref<1024xi32, #tpu.memory_space<vmem>>, vector<16xi32>,
    tpu.vector_store %arg9[%swap3A_313], %add3A_312 {strides = array<i32>} : memref<1024xi32, #tpu.memory_space<vmem>>, vector<16xi32>,
    %swap3A_315 = arith.constant 624 : index
    %swap3A_316 = tpu.vector_load %arg15[%swap3A_315] {strides = array<i32>} : memref<1024xi32, #tpu.memory_space<vmem>>, vector<16xi32>,
    tpu.vector_store %arg15[%swap3A_315], %broadcast_in_dim3A_33 {strides = array<i32>} : memref<1024xi32, #tpu.memory_space<vmem>>, vector<16xi32>,
    %add3A_317 = arith.constant 640 : i32
    %add3A_318 = vector.broadcast %add3A_317 : i32 to vector<16xi32>
    %add3A_319 = arith.addi %iota3A, %add3A_318 : vector<16xi32>
    %swap3A_320 = arith.constant 640 : index
    %swap3A_321 = tpu.vector_load %arg9[%swap3A_320] {strides = array<i32>} : memref<1024xi32, #tpu.memory_space<vmem>>, vector<16xi32>,
    tpu.vector_store %arg9[%swap3A_320], %add3A_319 {strides = array<i32>} : memref<1024xi32, #tpu.memory_space<vmem>>, vector<16xi32>,
    %swap3A_322 = arith.constant 640 : index
    %swap3A_323 = tpu.vector_load %arg15[%swap3A_322] {strides = array<i32>} : memref<1024xi32, #tpu.memory_space<vmem>>, vector<16xi32>,
    tpu.vector_store %arg15[%swap3A_322], %broadcast_in_dim3A_33 {strides = array<i32>} : memref<1024xi32, #tpu.memory_space<vmem>>, vector<16xi32>,
    %add3A_324 = arith.constant 656 : i32
    %add3A_325 = vector.broadcast %add3A_324 : i32 to vector<16xi32>
    %add3A_326 = arith.addi %iota3A, %add3A_325 : vector<16xi32>
    %swap3A_327 = arith.constant 656 : index
    %swap3A_328 = tpu.vector_load %arg9[%swap3A_327] {strides = array<i32>} : memref<1024xi32, #tpu.memory_space<vmem>>, vector<16xi32>,
    tpu.vector_store %arg9[%swap3A_327], %add3A_326 {strides = array<i32>} : memref<1024xi32, #tpu.memory_space<vmem>>, vector<16xi32>,
    %swap3A_329 = arith.constant 656 : index
    %swap3A_330 = tpu.vector_load %arg15[%swap3A_329] {strides = array<i32>} : memref<1024xi32, #tpu.memory_space<vmem>>, vector<16xi32>,
    tpu.vector_store %arg15[%swap3A_329], %broadcast_in_dim3A_33 {strides = array<i32>} : memref<1024xi32, #tpu.memory_space<vmem>>, vector<16xi32>,
    %add3A_331 = arith.constant 672 : i32
    %add3A_332 = vector.broadcast %add3A_331 : i32 to vector<16xi32>
    %add3A_333 = arith.addi %iota3A, %add3A_332 : vector<16xi32>
    %swap3A_334 = arith.constant 672 : index
    %swap3A_335 = tpu.vector_load %arg9[%swap3A_334] {strides = array<i32>} : memref<1024xi32, #tpu.memory_space<vmem>>, vector<16xi32>,
    tpu.vector_store %arg9[%swap3A_334], %add3A_333 {strides = array<i32>} : memref<1024xi32, #tpu.memory_space<vmem>>, vector<16xi32>,
    %swap3A_336 = arith.constant 672 : index
    %swap3A_337 = tpu.vector_load %arg15[%swap3A_336] {strides = array<i32>} : memref<1024xi32, #tpu.memory_space<vmem>>, vector<16xi32>,
    tpu.vector_store %arg15[%swap3A_336], %broadcast_in_dim3A_33 {strides = array<i32>} : memref<1024xi32, #tpu.memory_space<vmem>>, vector<16xi32>,
    %add3A_338 = arith.constant 688 : i32
    %add3A_339 = vector.broadcast %add3A_338 : i32 to vector<16xi32>
    %add3A_340 = arith.addi %iota3A, %add3A_339 : vector<16xi32>
    %swap3A_341 = arith.constant 688 : index
    %swap3A_342 = tpu.vector_load %arg9[%swap3A_341] {strides = array<i32>} : memref<1024xi32, #tpu.memory_space<vmem>>, vector<16xi32>,
    tpu.vector_store %arg9[%swap3A_341], %add3A_340 {strides = array<i32>} : memref<1024xi32, #tpu.memory_space<vmem>>, vector<16xi32>,
    %swap3A_343 = arith.constant 688 : index
    %swap3A_344 = tpu.vector_load %arg15[%swap3A_343] {strides = array<i32>} : memref<1024xi32, #tpu.memory_space<vmem>>, vector<16xi32>,
    tpu.vector_store %arg15[%swap3A_343], %broadcast_in_dim3A_33 {strides = array<i32>} : memref<1024xi32, #tpu.memory_space<vmem>>, vector<16xi32>,
    %add3A_345 = arith.constant 704 : i32
    %add3A_346 = vector.broadcast %add3A_345 : i32 to vector<16xi32>
    %add3A_347 = arith.addi %iota3A, %add3A_346 : vector<16xi32>
    %swap3A_348 = arith.constant 704 : index
    %swap3A_349 = tpu.vector_load %arg9[%swap3A_348] {strides = array<i32>} : memref<1024xi32, #tpu.memory_space<vmem>>, vector<16xi32>,
    tpu.vector_store %arg9[%swap3A_348], %add3A_347 {strides = array<i32>} : memref<1024xi32, #tpu.memory_space<vmem>>, vector<16xi32>,
    %swap3A_350 = arith.constant 704 : index
    %swap3A_351 = tpu.vector_load %arg15[%swap3A_350] {strides = array<i32>} : memref<1024xi32, #tpu.memory_space<vmem>>, vector<16xi32>,
    tpu.vector_store %arg15[%swap3A_350], %broadcast_in_dim3A_33 {strides = array<i32>} : memref<1024xi32, #tpu.memory_space<vmem>>, vector<16xi32>,
    %add3A_352 = arith.constant 720 : i32
    %add3A_353 = vector.broadcast %add3A_352 : i32 to vector<16xi32>
    %add3A_354 = arith.addi %iota3A, %add3A_353 : vector<16xi32>
    %swap3A_355 = arith.constant 720 : index
    %swap3A_356 = tpu.vector_load %arg9[%swap3A_355] {strides = array<i32>} : memref<1024xi32, #tpu.memory_space<vmem>>, vector<16xi32>,
    tpu.vector_store %arg9[%swap3A_355], %add3A_354 {strides = array<i32>} : memref<1024xi32, #tpu.memory_space<vmem>>, vector<16xi32>,
    %swap3A_357 = arith.constant 720 : index
    %swap3A_358 = tpu.vector_load %arg15[%swap3A_357] {strides = array<i32>} : memref<1024xi32, #tpu.memory_space<vmem>>, vector<16xi32>,
    tpu.vector_store %arg15[%swap3A_357], %broadcast_in_dim3A_33 {strides = array<i32>} : memref<1024xi32, #tpu.memory_space<vmem>>, vector<16xi32>,
    %add3A_359 = arith.constant 736 : i32
    %add3A_360 = vector.broadcast %add3A_359 : i32 to vector<16xi32>
    %add3A_361 = arith.addi %iota3A, %add3A_360 : vector<16xi32>
    %swap3A_362 = arith.constant 736 : index
    %swap3A_363 = tpu.vector_load %arg9[%swap3A_362] {strides = array<i32>} : memref<1024xi32, #tpu.memory_space<vmem>>, vector<16xi32>,
    tpu.vector_store %arg9[%swap3A_362], %add3A_361 {strides = array<i32>} : memref<1024xi32, #tpu.memory_space<vmem>>, vector<16xi32>,
    %swap3A_364 = arith.constant 736 : index
    %swap3A_365 = tpu.vector_load %arg15[%swap3A_364] {strides = array<i32>} : memref<1024xi32, #tpu.memory_space<vmem>>, vector<16xi32>,
    tpu.vector_store %arg15[%swap3A_364], %broadcast_in_dim3A_33 {strides = array<i32>} : memref<1024xi32, #tpu.memory_space<vmem>>, vector<16xi32>,
    %add3A_366 = arith.constant 752 : i32
    %add3A_367 = vector.broadcast %add3A_366 : i32 to vector<16xi32>
    %add3A_368 = arith.addi %iota3A, %add3A_367 : vector<16xi32>
    %swap3A_369 = arith.constant 752 : index
    %swap3A_370 = tpu.vector_load %arg9[%swap3A_369] {strides = array<i32>} : memref<1024xi32, #tpu.memory_space<vmem>>, vector<16xi32>,
    tpu.vector_store %arg9[%swap3A_369], %add3A_368 {strides = array<i32>} : memref<1024xi32, #tpu.memory_space<vmem>>, vector<16xi32>,
    %swap3A_371 = arith.constant 752 : index
    %swap3A_372 = tpu.vector_load %arg15[%swap3A_371] {strides = array<i32>} : memref<1024xi32, #tpu.memory_space<vmem>>, vector<16xi32>,
    tpu.vector_store %arg15[%swap3A_371], %broadcast_in_dim3A_33 {strides = array<i32>} : memref<1024xi32, #tpu.memory_space<vmem>>, vector<16xi32>,
    %add3A_373 = arith.constant 768 : i32
    %add3A_374 = vector.broadcast %add3A_373 : i32 to vector<16xi32>
    %add3A_375 = arith.addi %iota3A, %add3A_374 : vector<16xi32>
    %swap3A_376 = arith.constant 768 : index
    %swap3A_377 = tpu.vector_load %arg9[%swap3A_376] {strides = array<i32>} : memref<1024xi32, #tpu.memory_space<vmem>>, vector<16xi32>,
    tpu.vector_store %arg9[%swap3A_376], %add3A_375 {strides = array<i32>} : memref<1024xi32, #tpu.memory_space<vmem>>, vector<16xi32>,
    %swap3A_378 = arith.constant 768 : index
    %swap3A_379 = tpu.vector_load %arg15[%swap3A_378] {strides = array<i32>} : memref<1024xi32, #tpu.memory_space<vmem>>, vector<16xi32>,
    tpu.vector_store %arg15[%swap3A_378], %broadcast_in_dim3A_33 {strides = array<i32>} : memref<1024xi32, #tpu.memory_space<vmem>>, vector<16xi32>,
    %add3A_380 = arith.constant 784 : i32
    %add3A_381 = vector.broadcast %add3A_380 : i32 to vector<16xi32>
    %add3A_382 = arith.addi %iota3A, %add3A_381 : vector<16xi32>
    %swap3A_383 = arith.constant 784 : index
    %swap3A_384 = tpu.vector_load %arg9[%swap3A_383] {strides = array<i32>} : memref<1024xi32, #tpu.memory_space<vmem>>, vector<16xi32>,
    tpu.vector_store %arg9[%swap3A_383], %add3A_382 {strides = array<i32>} : memref<1024xi32, #tpu.memory_space<vmem>>, vector<16xi32>,
    %swap3A_385 = arith.constant 784 : index
    %swap3A_386 = tpu.vector_load %arg15[%swap3A_385] {strides = array<i32>} : memref<1024xi32, #tpu.memory_space<vmem>>, vector<16xi32>,
    tpu.vector_store %arg15[%swap3A_385], %broadcast_in_dim3A_33 {strides = array<i32>} : memref<1024xi32, #tpu.memory_space<vmem>>, vector<16xi32>,
    %add3A_387 = arith.constant 800 : i32
    %add3A_388 = vector.broadcast %add3A_387 : i32 to vector<16xi32>
    %add3A_389 = arith.addi %iota3A, %add3A_388 : vector<16xi32>
    %swap3A_390 = arith.constant 800 : index
    %swap3A_391 = tpu.vector_load %arg9[%swap3A_390] {strides = array<i32>} : memref<1024xi32, #tpu.memory_space<vmem>>, vector<16xi32>,
    tpu.vector_store %arg9[%swap3A_390], %add3A_389 {strides = array<i32>} : memref<1024xi32, #tpu.memory_space<vmem>>, vector<16xi32>,
    %swap3A_392 = arith.constant 800 : index
    %swap3A_393 = tpu.vector_load %arg15[%swap3A_392] {strides = array<i32>} : memref<1024xi32, #tpu.memory_space<vmem>>, vector<16xi32>,
    tpu.vector_store %arg15[%swap3A_392], %broadcast_in_dim3A_33 {strides = array<i32>} : memref<1024xi32, #tpu.memory_space<vmem>>, vector<16xi32>,
    %add3A_394 = arith.constant 816 : i32
    %add3A_395 = vector.broadcast %add3A_394 : i32 to vector<16xi32>
    %add3A_396 = arith.addi %iota3A, %add3A_395 : vector<16xi32>
    %swap3A_397 = arith.constant 816 : index
    %swap3A_398 = tpu.vector_load %arg9[%swap3A_397] {strides = array<i32>} : memref<1024xi32, #tpu.memory_space<vmem>>, vector<16xi32>,
    tpu.vector_store %arg9[%swap3A_397], %add3A_396 {strides = array<i32>} : memref<1024xi32, #tpu.memory_space<vmem>>, vector<16xi32>,
    %swap3A_399 = arith.constant 816 : index
    %swap3A_400 = tpu.vector_load %arg15[%swap3A_399] {strides = array<i32>} : memref<1024xi32, #tpu.memory_space<vmem>>, vector<16xi32>,
    tpu.vector_store %arg15[%swap3A_399], %broadcast_in_dim3A_33 {strides = array<i32>} : memref<1024xi32, #tpu.memory_space<vmem>>, vector<16xi32>,
    %add3A_401 = arith.constant 832 : i32
    %add3A_402 = vector.broadcast %add3A_401 : i32 to vector<16xi32>
    %add3A_403 = arith.addi %iota3A, %add3A_402 : vector<16xi32>
    %swap3A_404 = arith.constant 832 : index
    %swap3A_405 = tpu.vector_load %arg9[%swap3A_404] {strides = array<i32>} : memref<1024xi32, #tpu.memory_space<vmem>>, vector<16xi32>,
    tpu.vector_store %arg9[%swap3A_404], %add3A_403 {strides = array<i32>} : memref<1024xi32, #tpu.memory_space<vmem>>, vector<16xi32>,
    %swap3A_406 = arith.constant 832 : index
    %swap3A_407 = tpu.vector_load %arg15[%swap3A_406] {strides = array<i32>} : memref<1024xi32, #tpu.memory_space<vmem>>, vector<16xi32>,
    tpu.vector_store %arg15[%swap3A_406], %broadcast_in_dim3A_33 {strides = array<i32>} : memref<1024xi32, #tpu.memory_space<vmem>>, vector<16xi32>,
    %add3A_408 = arith.constant 848 : i32
    %add3A_409 = vector.broadcast %add3A_408 : i32 to vector<16xi32>
    %add3A_410 = arith.addi %iota3A, %add3A_409 : vector<16xi32>
    %swap3A_411 = arith.constant 848 : index
    %swap3A_412 = tpu.vector_load %arg9[%swap3A_411] {strides = array<i32>} : memref<1024xi32, #tpu.memory_space<vmem>>, vector<16xi32>,
    tpu.vector_store %arg9[%swap3A_411], %add3A_410 {strides = array<i32>} : memref<1024xi32, #tpu.memory_space<vmem>>, vector<16xi32>,
    %swap3A_413 = arith.constant 848 : index
    %swap3A_414 = tpu.vector_load %arg15[%swap3A_413] {strides = array<i32>} : memref<1024xi32, #tpu.memory_space<vmem>>, vector<16xi32>,
    tpu.vector_store %arg15[%swap3A_413], %broadcast_in_dim3A_33 {strides = array<i32>} : memref<1024xi32, #tpu.memory_space<vmem>>, vector<16xi32>,
    %add3A_415 = arith.constant 864 : i32
    %add3A_416 = vector.broadcast %add3A_415 : i32 to vector<16xi32>
    %add3A_417 = arith.addi %iota3A, %add3A_416 : vector<16xi32>
    %swap3A_418 = arith.constant 864 : index
    %swap3A_419 = tpu.vector_load %arg9[%swap3A_418] {strides = array<i32>} : memref<1024xi32, #tpu.memory_space<vmem>>, vector<16xi32>,
    tpu.vector_store %arg9[%swap3A_418], %add3A_417 {strides = array<i32>} : memref<1024xi32, #tpu.memory_space<vmem>>, vector<16xi32>,
    %swap3A_420 = arith.constant 864 : index
    %swap3A_421 = tpu.vector_load %arg15[%swap3A_420] {strides = array<i32>} : memref<1024xi32, #tpu.memory_space<vmem>>, vector<16xi32>,
    tpu.vector_store %arg15[%swap3A_420], %broadcast_in_dim3A_33 {strides = array<i32>} : memref<1024xi32, #tpu.memory_space<vmem>>, vector<16xi32>,
    %add3A_422 = arith.constant 880 : i32
    %add3A_423 = vector.broadcast %add3A_422 : i32 to vector<16xi32>
    %add3A_424 = arith.addi %iota3A, %add3A_423 : vector<16xi32>
    %swap3A_425 = arith.constant 880 : index
    %swap3A_426 = tpu.vector_load %arg9[%swap3A_425] {strides = array<i32>} : memref<1024xi32, #tpu.memory_space<vmem>>, vector<16xi32>,
    tpu.vector_store %arg9[%swap3A_425], %add3A_424 {strides = array<i32>} : memref<1024xi32, #tpu.memory_space<vmem>>, vector<16xi32>,
    %swap3A_427 = arith.constant 880 : index
    %swap3A_428 = tpu.vector_load %arg15[%swap3A_427] {strides = array<i32>} : memref<1024xi32, #tpu.memory_space<vmem>>, vector<16xi32>,
    tpu.vector_store %arg15[%swap3A_427], %broadcast_in_dim3A_33 {strides = array<i32>} : memref<1024xi32, #tpu.memory_space<vmem>>, vector<16xi32>,
    %add3A_429 = arith.constant 896 : i32
    %add3A_430 = vector.broadcast %add3A_429 : i32 to vector<16xi32>
    %add3A_431 = arith.addi %iota3A, %add3A_430 : vector<16xi32>
    %swap3A_432 = arith.constant 896 : index
    %swap3A_433 = tpu.vector_load %arg9[%swap3A_432] {strides = array<i32>} : memref<1024xi32, #tpu.memory_space<vmem>>, vector<16xi32>,
    tpu.vector_store %arg9[%swap3A_432], %add3A_431 {strides = array<i32>} : memref<1024xi32, #tpu.memory_space<vmem>>, vector<16xi32>,
    %swap3A_434 = arith.constant 896 : index
    %swap3A_435 = tpu.vector_load %arg15[%swap3A_434] {strides = array<i32>} : memref<1024xi32, #tpu.memory_space<vmem>>, vector<16xi32>,
    tpu.vector_store %arg15[%swap3A_434], %broadcast_in_dim3A_33 {strides = array<i32>} : memref<1024xi32, #tpu.memory_space<vmem>>, vector<16xi32>,
    %add3A_436 = arith.constant 912 : i32
    %add3A_437 = vector.broadcast %add3A_436 : i32 to vector<16xi32>
    %add3A_438 = arith.addi %iota3A, %add3A_437 : vector<16xi32>
    %swap3A_439 = arith.constant 912 : index
    %swap3A_440 = tpu.vector_load %arg9[%swap3A_439] {strides = array<i32>} : memref<1024xi32, #tpu.memory_space<vmem>>, vector<16xi32>,
    tpu.vector_store %arg9[%swap3A_439], %add3A_438 {strides = array<i32>} : memref<1024xi32, #tpu.memory_space<vmem>>, vector<16xi32>,
    %swap3A_441 = arith.constant 912 : index
    %swap3A_442 = tpu.vector_load %arg15[%swap3A_441] {strides = array<i32>} : memref<1024xi32, #tpu.memory_space<vmem>>, vector<16xi32>,
    tpu.vector_store %arg15[%swap3A_441], %broadcast_in_dim3A_33 {strides = array<i32>} : memref<1024xi32, #tpu.memory_space<vmem>>, vector<16xi32>,
    %add3A_443 = arith.constant 928 : i32
    %add3A_444 = vector.broadcast %add3A_443 : i32 to vector<16xi32>
    %add3A_445 = arith.addi %iota3A, %add3A_444 : vector<16xi32>
    %swap3A_446 = arith.constant 928 : index
    %swap3A_447 = tpu.vector_load %arg9[%swap3A_446] {strides = array<i32>} : memref<1024xi32, #tpu.memory_space<vmem>>, vector<16xi32>,
    tpu.vector_store %arg9[%swap3A_446], %add3A_445 {strides = array<i32>} : memref<1024xi32, #tpu.memory_space<vmem>>, vector<16xi32>,
    %swap3A_448 = arith.constant 928 : index
    %swap3A_449 = tpu.vector_load %arg15[%swap3A_448] {strides = array<i32>} : memref<1024xi32, #tpu.memory_space<vmem>>, vector<16xi32>,
    tpu.vector_store %arg15[%swap3A_448], %broadcast_in_dim3A_33 {strides = array<i32>} : memref<1024xi32, #tpu.memory_space<vmem>>, vector<16xi32>,
    %add3A_450 = arith.constant 944 : i32
    %add3A_451 = vector.broadcast %add3A_450 : i32 to vector<16xi32>
    %add3A_452 = arith.addi %iota3A, %add3A_451 : vector<16xi32>
    %swap3A_453 = arith.constant 944 : index
    %swap3A_454 = tpu.vector_load %arg9[%swap3A_453] {strides = array<i32>} : memref<1024xi32, #tpu.memory_space<vmem>>, vector<16xi32>,
    tpu.vector_store %arg9[%swap3A_453], %add3A_452 {strides = array<i32>} : memref<1024xi32, #tpu.memory_space<vmem>>, vector<16xi32>,
    %swap3A_455 = arith.constant 944 : index
    %swap3A_456 = tpu.vector_load %arg15[%swap3A_455] {strides = array<i32>} : memref<1024xi32, #tpu.memory_space<vmem>>, vector<16xi32>,
    tpu.vector_store %arg15[%swap3A_455], %broadcast_in_dim3A_33 {strides = array<i32>} : memref<1024xi32, #tpu.memory_space<vmem>>, vector<16xi32>,
    %add3A_457 = arith.constant 960 : i32
    %add3A_458 = vector.broadcast %add3A_457 : i32 to vector<16xi32>
    %add3A_459 = arith.addi %iota3A, %add3A_458 : vector<16xi32>
    %swap3A_460 = arith.constant 960 : index
    %swap3A_461 = tpu.vector_load %arg9[%swap3A_460] {strides = array<i32>} : memref<1024xi32, #tpu.memory_space<vmem>>, vector<16xi32>,
    tpu.vector_store %arg9[%swap3A_460], %add3A_459 {strides = array<i32>} : memref<1024xi32, #tpu.memory_space<vmem>>, vector<16xi32>,
    %swap3A_462 = arith.constant 960 : index
    %swap3A_463 = tpu.vector_load %arg15[%swap3A_462] {strides = array<i32>} : memref<1024xi32, #tpu.memory_space<vmem>>, vector<16xi32>,
    tpu.vector_store %arg15[%swap3A_462], %broadcast_in_dim3A_33 {strides = array<i32>} : memref<1024xi32, #tpu.memory_space<vmem>>, vector<16xi32>,
    %add3A_464 = arith.constant 976 : i32
    %add3A_465 = vector.broadcast %add3A_464 : i32 to vector<16xi32>
    %add3A_466 = arith.addi %iota3A, %add3A_465 : vector<16xi32>
    %swap3A_467 = arith.constant 976 : index
    %swap3A_468 = tpu.vector_load %arg9[%swap3A_467] {strides = array<i32>} : memref<1024xi32, #tpu.memory_space<vmem>>, vector<16xi32>,
    tpu.vector_store %arg9[%swap3A_467], %add3A_466 {strides = array<i32>} : memref<1024xi32, #tpu.memory_space<vmem>>, vector<16xi32>,
    %swap3A_469 = arith.constant 976 : index
    %swap3A_470 = tpu.vector_load %arg15[%swap3A_469] {strides = array<i32>} : memref<1024xi32, #tpu.memory_space<vmem>>, vector<16xi32>,
    tpu.vector_store %arg15[%swap3A_469], %broadcast_in_dim3A_33 {strides = array<i32>} : memref<1024xi32, #tpu.memory_space<vmem>>, vector<16xi32>,
    %add3A_471 = arith.constant 992 : i32
    %add3A_472 = vector.broadcast %add3A_471 : i32 to vector<16xi32>
    %add3A_473 = arith.addi %iota3A, %add3A_472 : vector<16xi32>
    %swap3A_474 = arith.constant 992 : index
    %swap3A_475 = tpu.vector_load %arg9[%swap3A_474] {strides = array<i32>} : memref<1024xi32, #tpu.memory_space<vmem>>, vector<16xi32>,
    tpu.vector_store %arg9[%swap3A_474], %add3A_473 {strides = array<i32>} : memref<1024xi32, #tpu.memory_space<vmem>>, vector<16xi32>,
    %swap3A_476 = arith.constant 992 : index
    %swap3A_477 = tpu.vector_load %arg15[%swap3A_476] {strides = array<i32>} : memref<1024xi32, #tpu.memory_space<vmem>>, vector<16xi32>,
    tpu.vector_store %arg15[%swap3A_476], %broadcast_in_dim3A_33 {strides = array<i32>} : memref<1024xi32, #tpu.memory_space<vmem>>, vector<16xi32>,
    %add3A_478 = arith.constant 1008 : i32
    %add3A_479 = vector.broadcast %add3A_478 : i32 to vector<16xi32>
    %add3A_480 = arith.addi %iota3A, %add3A_479 : vector<16xi32>
    %swap3A_481 = arith.constant 1008 : index
    %swap3A_482 = tpu.vector_load %arg9[%swap3A_481] {strides = array<i32>} : memref<1024xi32, #tpu.memory_space<vmem>>, vector<16xi32>,
    tpu.vector_store %arg9[%swap3A_481], %add3A_480 {strides = array<i32>} : memref<1024xi32, #tpu.memory_space<vmem>>, vector<16xi32>,
    %swap3A_483 = arith.constant 1008 : index
    %swap3A_484 = tpu.vector_load %arg15[%swap3A_483] {strides = array<i32>} : memref<1024xi32, #tpu.memory_space<vmem>>, vector<16xi32>,
    tpu.vector_store %arg15[%swap3A_483], %broadcast_in_dim3A_33 {strides = array<i32>} : memref<1024xi32, #tpu.memory_space<vmem>>, vector<16xi32>,
    %mul3A_485 = arith.constant 1024 : i32
    %mul3A_486 = arith.muli %select_n3A, %mul3A_485 : i32
    %add3A_487 = vector.broadcast %mul3A_486 : i32 to vector<16xi32>
    %add3A_488 = arith.addi %add3A_487, %iota3A : vector<16xi32>
    %add3A_489 = arith.constant 0 : i32
    %add3A_490 = vector.broadcast %add3A_489 : i32 to vector<16xi32>
    %add3A_491 = arith.addi %add3A_488, %add3A_490 : vector<16xi32>
    %swap3A_492 = arith.constant 0 : i32
    %swap3A_493 = arith.index_cast %swap3A_492 : i32 to index
    %swap3A_494 = arith.constant 16 : index
    %swap3A_495 = tpu.vector_load %arg10[%swap3A_493, %swap3A_494] {strides = array<i32>} : memref<2x56xi32, #tpu.memory_space<vmem>>, vector<16xi32>,
    tpu.vector_store %arg10[%swap3A_493, %swap3A_494], %add3A_491 {strides = array<i32>} : memref<2x56xi32, #tpu.memory_space<vmem>>, vector<16xi32>,
    %add3A_496 = vector.broadcast %mul3A_486 : i32 to vector<16xi32>
    %add3A_497 = arith.addi %add3A_496, %iota3A : vector<16xi32>
    %add3A_498 = arith.constant 16 : i32
    %add3A_499 = vector.broadcast %add3A_498 : i32 to vector<16xi32>
    %add3A_500 = arith.addi %add3A_497, %add3A_499 : vector<16xi32>
    %swap3A_501 = arith.constant 0 : i32
    %swap3A_502 = arith.index_cast %swap3A_501 : i32 to index
    %swap3A_503 = arith.constant 40 : index
    %swap3A_504 = tpu.vector_load %arg10[%swap3A_502, %swap3A_503] {strides = array<i32>} : memref<2x56xi32, #tpu.memory_space<vmem>>, vector<16xi32>,
    tpu.vector_store %arg10[%swap3A_502, %swap3A_503], %add3A_500 {strides = array<i32>} : memref<2x56xi32, #tpu.memory_space<vmem>>, vector<16xi32>,
    %add3A_505 = vector.broadcast %mul3A_486 : i32 to vector<16xi32>
    %add3A_506 = arith.addi %add3A_505, %iota3A : vector<16xi32>
    %add3A_507 = arith.constant 0 : i32
    %add3A_508 = vector.broadcast %add3A_507 : i32 to vector<16xi32>
    %add3A_509 = arith.addi %add3A_506, %add3A_508 : vector<16xi32>
    %swap3A_510 = arith.constant 1 : i32
    %swap3A_511 = arith.index_cast %swap3A_510 : i32 to index
    %swap3A_512 = arith.constant 16 : index
    %swap3A_513 = tpu.vector_load %arg10[%swap3A_511, %swap3A_512] {strides = array<i32>} : memref<2x56xi32, #tpu.memory_space<vmem>>, vector<16xi32>,
    tpu.vector_store %arg10[%swap3A_511, %swap3A_512], %add3A_509 {strides = array<i32>} : memref<2x56xi32, #tpu.memory_space<vmem>>, vector<16xi32>,
    %add3A_514 = vector.broadcast %mul3A_486 : i32 to vector<16xi32>
    %add3A_515 = arith.addi %add3A_514, %iota3A : vector<16xi32>
    %add3A_516 = arith.constant 16 : i32
    %add3A_517 = vector.broadcast %add3A_516 : i32 to vector<16xi32>
    %add3A_518 = arith.addi %add3A_515, %add3A_517 : vector<16xi32>
    %swap3A_519 = arith.constant 1 : i32
    %swap3A_520 = arith.index_cast %swap3A_519 : i32 to index
    %swap3A_521 = arith.constant 40 : index
    %swap3A_522 = tpu.vector_load %arg10[%swap3A_520, %swap3A_521] {strides = array<i32>} : memref<2x56xi32, #tpu.memory_space<vmem>>, vector<16xi32>,
    tpu.vector_store %arg10[%swap3A_520, %swap3A_521], %add3A_518 {strides = array<i32>} : memref<2x56xi32, #tpu.memory_space<vmem>>, vector<16xi32>,
    %add3A_523 = arith.constant 0 : i32
    %add3A_524 = arith.addi %mul3A_32, %add3A_523 : i32
    %dma_start3A = arith.constant 0 : i32
    %dma_start3A_525 = arith.constant 0 : i32
    %dma_start3A_526 = arith.constant 0 : i32
    %dma_start3A_527 = tpu.memref_slice %arg8[%dma_start3A, %dma_start3A_525, %dma_start3A_526] : memref<2x8x1024xf32, #tpu.memory_space<vmem>> -> memref<1x8x1024xf32, #tpu.memory_space<vmem>>
    %dma_start3A_528 = tpu.memref_squeeze %dma_start3A_527 : memref<1x8x1024xf32, #tpu.memory_space<vmem>> -> memref<8x1024xf32, #tpu.memory_space<vmem>>
    %dma_start3A_529 = arith.constant 0 : i32
    %dma_start3A_530 = tpu.memref_slice %arg2[%select_n3A, %add3A_524, %dma_start3A_529] : memref<16x1024x1024xf32, #tpu.memory_space<hbm>> -> memref<1x8x1024xf32, #tpu.memory_space<hbm>>
    %dma_start3A_531 = tpu.memref_squeeze %dma_start3A_530 : memref<1x8x1024xf32, #tpu.memory_space<hbm>> -> memref<8x1024xf32, #tpu.memory_space<hbm>>
    %dma_start3A_532 = arith.constant 0 : i32
    %dma_start3A_533 = arith.constant 0 : i32
    %dma_start3A_534 = tpu.memref_slice %arg8[%dma_start3A, %dma_start3A_532, %dma_start3A_533] : memref<2x8x1024xf32, #tpu.memory_space<vmem>> -> memref<1x8x1024xf32, #tpu.memory_space<vmem>>
    %dma_start3A_535 = tpu.memref_squeeze %dma_start3A_534 : memref<1x8x1024xf32, #tpu.memory_space<vmem>> -> memref<8x1024xf32, #tpu.memory_space<vmem>>
    %dma_start3A_536 = arith.constant 0 : i32
    %dma_start3A_537 = tpu.memref_slice %arg2[%select_n3A, %add3A_524, %dma_start3A_536] : memref<16x1024x1024xf32, #tpu.memory_space<hbm>> -> memref<1x8x1024xf32, #tpu.memory_space<hbm>>
    %dma_start3A_538 = tpu.memref_squeeze %dma_start3A_537 : memref<1x8x1024xf32, #tpu.memory_space<hbm>> -> memref<8x1024xf32, #tpu.memory_space<hbm>>
    tpu.enqueue_dma source(%dma_start3A_538 : memref<8x1024xf32, #tpu.memory_space<hbm>>) target(%dma_start3A_535 : memref<8x1024xf32, #tpu.memory_space<vmem>>) target_semaphore(%arg16 : memref<!tpu.dma_semaphore, #tpu.memory_space<semaphore_mem>>)
    %scan3A = arith.constant 0 : i32
    %scan3A_539 = arith.constant 0 : i32
    %scan3A_540 = arith.constant 516 : i32
    %scan3A_541 = arith.addi %scan3A_539, %scan3A_540 : i32
    %scan3A_542 = arith.constant 1 : i32
    scf.for %scan3A_637 = %scan3A_539 to %scan3A_541 step %scan3A_542  : i32 {
      %sub3A_638 = arith.constant 4 : i32
      %sub3A_639 = arith.subi %scan3A_637, %sub3A_638 : i32
      %ge3A_640 = arith.constant 0 : i32
      %ge3A_641 = arith.cmpi sge, %sub3A_639, %ge3A_640 : i32
      %convert_element_type3A = arith.extui %ge3A_641 : i1 to i32
      %cond3A = arith.constant 0 : i32
      %cond3A_642 = arith.cmpi ne, %convert_element_type3A, %cond3A : i32
      scf.if %cond3A_642 {
        %jit3A_648 = arith.constant 8 : i32
        %eq3A_649 = arith.constant 0 : i32
        %eq3A_650 = arith.cmpi eq, %jit3A_648, %eq3A_649 : i32
        %jit3A_651 = arith.constant 1 : i32
        %select_n3A_652 = arith.select %eq3A_650, %jit3A_651, %jit3A_648 : i32
        %rem3A_653 = arith.remsi %sub3A_639, %select_n3A_652 : i32
        %ne3A_654 = arith.constant 0 : i32
        %ne3A_655 = arith.cmpi ne, %rem3A_653, %ne3A_654 : i32
        %lt3A_656 = arith.constant 0 : i32
        %lt3A_657 = arith.cmpi slt, %rem3A_653, %lt3A_656 : i32
        %lt3A_658 = arith.constant 0 : i32
        %lt3A_659 = arith.cmpi slt, %select_n3A_652, %lt3A_658 : i32
        %ne3A_660 = arith.xori %lt3A_657, %lt3A_659 : i1
        %and3A_661 = arith.andi %ne3A_660, %ne3A_655 : i1
        %add3A_662 = arith.addi %rem3A_653, %select_n3A_652 : i32
        %select_n3A_663 = arith.select %and3A_661, %add3A_662, %rem3A_653 : i32
        %eq3A_664 = arith.constant 0 : i32
        %eq3A_665 = arith.cmpi eq, %select_n3A_663, %eq3A_664 : i32
        %ge3A_666 = arith.constant 16 : i32
        %ge3A_667 = arith.cmpi sge, %sub3A_639, %ge3A_666 : i32
        %and3A_668 = arith.andi %eq3A_665, %ge3A_667 : i1
        %convert_element_type3A_669 = arith.extui %and3A_668 : i1 to i32
        %cond3A_670 = arith.constant 0 : i32
        %cond3A_671 = arith.cmpi ne, %convert_element_type3A_669, %cond3A_670 : i32
        scf.if %cond3A_671 {
          %jit3A_1052 = arith.constant 8 : i32
          %div3A_1053 = arith.divsi %sub3A_639, %jit3A_1052 : i32
          %sign3A_1054 = arith.constant 0 : i32
          %sign3A_1055 = arith.cmpi sgt, %sub3A_639, %sign3A_1054 : i32
          %sign3A_1056 = arith.extui %sign3A_1055 : i1 to i32
          %sign3A_1057 = arith.constant 0 : i32
          %sign3A_1058 = arith.cmpi slt, %sub3A_639, %sign3A_1057 : i32
          %sign3A_1059 = arith.extui %sign3A_1058 : i1 to i32
          %sign3A_1060 = arith.subi %sign3A_1056, %sign3A_1059 : i32
          %sign3A_1061 = arith.constant 0 : i32
          %sign3A_1062 = arith.cmpi sgt, %jit3A_1052, %sign3A_1061 : i32
          %sign3A_1063 = arith.extui %sign3A_1062 : i1 to i32
          %sign3A_1064 = arith.constant 0 : i32
          %sign3A_1065 = arith.cmpi slt, %jit3A_1052, %sign3A_1064 : i32
          %sign3A_1066 = arith.extui %sign3A_1065 : i1 to i32
          %sign3A_1067 = arith.subi %sign3A_1063, %sign3A_1066 : i32
          %ne3A_1068 = arith.cmpi ne, %sign3A_1060, %sign3A_1067 : i32
          %rem3A_1069 = arith.remsi %sub3A_639, %jit3A_1052 : i32
          %ne3A_1070 = arith.constant 0 : i32
          %ne3A_1071 = arith.cmpi ne, %rem3A_1069, %ne3A_1070 : i32
          %and3A_1072 = arith.andi %ne3A_1068, %ne3A_1071 : i1
          %sub3A_1073 = arith.constant 1 : i32
          %sub3A_1074 = arith.subi %div3A_1053, %sub3A_1073 : i32
          %select_n3A_1075 = arith.select %and3A_1072, %sub3A_1074, %div3A_1053 : i32
          %sub3A_1076 = arith.constant 2 : i32
          %sub3A_1077 = arith.subi %select_n3A_1075, %sub3A_1076 : i32
          %mul3A_1078 = arith.constant 8 : i32
          %mul3A_1079 = arith.muli %mul3A_1078, %sub3A_1077 : i32
          %add3A_1080 = arith.addi %mul3A_32, %mul3A_1079 : i32
          %jit3A_1081 = arith.constant 2 : i32
          %eq3A_1082 = arith.constant 0 : i32
          %eq3A_1083 = arith.cmpi eq, %jit3A_1081, %eq3A_1082 : i32
          %jit3A_1084 = arith.constant 1 : i32
          %select_n3A_1085 = arith.select %eq3A_1083, %jit3A_1084, %jit3A_1081 : i32
          %rem3A_1086 = arith.remsi %sub3A_1077, %select_n3A_1085 : i32
          %ne3A_1087 = arith.constant 0 : i32
          %ne3A_1088 = arith.cmpi ne, %rem3A_1086, %ne3A_1087 : i32
          %lt3A_1089 = arith.constant 0 : i32
          %lt3A_1090 = arith.cmpi slt, %rem3A_1086, %lt3A_1089 : i32
          %lt3A_1091 = arith.constant 0 : i32
          %lt3A_1092 = arith.cmpi slt, %select_n3A_1085, %lt3A_1091 : i32
          %ne3A_1093 = arith.xori %lt3A_1090, %lt3A_1092 : i1
          %and3A_1094 = arith.andi %ne3A_1093, %ne3A_1088 : i1
          %add3A_1095 = arith.addi %rem3A_1086, %select_n3A_1085 : i32
          %select_n3A_1096 = arith.select %and3A_1094, %add3A_1095, %rem3A_1086 : i32
          %dma_wait3A_1097 = arith.constant 0 : i32
          %dma_wait3A_1098 = arith.constant 0 : i32
          %dma_wait3A_1099 = tpu.memref_slice %arg12[%select_n3A_1096, %dma_wait3A_1097, %dma_wait3A_1098] : memref<2x8x128xf32, #tpu.memory_space<vmem>> -> memref<1x8x128xf32, #tpu.memory_space<vmem>>
          %dma_wait3A_1100 = tpu.memref_squeeze %dma_wait3A_1099 : memref<1x8x128xf32, #tpu.memory_space<vmem>> -> memref<8x128xf32, #tpu.memory_space<vmem>>
          %dma_wait3A_1101 = arith.constant 0 : i32
          %dma_wait3A_1102 = tpu.memref_slice %arg4[%select_n3A, %add3A_1080, %dma_wait3A_1101] : memref<16x1024x128xf32, #tpu.memory_space<hbm>> -> memref<1x8x128xf32, #tpu.memory_space<hbm>>
          %dma_wait3A_1103 = tpu.memref_squeeze %dma_wait3A_1102 : memref<1x8x128xf32, #tpu.memory_space<hbm>> -> memref<8x128xf32, #tpu.memory_space<hbm>>
          %dma_wait3A_1104 = arith.constant 0 : i32
          %dma_wait3A_1105 = tpu.memref_slice %arg4[%select_n3A, %add3A_1080, %dma_wait3A_1104] : memref<16x1024x128xf32, #tpu.memory_space<hbm>> -> memref<1x8x128xf32, #tpu.memory_space<hbm>>
          %dma_wait3A_1106 = tpu.memref_squeeze %dma_wait3A_1105 : memref<1x8x128xf32, #tpu.memory_space<hbm>> -> memref<8x128xf32, #tpu.memory_space<hbm>>
          %dma_wait3A_1107 = arith.constant 0 : i32
          %dma_wait3A_1108 = arith.constant 0 : i32
          %dma_wait3A_1109 = tpu.memref_slice %arg12[%select_n3A_1096, %dma_wait3A_1107, %dma_wait3A_1108] : memref<2x8x128xf32, #tpu.memory_space<vmem>> -> memref<1x8x128xf32, #tpu.memory_space<vmem>>
          %dma_wait3A_1110 = tpu.memref_squeeze %dma_wait3A_1109 : memref<1x8x128xf32, #tpu.memory_space<vmem>> -> memref<8x128xf32, #tpu.memory_space<vmem>>
          tpu.wait_dma2 semaphore(%arg18 : memref<!tpu.dma_semaphore, #tpu.memory_space<semaphore_mem>>) src(%dma_wait3A_1110 : memref<8x128xf32, #tpu.memory_space<vmem>>) dst(%dma_wait3A_1106 : memref<8x128xf32, #tpu.memory_space<hbm>>)
          %dma_wait3A_1111 = arith.constant 0 : i32
          %dma_wait3A_1112 = arith.constant 0 : i32
          %dma_wait3A_1113 = tpu.memref_slice %arg13[%select_n3A_1096, %dma_wait3A_1111, %dma_wait3A_1112] : memref<2x8x128xf32, #tpu.memory_space<vmem>> -> memref<1x8x128xf32, #tpu.memory_space<vmem>>
          %dma_wait3A_1114 = tpu.memref_squeeze %dma_wait3A_1113 : memref<1x8x128xf32, #tpu.memory_space<vmem>> -> memref<8x128xf32, #tpu.memory_space<vmem>>
          %dma_wait3A_1115 = arith.constant 0 : i32
          %dma_wait3A_1116 = tpu.memref_slice %arg5[%select_n3A, %add3A_1080, %dma_wait3A_1115] : memref<16x1024x128xf32, #tpu.memory_space<hbm>> -> memref<1x8x128xf32, #tpu.memory_space<hbm>>
          %dma_wait3A_1117 = tpu.memref_squeeze %dma_wait3A_1116 : memref<1x8x128xf32, #tpu.memory_space<hbm>> -> memref<8x128xf32, #tpu.memory_space<hbm>>
          %dma_wait3A_1118 = arith.constant 0 : i32
          %dma_wait3A_1119 = tpu.memref_slice %arg5[%select_n3A, %add3A_1080, %dma_wait3A_1118] : memref<16x1024x128xf32, #tpu.memory_space<hbm>> -> memref<1x8x128xf32, #tpu.memory_space<hbm>>
          %dma_wait3A_1120 = tpu.memref_squeeze %dma_wait3A_1119 : memref<1x8x128xf32, #tpu.memory_space<hbm>> -> memref<8x128xf32, #tpu.memory_space<hbm>>
          %dma_wait3A_1121 = arith.constant 0 : i32
          %dma_wait3A_1122 = arith.constant 0 : i32
          %dma_wait3A_1123 = tpu.memref_slice %arg13[%select_n3A_1096, %dma_wait3A_1121, %dma_wait3A_1122] : memref<2x8x128xf32, #tpu.memory_space<vmem>> -> memref<1x8x128xf32, #tpu.memory_space<vmem>>
          %dma_wait3A_1124 = tpu.memref_squeeze %dma_wait3A_1123 : memref<1x8x128xf32, #tpu.memory_space<vmem>> -> memref<8x128xf32, #tpu.memory_space<vmem>>
          tpu.wait_dma2 semaphore(%arg18 : memref<!tpu.dma_semaphore, #tpu.memory_space<semaphore_mem>>) src(%dma_wait3A_1124 : memref<8x128xf32, #tpu.memory_space<vmem>>) dst(%dma_wait3A_1120 : memref<8x128xf32, #tpu.memory_space<hbm>>)
          %dma_wait3A_1125 = arith.constant 0 : i32
          %dma_wait3A_1126 = arith.constant 0 : i32
          %dma_wait3A_1127 = tpu.memref_slice %arg14[%select_n3A_1096, %dma_wait3A_1125, %dma_wait3A_1126] : memref<2x8x128xf32, #tpu.memory_space<vmem>> -> memref<1x8x128xf32, #tpu.memory_space<vmem>>
          %dma_wait3A_1128 = tpu.memref_squeeze %dma_wait3A_1127 : memref<1x8x128xf32, #tpu.memory_space<vmem>> -> memref<8x128xf32, #tpu.memory_space<vmem>>
          %dma_wait3A_1129 = arith.constant 0 : i32
          %dma_wait3A_1130 = tpu.memref_slice %arg6[%select_n3A, %add3A_1080, %dma_wait3A_1129] : memref<16x1024x128xf32, #tpu.memory_space<hbm>> -> memref<1x8x128xf32, #tpu.memory_space<hbm>>
          %dma_wait3A_1131 = tpu.memref_squeeze %dma_wait3A_1130 : memref<1x8x128xf32, #tpu.memory_space<hbm>> -> memref<8x128xf32, #tpu.memory_space<hbm>>
          %dma_wait3A_1132 = arith.constant 0 : i32
          %dma_wait3A_1133 = tpu.memref_slice %arg6[%select_n3A, %add3A_1080, %dma_wait3A_1132] : memref<16x1024x128xf32, #tpu.memory_space<hbm>> -> memref<1x8x128xf32, #tpu.memory_space<hbm>>
          %dma_wait3A_1134 = tpu.memref_squeeze %dma_wait3A_1133 : memref<1x8x128xf32, #tpu.memory_space<hbm>> -> memref<8x128xf32, #tpu.memory_space<hbm>>
          %dma_wait3A_1135 = arith.constant 0 : i32
          %dma_wait3A_1136 = arith.constant 0 : i32
          %dma_wait3A_1137 = tpu.memref_slice %arg14[%select_n3A_1096, %dma_wait3A_1135, %dma_wait3A_1136] : memref<2x8x128xf32, #tpu.memory_space<vmem>> -> memref<1x8x128xf32, #tpu.memory_space<vmem>>
          %dma_wait3A_1138 = tpu.memref_squeeze %dma_wait3A_1137 : memref<1x8x128xf32, #tpu.memory_space<vmem>> -> memref<8x128xf32, #tpu.memory_space<vmem>>
          tpu.wait_dma2 semaphore(%arg18 : memref<!tpu.dma_semaphore, #tpu.memory_space<semaphore_mem>>) src(%dma_wait3A_1138 : memref<8x128xf32, #tpu.memory_space<vmem>>) dst(%dma_wait3A_1134 : memref<8x128xf32, #tpu.memory_space<hbm>>)
        } else {
        }
        %jit3A_672 = arith.constant 2 : i32
        %div3A_673 = arith.divsi %sub3A_639, %jit3A_672 : i32
        %sign3A_674 = arith.constant 0 : i32
        %sign3A_675 = arith.cmpi sgt, %sub3A_639, %sign3A_674 : i32
        %sign3A_676 = arith.extui %sign3A_675 : i1 to i32
        %sign3A_677 = arith.constant 0 : i32
        %sign3A_678 = arith.cmpi slt, %sub3A_639, %sign3A_677 : i32
        %sign3A_679 = arith.extui %sign3A_678 : i1 to i32
        %sign3A_680 = arith.subi %sign3A_676, %sign3A_679 : i32
        %sign3A_681 = arith.constant 0 : i32
        %sign3A_682 = arith.cmpi sgt, %jit3A_672, %sign3A_681 : i32
        %sign3A_683 = arith.extui %sign3A_682 : i1 to i32
        %sign3A_684 = arith.constant 0 : i32
        %sign3A_685 = arith.cmpi slt, %jit3A_672, %sign3A_684 : i32
        %sign3A_686 = arith.extui %sign3A_685 : i1 to i32
        %sign3A_687 = arith.subi %sign3A_683, %sign3A_686 : i32
        %ne3A_688 = arith.cmpi ne, %sign3A_680, %sign3A_687 : i32
        %rem3A_689 = arith.remsi %sub3A_639, %jit3A_672 : i32
        %ne3A_690 = arith.constant 0 : i32
        %ne3A_691 = arith.cmpi ne, %rem3A_689, %ne3A_690 : i32
        %and3A_692 = arith.andi %ne3A_688, %ne3A_691 : i1
        %sub3A_693 = arith.constant 1 : i32
        %sub3A_694 = arith.subi %div3A_673, %sub3A_693 : i32
        %select_n3A_695 = arith.select %and3A_692, %sub3A_694, %div3A_673 : i32
        %jit3A_696 = arith.constant 2 : i32
        %eq3A_697 = arith.constant 0 : i32
        %eq3A_698 = arith.cmpi eq, %jit3A_696, %eq3A_697 : i32
        %jit3A_699 = arith.constant 1 : i32
        %select_n3A_700 = arith.select %eq3A_698, %jit3A_699, %jit3A_696 : i32
        %rem3A_701 = arith.remsi %select_n3A_695, %select_n3A_700 : i32
        %ne3A_702 = arith.constant 0 : i32
        %ne3A_703 = arith.cmpi ne, %rem3A_701, %ne3A_702 : i32
        %lt3A_704 = arith.constant 0 : i32
        %lt3A_705 = arith.cmpi slt, %rem3A_701, %lt3A_704 : i32
        %lt3A_706 = arith.constant 0 : i32
        %lt3A_707 = arith.cmpi slt, %select_n3A_700, %lt3A_706 : i32
        %ne3A_708 = arith.xori %lt3A_705, %lt3A_707 : i1
        %and3A_709 = arith.andi %ne3A_708, %ne3A_703 : i1
        %add3A_710 = arith.addi %rem3A_701, %select_n3A_700 : i32
        %select_n3A_711 = arith.select %and3A_709, %add3A_710, %rem3A_701 : i32
        %jit3A_712 = arith.constant 2 : i32
        %eq3A_713 = arith.constant 0 : i32
        %eq3A_714 = arith.cmpi eq, %jit3A_712, %eq3A_713 : i32
        %jit3A_715 = arith.constant 1 : i32
        %select_n3A_716 = arith.select %eq3A_714, %jit3A_715, %jit3A_712 : i32
        %rem3A_717 = arith.remsi %sub3A_639, %select_n3A_716 : i32
        %ne3A_718 = arith.constant 0 : i32
        %ne3A_719 = arith.cmpi ne, %rem3A_717, %ne3A_718 : i32
        %lt3A_720 = arith.constant 0 : i32
        %lt3A_721 = arith.cmpi slt, %rem3A_717, %lt3A_720 : i32
        %lt3A_722 = arith.constant 0 : i32
        %lt3A_723 = arith.cmpi slt, %select_n3A_716, %lt3A_722 : i32
        %ne3A_724 = arith.xori %lt3A_721, %lt3A_723 : i1
        %and3A_725 = arith.andi %ne3A_724, %ne3A_719 : i1
        %add3A_726 = arith.addi %rem3A_717, %select_n3A_716 : i32
        %select_n3A_727 = arith.select %and3A_725, %add3A_726, %rem3A_717 : i32
        %mul3A_728 = arith.constant 24 : i32
        %mul3A_729 = arith.muli %select_n3A_727, %mul3A_728 : i32
        %get3A = arith.constant 0 : i32
        %get3A_730 = arith.constant 0 : i32
        %get3A_731 = tpu.memref_slice %arg11[%select_n3A_711, %get3A, %get3A_730] : memref<2x48x128xf32, #tpu.memory_space<vmem>> -> memref<1x48x128xf32, #tpu.memory_space<vmem>>
        %get3A_732 = tpu.memref_squeeze %get3A_731 : memref<1x48x128xf32, #tpu.memory_space<vmem>> -> memref<48x128xf32, #tpu.memory_space<vmem>>
        %get3A_733 = arith.index_cast %mul3A_729 : i32 to index
        %get3A_734 = arith.constant 0 : index
        %get3A_735 = tpu.vector_load %get3A_732[%get3A_733, %get3A_734] {strides = array<i32>} : memref<48x128xf32, #tpu.memory_space<vmem>>, vector<16xf32>,
        %get3A_736 = arith.constant 0 : i32
        %get3A_737 = arith.constant 0 : i32
        %get3A_738 = tpu.memref_slice %arg11[%select_n3A_711, %get3A_736, %get3A_737] : memref<2x48x128xf32, #tpu.memory_space<vmem>> -> memref<1x48x128xf32, #tpu.memory_space<vmem>>
        %get3A_739 = tpu.memref_squeeze %get3A_738 : memref<1x48x128xf32, #tpu.memory_space<vmem>> -> memref<48x128xf32, #tpu.memory_space<vmem>>
        %get3A_740 = arith.index_cast %mul3A_729 : i32 to index
        %get3A_741 = arith.constant 16 : index
        %get3A_742 = tpu.vector_load %get3A_739[%get3A_740, %get3A_741] {strides = array<i32>} : memref<48x128xf32, #tpu.memory_space<vmem>>, vector<16xf32>,
        %get3A_743 = arith.constant 0 : i32
        %get3A_744 = arith.constant 0 : i32
        %get3A_745 = tpu.memref_slice %arg11[%select_n3A_711, %get3A_743, %get3A_744] : memref<2x48x128xf32, #tpu.memory_space<vmem>> -> memref<1x48x128xf32, #tpu.memory_space<vmem>>
        %get3A_746 = tpu.memref_squeeze %get3A_745 : memref<1x48x128xf32, #tpu.memory_space<vmem>> -> memref<48x128xf32, #tpu.memory_space<vmem>>
        %get3A_747 = arith.index_cast %mul3A_729 : i32 to index
        %get3A_748 = arith.constant 32 : index
        %get3A_749 = tpu.vector_load %get3A_746[%get3A_747, %get3A_748] {strides = array<i32>} : memref<48x128xf32, #tpu.memory_space<vmem>>, vector<16xf32>,
        %get3A_750 = arith.constant 0 : i32
        %get3A_751 = arith.constant 0 : i32
        %get3A_752 = tpu.memref_slice %arg11[%select_n3A_711, %get3A_750, %get3A_751] : memref<2x48x128xf32, #tpu.memory_space<vmem>> -> memref<1x48x128xf32, #tpu.memory_space<vmem>>
        %get3A_753 = tpu.memref_squeeze %get3A_752 : memref<1x48x128xf32, #tpu.memory_space<vmem>> -> memref<48x128xf32, #tpu.memory_space<vmem>>
        %get3A_754 = arith.index_cast %mul3A_729 : i32 to index
        %get3A_755 = arith.constant 48 : index
        %get3A_756 = tpu.vector_load %get3A_753[%get3A_754, %get3A_755] {strides = array<i32>} : memref<48x128xf32, #tpu.memory_space<vmem>>, vector<16xf32>,
        %get3A_757 = arith.constant 0 : i32
        %get3A_758 = arith.constant 0 : i32
        %get3A_759 = tpu.memref_slice %arg11[%select_n3A_711, %get3A_757, %get3A_758] : memref<2x48x128xf32, #tpu.memory_space<vmem>> -> memref<1x48x128xf32, #tpu.memory_space<vmem>>
        %get3A_760 = tpu.memref_squeeze %get3A_759 : memref<1x48x128xf32, #tpu.memory_space<vmem>> -> memref<48x128xf32, #tpu.memory_space<vmem>>
        %get3A_761 = arith.index_cast %mul3A_729 : i32 to index
        %get3A_762 = arith.constant 64 : index
        %get3A_763 = tpu.vector_load %get3A_760[%get3A_761, %get3A_762] {strides = array<i32>} : memref<48x128xf32, #tpu.memory_space<vmem>>, vector<16xf32>,
        %get3A_764 = arith.constant 0 : i32
        %get3A_765 = arith.constant 0 : i32
        %get3A_766 = tpu.memref_slice %arg11[%select_n3A_711, %get3A_764, %get3A_765] : memref<2x48x128xf32, #tpu.memory_space<vmem>> -> memref<1x48x128xf32, #tpu.memory_space<vmem>>
        %get3A_767 = tpu.memref_squeeze %get3A_766 : memref<1x48x128xf32, #tpu.memory_space<vmem>> -> memref<48x128xf32, #tpu.memory_space<vmem>>
        %get3A_768 = arith.index_cast %mul3A_729 : i32 to index
        %get3A_769 = arith.constant 80 : index
        %get3A_770 = tpu.vector_load %get3A_767[%get3A_768, %get3A_769] {strides = array<i32>} : memref<48x128xf32, #tpu.memory_space<vmem>>, vector<16xf32>,
        %get3A_771 = arith.constant 0 : i32
        %get3A_772 = arith.constant 0 : i32
        %get3A_773 = tpu.memref_slice %arg11[%select_n3A_711, %get3A_771, %get3A_772] : memref<2x48x128xf32, #tpu.memory_space<vmem>> -> memref<1x48x128xf32, #tpu.memory_space<vmem>>
        %get3A_774 = tpu.memref_squeeze %get3A_773 : memref<1x48x128xf32, #tpu.memory_space<vmem>> -> memref<48x128xf32, #tpu.memory_space<vmem>>
        %get3A_775 = arith.index_cast %mul3A_729 : i32 to index
        %get3A_776 = arith.constant 96 : index
        %get3A_777 = tpu.vector_load %get3A_774[%get3A_775, %get3A_776] {strides = array<i32>} : memref<48x128xf32, #tpu.memory_space<vmem>>, vector<16xf32>,
        %get3A_778 = arith.constant 0 : i32
        %get3A_779 = arith.constant 0 : i32
        %get3A_780 = tpu.memref_slice %arg11[%select_n3A_711, %get3A_778, %get3A_779] : memref<2x48x128xf32, #tpu.memory_space<vmem>> -> memref<1x48x128xf32, #tpu.memory_space<vmem>>
        %get3A_781 = tpu.memref_squeeze %get3A_780 : memref<1x48x128xf32, #tpu.memory_space<vmem>> -> memref<48x128xf32, #tpu.memory_space<vmem>>
        %get3A_782 = arith.index_cast %mul3A_729 : i32 to index
        %get3A_783 = arith.constant 112 : index
        %get3A_784 = tpu.vector_load %get3A_781[%get3A_782, %get3A_783] {strides = array<i32>} : memref<48x128xf32, #tpu.memory_space<vmem>>, vector<16xf32>,
        %add3A_785 = arith.constant 1 : i32
        %add3A_786 = arith.addi %mul3A_729, %add3A_785 : i32
        %get3A_787 = arith.constant 0 : i32
        %get3A_788 = arith.constant 0 : i32
        %get3A_789 = tpu.memref_slice %arg11[%select_n3A_711, %get3A_787, %get3A_788] : memref<2x48x128xf32, #tpu.memory_space<vmem>> -> memref<1x48x128xf32, #tpu.memory_space<vmem>>
        %get3A_790 = tpu.memref_squeeze %get3A_789 : memref<1x48x128xf32, #tpu.memory_space<vmem>> -> memref<48x128xf32, #tpu.memory_space<vmem>>
        %get3A_791 = arith.index_cast %add3A_786 : i32 to index
        %get3A_792 = arith.constant 0 : index
        %get3A_793 = tpu.vector_load %get3A_790[%get3A_791, %get3A_792] {strides = array<i32>} : memref<48x128xf32, #tpu.memory_space<vmem>>, vector<16xf32>,
        %min3A = arith.minimumf %get3A_735, %get3A_793 : vector<16xf32>
        %max3A = arith.maximumf %get3A_735, %get3A_793 : vector<16xf32>
        %add3A_794 = arith.addf %get3A_735, %get3A_793 : vector<16xf32>
        %add3A_795 = arith.constant 1 : i32
        %add3A_796 = arith.addi %mul3A_729, %add3A_795 : i32
        %get3A_797 = arith.constant 0 : i32
        %get3A_798 = arith.constant 0 : i32
        %get3A_799 = tpu.memref_slice %arg11[%select_n3A_711, %get3A_797, %get3A_798] : memref<2x48x128xf32, #tpu.memory_space<vmem>> -> memref<1x48x128xf32, #tpu.memory_space<vmem>>
        %get3A_800 = tpu.memref_squeeze %get3A_799 : memref<1x48x128xf32, #tpu.memory_space<vmem>> -> memref<48x128xf32, #tpu.memory_space<vmem>>
        %get3A_801 = arith.index_cast %add3A_796 : i32 to index
        %get3A_802 = arith.constant 16 : index
        %get3A_803 = tpu.vector_load %get3A_800[%get3A_801, %get3A_802] {strides = array<i32>} : memref<48x128xf32, #tpu.memory_space<vmem>>, vector<16xf32>,
        %min3A_804 = arith.minimumf %get3A_742, %get3A_803 : vector<16xf32>
        %max3A_805 = arith.maximumf %get3A_742, %get3A_803 : vector<16xf32>
        %add3A_806 = arith.addf %get3A_742, %get3A_803 : vector<16xf32>
        %add3A_807 = arith.constant 1 : i32
        %add3A_808 = arith.addi %mul3A_729, %add3A_807 : i32
        %get3A_809 = arith.constant 0 : i32
        %get3A_810 = arith.constant 0 : i32
        %get3A_811 = tpu.memref_slice %arg11[%select_n3A_711, %get3A_809, %get3A_810] : memref<2x48x128xf32, #tpu.memory_space<vmem>> -> memref<1x48x128xf32, #tpu.memory_space<vmem>>
        %get3A_812 = tpu.memref_squeeze %get3A_811 : memref<1x48x128xf32, #tpu.memory_space<vmem>> -> memref<48x128xf32, #tpu.memory_space<vmem>>
        %get3A_813 = arith.index_cast %add3A_808 : i32 to index
        %get3A_814 = arith.constant 32 : index
        %get3A_815 = tpu.vector_load %get3A_812[%get3A_813, %get3A_814] {strides = array<i32>} : memref<48x128xf32, #tpu.memory_space<vmem>>, vector<16xf32>,
        %min3A_816 = arith.minimumf %get3A_749, %get3A_815 : vector<16xf32>
        %max3A_817 = arith.maximumf %get3A_749, %get3A_815 : vector<16xf32>
        %add3A_818 = arith.addf %get3A_749, %get3A_815 : vector<16xf32>
        %add3A_819 = arith.constant 1 : i32
        %add3A_820 = arith.addi %mul3A_729, %add3A_819 : i32
        %get3A_821 = arith.constant 0 : i32
        %get3A_822 = arith.constant 0 : i32
        %get3A_823 = tpu.memref_slice %arg11[%select_n3A_711, %get3A_821, %get3A_822] : memref<2x48x128xf32, #tpu.memory_space<vmem>> -> memref<1x48x128xf32, #tpu.memory_space<vmem>>
        %get3A_824 = tpu.memref_squeeze %get3A_823 : memref<1x48x128xf32, #tpu.memory_space<vmem>> -> memref<48x128xf32, #tpu.memory_space<vmem>>
        %get3A_825 = arith.index_cast %add3A_820 : i32 to index
        %get3A_826 = arith.constant 48 : index
        %get3A_827 = tpu.vector_load %get3A_824[%get3A_825, %get3A_826] {strides = array<i32>} : memref<48x128xf32, #tpu.memory_space<vmem>>, vector<16xf32>,
        %min3A_828 = arith.minimumf %get3A_756, %get3A_827 : vector<16xf32>
        %max3A_829 = arith.maximumf %get3A_756, %get3A_827 : vector<16xf32>
        %add3A_830 = arith.addf %get3A_756, %get3A_827 : vector<16xf32>
        %add3A_831 = arith.constant 1 : i32
        %add3A_832 = arith.addi %mul3A_729, %add3A_831 : i32
        %get3A_833 = arith.constant 0 : i32
        %get3A_834 = arith.constant 0 : i32
        %get3A_835 = tpu.memref_slice %arg11[%select_n3A_711, %get3A_833, %get3A_834] : memref<2x48x128xf32, #tpu.memory_space<vmem>> -> memref<1x48x128xf32, #tpu.memory_space<vmem>>
        %get3A_836 = tpu.memref_squeeze %get3A_835 : memref<1x48x128xf32, #tpu.memory_space<vmem>> -> memref<48x128xf32, #tpu.memory_space<vmem>>
        %get3A_837 = arith.index_cast %add3A_832 : i32 to index
        %get3A_838 = arith.constant 64 : index
        %get3A_839 = tpu.vector_load %get3A_836[%get3A_837, %get3A_838] {strides = array<i32>} : memref<48x128xf32, #tpu.memory_space<vmem>>, vector<16xf32>,
        %min3A_840 = arith.minimumf %get3A_763, %get3A_839 : vector<16xf32>
        %max3A_841 = arith.maximumf %get3A_763, %get3A_839 : vector<16xf32>
        %add3A_842 = arith.addf %get3A_763, %get3A_839 : vector<16xf32>
        %add3A_843 = arith.constant 1 : i32
        %add3A_844 = arith.addi %mul3A_729, %add3A_843 : i32
        %get3A_845 = arith.constant 0 : i32
        %get3A_846 = arith.constant 0 : i32
        %get3A_847 = tpu.memref_slice %arg11[%select_n3A_711, %get3A_845, %get3A_846] : memref<2x48x128xf32, #tpu.memory_space<vmem>> -> memref<1x48x128xf32, #tpu.memory_space<vmem>>
        %get3A_848 = tpu.memref_squeeze %get3A_847 : memref<1x48x128xf32, #tpu.memory_space<vmem>> -> memref<48x128xf32, #tpu.memory_space<vmem>>
        %get3A_849 = arith.index_cast %add3A_844 : i32 to index
        %get3A_850 = arith.constant 80 : index
        %get3A_851 = tpu.vector_load %get3A_848[%get3A_849, %get3A_850] {strides = array<i32>} : memref<48x128xf32, #tpu.memory_space<vmem>>, vector<16xf32>,
        %min3A_852 = arith.minimumf %get3A_770, %get3A_851 : vector<16xf32>
        %max3A_853 = arith.maximumf %get3A_770, %get3A_851 : vector<16xf32>
        %add3A_854 = arith.addf %get3A_770, %get3A_851 : vector<16xf32>
        %add3A_855 = arith.constant 1 : i32
        %add3A_856 = arith.addi %mul3A_729, %add3A_855 : i32
        %get3A_857 = arith.constant 0 : i32
        %get3A_858 = arith.constant 0 : i32
        %get3A_859 = tpu.memref_slice %arg11[%select_n3A_711, %get3A_857, %get3A_858] : memref<2x48x128xf32, #tpu.memory_space<vmem>> -> memref<1x48x128xf32, #tpu.memory_space<vmem>>
        %get3A_860 = tpu.memref_squeeze %get3A_859 : memref<1x48x128xf32, #tpu.memory_space<vmem>> -> memref<48x128xf32, #tpu.memory_space<vmem>>
        %get3A_861 = arith.index_cast %add3A_856 : i32 to index
        %get3A_862 = arith.constant 96 : index
        %get3A_863 = tpu.vector_load %get3A_860[%get3A_861, %get3A_862] {strides = array<i32>} : memref<48x128xf32, #tpu.memory_space<vmem>>, vector<16xf32>,
        %min3A_864 = arith.minimumf %get3A_777, %get3A_863 : vector<16xf32>
        %max3A_865 = arith.maximumf %get3A_777, %get3A_863 : vector<16xf32>
        %add3A_866 = arith.addf %get3A_777, %get3A_863 : vector<16xf32>
        %add3A_867 = arith.constant 1 : i32
        %add3A_868 = arith.addi %mul3A_729, %add3A_867 : i32
        %get3A_869 = arith.constant 0 : i32
        %get3A_870 = arith.constant 0 : i32
        %get3A_871 = tpu.memref_slice %arg11[%select_n3A_711, %get3A_869, %get3A_870] : memref<2x48x128xf32, #tpu.memory_space<vmem>> -> memref<1x48x128xf32, #tpu.memory_space<vmem>>
        %get3A_872 = tpu.memref_squeeze %get3A_871 : memref<1x48x128xf32, #tpu.memory_space<vmem>> -> memref<48x128xf32, #tpu.memory_space<vmem>>
        %get3A_873 = arith.index_cast %add3A_868 : i32 to index
        %get3A_874 = arith.constant 112 : index
        %get3A_875 = tpu.vector_load %get3A_872[%get3A_873, %get3A_874] {strides = array<i32>} : memref<48x128xf32, #tpu.memory_space<vmem>>, vector<16xf32>,
        %min3A_876 = arith.minimumf %get3A_784, %get3A_875 : vector<16xf32>
        %max3A_877 = arith.maximumf %get3A_784, %get3A_875 : vector<16xf32>
        %add3A_878 = arith.addf %get3A_784, %get3A_875 : vector<16xf32>
        %jit3A_879 = arith.constant 8 : i32
        %div3A_880 = arith.divsi %sub3A_639, %jit3A_879 : i32
        %sign3A_881 = arith.constant 0 : i32
        %sign3A_882 = arith.cmpi sgt, %sub3A_639, %sign3A_881 : i32
        %sign3A_883 = arith.extui %sign3A_882 : i1 to i32
        %sign3A_884 = arith.constant 0 : i32
        %sign3A_885 = arith.cmpi slt, %sub3A_639, %sign3A_884 : i32
        %sign3A_886 = arith.extui %sign3A_885 : i1 to i32
        %sign3A_887 = arith.subi %sign3A_883, %sign3A_886 : i32
        %sign3A_888 = arith.constant 0 : i32
        %sign3A_889 = arith.cmpi sgt, %jit3A_879, %sign3A_888 : i32
        %sign3A_890 = arith.extui %sign3A_889 : i1 to i32
        %sign3A_891 = arith.constant 0 : i32
        %sign3A_892 = arith.cmpi slt, %jit3A_879, %sign3A_891 : i32
        %sign3A_893 = arith.extui %sign3A_892 : i1 to i32
        %sign3A_894 = arith.subi %sign3A_890, %sign3A_893 : i32
        %ne3A_895 = arith.cmpi ne, %sign3A_887, %sign3A_894 : i32
        %rem3A_896 = arith.remsi %sub3A_639, %jit3A_879 : i32
        %ne3A_897 = arith.constant 0 : i32
        %ne3A_898 = arith.cmpi ne, %rem3A_896, %ne3A_897 : i32
        %and3A_899 = arith.andi %ne3A_895, %ne3A_898 : i1
        %sub3A_900 = arith.constant 1 : i32
        %sub3A_901 = arith.subi %div3A_880, %sub3A_900 : i32
        %select_n3A_902 = arith.select %and3A_899, %sub3A_901, %div3A_880 : i32
        %jit3A_903 = arith.constant 2 : i32
        %eq3A_904 = arith.constant 0 : i32
        %eq3A_905 = arith.cmpi eq, %jit3A_903, %eq3A_904 : i32
        %jit3A_906 = arith.constant 1 : i32
        %select_n3A_907 = arith.select %eq3A_905, %jit3A_906, %jit3A_903 : i32
        %rem3A_908 = arith.remsi %select_n3A_902, %select_n3A_907 : i32
        %ne3A_909 = arith.constant 0 : i32
        %ne3A_910 = arith.cmpi ne, %rem3A_908, %ne3A_909 : i32
        %lt3A_911 = arith.constant 0 : i32
        %lt3A_912 = arith.cmpi slt, %rem3A_908, %lt3A_911 : i32
        %lt3A_913 = arith.constant 0 : i32
        %lt3A_914 = arith.cmpi slt, %select_n3A_907, %lt3A_913 : i32
        %ne3A_915 = arith.xori %lt3A_912, %lt3A_914 : i1
        %and3A_916 = arith.andi %ne3A_915, %ne3A_910 : i1
        %add3A_917 = arith.addi %rem3A_908, %select_n3A_907 : i32
        %select_n3A_918 = arith.select %and3A_916, %add3A_917, %rem3A_908 : i32
        %jit3A_919 = arith.constant 8 : i32
        %eq3A_920 = arith.constant 0 : i32
        %eq3A_921 = arith.cmpi eq, %jit3A_919, %eq3A_920 : i32
        %jit3A_922 = arith.constant 1 : i32
        %select_n3A_923 = arith.select %eq3A_921, %jit3A_922, %jit3A_919 : i32
        %rem3A_924 = arith.remsi %sub3A_639, %select_n3A_923 : i32
        %ne3A_925 = arith.constant 0 : i32
        %ne3A_926 = arith.cmpi ne, %rem3A_924, %ne3A_925 : i32
        %lt3A_927 = arith.constant 0 : i32
        %lt3A_928 = arith.cmpi slt, %rem3A_924, %lt3A_927 : i32
        %lt3A_929 = arith.constant 0 : i32
        %lt3A_930 = arith.cmpi slt, %select_n3A_923, %lt3A_929 : i32
        %ne3A_931 = arith.xori %lt3A_928, %lt3A_930 : i1
        %and3A_932 = arith.andi %ne3A_931, %ne3A_926 : i1
        %add3A_933 = arith.addi %rem3A_924, %select_n3A_923 : i32
        %select_n3A_934 = arith.select %and3A_932, %add3A_933, %rem3A_924 : i32
        %swap3A_935 = arith.index_cast %select_n3A_918 : i32 to index
        %swap3A_936 = arith.index_cast %select_n3A_934 : i32 to index
        %swap3A_937 = arith.constant 0 : index
        %swap3A_938 = tpu.vector_load %arg12[%swap3A_935, %swap3A_936, %swap3A_937] {strides = array<i32>} : memref<2x8x128xf32, #tpu.memory_space<vmem>>, vector<16xf32>,
        tpu.vector_store %arg12[%swap3A_935, %swap3A_936, %swap3A_937], %min3A {strides = array<i32>} : memref<2x8x128xf32, #tpu.memory_space<vmem>>, vector<16xf32>,
        %swap3A_939 = arith.index_cast %select_n3A_918 : i32 to index
        %swap3A_940 = arith.index_cast %select_n3A_934 : i32 to index
        %swap3A_941 = arith.constant 0 : index
        %swap3A_942 = tpu.vector_load %arg13[%swap3A_939, %swap3A_940, %swap3A_941] {strides = array<i32>} : memref<2x8x128xf32, #tpu.memory_space<vmem>>, vector<16xf32>,
        tpu.vector_store %arg13[%swap3A_939, %swap3A_940, %swap3A_941], %max3A {strides = array<i32>} : memref<2x8x128xf32, #tpu.memory_space<vmem>>, vector<16xf32>,
        %swap3A_943 = arith.index_cast %select_n3A_918 : i32 to index
        %swap3A_944 = arith.index_cast %select_n3A_934 : i32 to index
        %swap3A_945 = arith.constant 0 : index
        %swap3A_946 = tpu.vector_load %arg14[%swap3A_943, %swap3A_944, %swap3A_945] {strides = array<i32>} : memref<2x8x128xf32, #tpu.memory_space<vmem>>, vector<16xf32>,
        tpu.vector_store %arg14[%swap3A_943, %swap3A_944, %swap3A_945], %add3A_794 {strides = array<i32>} : memref<2x8x128xf32, #tpu.memory_space<vmem>>, vector<16xf32>,
        %swap3A_947 = arith.index_cast %select_n3A_918 : i32 to index
        %swap3A_948 = arith.index_cast %select_n3A_934 : i32 to index
        %swap3A_949 = arith.constant 16 : index
        %swap3A_950 = tpu.vector_load %arg12[%swap3A_947, %swap3A_948, %swap3A_949] {strides = array<i32>} : memref<2x8x128xf32, #tpu.memory_space<vmem>>, vector<16xf32>,
        tpu.vector_store %arg12[%swap3A_947, %swap3A_948, %swap3A_949], %min3A_804 {strides = array<i32>} : memref<2x8x128xf32, #tpu.memory_space<vmem>>, vector<16xf32>,
        %swap3A_951 = arith.index_cast %select_n3A_918 : i32 to index
        %swap3A_952 = arith.index_cast %select_n3A_934 : i32 to index
        %swap3A_953 = arith.constant 16 : index
        %swap3A_954 = tpu.vector_load %arg13[%swap3A_951, %swap3A_952, %swap3A_953] {strides = array<i32>} : memref<2x8x128xf32, #tpu.memory_space<vmem>>, vector<16xf32>,
        tpu.vector_store %arg13[%swap3A_951, %swap3A_952, %swap3A_953], %max3A_805 {strides = array<i32>} : memref<2x8x128xf32, #tpu.memory_space<vmem>>, vector<16xf32>,
        %swap3A_955 = arith.index_cast %select_n3A_918 : i32 to index
        %swap3A_956 = arith.index_cast %select_n3A_934 : i32 to index
        %swap3A_957 = arith.constant 16 : index
        %swap3A_958 = tpu.vector_load %arg14[%swap3A_955, %swap3A_956, %swap3A_957] {strides = array<i32>} : memref<2x8x128xf32, #tpu.memory_space<vmem>>, vector<16xf32>,
        tpu.vector_store %arg14[%swap3A_955, %swap3A_956, %swap3A_957], %add3A_806 {strides = array<i32>} : memref<2x8x128xf32, #tpu.memory_space<vmem>>, vector<16xf32>,
        %swap3A_959 = arith.index_cast %select_n3A_918 : i32 to index
        %swap3A_960 = arith.index_cast %select_n3A_934 : i32 to index
        %swap3A_961 = arith.constant 32 : index
        %swap3A_962 = tpu.vector_load %arg12[%swap3A_959, %swap3A_960, %swap3A_961] {strides = array<i32>} : memref<2x8x128xf32, #tpu.memory_space<vmem>>, vector<16xf32>,
        tpu.vector_store %arg12[%swap3A_959, %swap3A_960, %swap3A_961], %min3A_816 {strides = array<i32>} : memref<2x8x128xf32, #tpu.memory_space<vmem>>, vector<16xf32>,
        %swap3A_963 = arith.index_cast %select_n3A_918 : i32 to index
        %swap3A_964 = arith.index_cast %select_n3A_934 : i32 to index
        %swap3A_965 = arith.constant 32 : index
        %swap3A_966 = tpu.vector_load %arg13[%swap3A_963, %swap3A_964, %swap3A_965] {strides = array<i32>} : memref<2x8x128xf32, #tpu.memory_space<vmem>>, vector<16xf32>,
        tpu.vector_store %arg13[%swap3A_963, %swap3A_964, %swap3A_965], %max3A_817 {strides = array<i32>} : memref<2x8x128xf32, #tpu.memory_space<vmem>>, vector<16xf32>,
        %swap3A_967 = arith.index_cast %select_n3A_918 : i32 to index
        %swap3A_968 = arith.index_cast %select_n3A_934 : i32 to index
        %swap3A_969 = arith.constant 32 : index
        %swap3A_970 = tpu.vector_load %arg14[%swap3A_967, %swap3A_968, %swap3A_969] {strides = array<i32>} : memref<2x8x128xf32, #tpu.memory_space<vmem>>, vector<16xf32>,
        tpu.vector_store %arg14[%swap3A_967, %swap3A_968, %swap3A_969], %add3A_818 {strides = array<i32>} : memref<2x8x128xf32, #tpu.memory_space<vmem>>, vector<16xf32>,
        %swap3A_971 = arith.index_cast %select_n3A_918 : i32 to index
        %swap3A_972 = arith.index_cast %select_n3A_934 : i32 to index
        %swap3A_973 = arith.constant 48 : index
        %swap3A_974 = tpu.vector_load %arg12[%swap3A_971, %swap3A_972, %swap3A_973] {strides = array<i32>} : memref<2x8x128xf32, #tpu.memory_space<vmem>>, vector<16xf32>,
        tpu.vector_store %arg12[%swap3A_971, %swap3A_972, %swap3A_973], %min3A_828 {strides = array<i32>} : memref<2x8x128xf32, #tpu.memory_space<vmem>>, vector<16xf32>,
        %swap3A_975 = arith.index_cast %select_n3A_918 : i32 to index
        %swap3A_976 = arith.index_cast %select_n3A_934 : i32 to index
        %swap3A_977 = arith.constant 48 : index
        %swap3A_978 = tpu.vector_load %arg13[%swap3A_975, %swap3A_976, %swap3A_977] {strides = array<i32>} : memref<2x8x128xf32, #tpu.memory_space<vmem>>, vector<16xf32>,
        tpu.vector_store %arg13[%swap3A_975, %swap3A_976, %swap3A_977], %max3A_829 {strides = array<i32>} : memref<2x8x128xf32, #tpu.memory_space<vmem>>, vector<16xf32>,
        %swap3A_979 = arith.index_cast %select_n3A_918 : i32 to index
        %swap3A_980 = arith.index_cast %select_n3A_934 : i32 to index
        %swap3A_981 = arith.constant 48 : index
        %swap3A_982 = tpu.vector_load %arg14[%swap3A_979, %swap3A_980, %swap3A_981] {strides = array<i32>} : memref<2x8x128xf32, #tpu.memory_space<vmem>>, vector<16xf32>,
        tpu.vector_store %arg14[%swap3A_979, %swap3A_980, %swap3A_981], %add3A_830 {strides = array<i32>} : memref<2x8x128xf32, #tpu.memory_space<vmem>>, vector<16xf32>,
        %swap3A_983 = arith.index_cast %select_n3A_918 : i32 to index
        %swap3A_984 = arith.index_cast %select_n3A_934 : i32 to index
        %swap3A_985 = arith.constant 64 : index
        %swap3A_986 = tpu.vector_load %arg12[%swap3A_983, %swap3A_984, %swap3A_985] {strides = array<i32>} : memref<2x8x128xf32, #tpu.memory_space<vmem>>, vector<16xf32>,
        tpu.vector_store %arg12[%swap3A_983, %swap3A_984, %swap3A_985], %min3A_840 {strides = array<i32>} : memref<2x8x128xf32, #tpu.memory_space<vmem>>, vector<16xf32>,
        %swap3A_987 = arith.index_cast %select_n3A_918 : i32 to index
        %swap3A_988 = arith.index_cast %select_n3A_934 : i32 to index
        %swap3A_989 = arith.constant 64 : index
        %swap3A_990 = tpu.vector_load %arg13[%swap3A_987, %swap3A_988, %swap3A_989] {strides = array<i32>} : memref<2x8x128xf32, #tpu.memory_space<vmem>>, vector<16xf32>,
        tpu.vector_store %arg13[%swap3A_987, %swap3A_988, %swap3A_989], %max3A_841 {strides = array<i32>} : memref<2x8x128xf32, #tpu.memory_space<vmem>>, vector<16xf32>,
        %swap3A_991 = arith.index_cast %select_n3A_918 : i32 to index
        %swap3A_992 = arith.index_cast %select_n3A_934 : i32 to index
        %swap3A_993 = arith.constant 64 : index
        %swap3A_994 = tpu.vector_load %arg14[%swap3A_991, %swap3A_992, %swap3A_993] {strides = array<i32>} : memref<2x8x128xf32, #tpu.memory_space<vmem>>, vector<16xf32>,
        tpu.vector_store %arg14[%swap3A_991, %swap3A_992, %swap3A_993], %add3A_842 {strides = array<i32>} : memref<2x8x128xf32, #tpu.memory_space<vmem>>, vector<16xf32>,
        %swap3A_995 = arith.index_cast %select_n3A_918 : i32 to index
        %swap3A_996 = arith.index_cast %select_n3A_934 : i32 to index
        %swap3A_997 = arith.constant 80 : index
        %swap3A_998 = tpu.vector_load %arg12[%swap3A_995, %swap3A_996, %swap3A_997] {strides = array<i32>} : memref<2x8x128xf32, #tpu.memory_space<vmem>>, vector<16xf32>,
        tpu.vector_store %arg12[%swap3A_995, %swap3A_996, %swap3A_997], %min3A_852 {strides = array<i32>} : memref<2x8x128xf32, #tpu.memory_space<vmem>>, vector<16xf32>,
        %swap3A_999 = arith.index_cast %select_n3A_918 : i32 to index
        %swap3A_1000 = arith.index_cast %select_n3A_934 : i32 to index
        %swap3A_1001 = arith.constant 80 : index
        %swap3A_1002 = tpu.vector_load %arg13[%swap3A_999, %swap3A_1000, %swap3A_1001] {strides = array<i32>} : memref<2x8x128xf32, #tpu.memory_space<vmem>>, vector<16xf32>,
        tpu.vector_store %arg13[%swap3A_999, %swap3A_1000, %swap3A_1001], %max3A_853 {strides = array<i32>} : memref<2x8x128xf32, #tpu.memory_space<vmem>>, vector<16xf32>,
        %swap3A_1003 = arith.index_cast %select_n3A_918 : i32 to index
        %swap3A_1004 = arith.index_cast %select_n3A_934 : i32 to index
        %swap3A_1005 = arith.constant 80 : index
        %swap3A_1006 = tpu.vector_load %arg14[%swap3A_1003, %swap3A_1004, %swap3A_1005] {strides = array<i32>} : memref<2x8x128xf32, #tpu.memory_space<vmem>>, vector<16xf32>,
        tpu.vector_store %arg14[%swap3A_1003, %swap3A_1004, %swap3A_1005], %add3A_854 {strides = array<i32>} : memref<2x8x128xf32, #tpu.memory_space<vmem>>, vector<16xf32>,
        %swap3A_1007 = arith.index_cast %select_n3A_918 : i32 to index
        %swap3A_1008 = arith.index_cast %select_n3A_934 : i32 to index
        %swap3A_1009 = arith.constant 96 : index
        %swap3A_1010 = tpu.vector_load %arg12[%swap3A_1007, %swap3A_1008, %swap3A_1009] {strides = array<i32>} : memref<2x8x128xf32, #tpu.memory_space<vmem>>, vector<16xf32>,
        tpu.vector_store %arg12[%swap3A_1007, %swap3A_1008, %swap3A_1009], %min3A_864 {strides = array<i32>} : memref<2x8x128xf32, #tpu.memory_space<vmem>>, vector<16xf32>,
        %swap3A_1011 = arith.index_cast %select_n3A_918 : i32 to index
        %swap3A_1012 = arith.index_cast %select_n3A_934 : i32 to index
        %swap3A_1013 = arith.constant 96 : index
        %swap3A_1014 = tpu.vector_load %arg13[%swap3A_1011, %swap3A_1012, %swap3A_1013] {strides = array<i32>} : memref<2x8x128xf32, #tpu.memory_space<vmem>>, vector<16xf32>,
        tpu.vector_store %arg13[%swap3A_1011, %swap3A_1012, %swap3A_1013], %max3A_865 {strides = array<i32>} : memref<2x8x128xf32, #tpu.memory_space<vmem>>, vector<16xf32>,
        %swap3A_1015 = arith.index_cast %select_n3A_918 : i32 to index
        %swap3A_1016 = arith.index_cast %select_n3A_934 : i32 to index
        %swap3A_1017 = arith.constant 96 : index
        %swap3A_1018 = tpu.vector_load %arg14[%swap3A_1015, %swap3A_1016, %swap3A_1017] {strides = array<i32>} : memref<2x8x128xf32, #tpu.memory_space<vmem>>, vector<16xf32>,
        tpu.vector_store %arg14[%swap3A_1015, %swap3A_1016, %swap3A_1017], %add3A_866 {strides = array<i32>} : memref<2x8x128xf32, #tpu.memory_space<vmem>>, vector<16xf32>,
        %swap3A_1019 = arith.index_cast %select_n3A_918 : i32 to index
        %swap3A_1020 = arith.index_cast %select_n3A_934 : i32 to index
        %swap3A_1021 = arith.constant 112 : index
        %swap3A_1022 = tpu.vector_load %arg12[%swap3A_1019, %swap3A_1020, %swap3A_1021] {strides = array<i32>} : memref<2x8x128xf32, #tpu.memory_space<vmem>>, vector<16xf32>,
        tpu.vector_store %arg12[%swap3A_1019, %swap3A_1020, %swap3A_1021], %min3A_876 {strides = array<i32>} : memref<2x8x128xf32, #tpu.memory_space<vmem>>, vector<16xf32>,
        %swap3A_1023 = arith.index_cast %select_n3A_918 : i32 to index
        %swap3A_1024 = arith.index_cast %select_n3A_934 : i32 to index
        %swap3A_1025 = arith.constant 112 : index
        %swap3A_1026 = tpu.vector_load %arg13[%swap3A_1023, %swap3A_1024, %swap3A_1025] {strides = array<i32>} : memref<2x8x128xf32, #tpu.memory_space<vmem>>, vector<16xf32>,
        tpu.vector_store %arg13[%swap3A_1023, %swap3A_1024, %swap3A_1025], %max3A_877 {strides = array<i32>} : memref<2x8x128xf32, #tpu.memory_space<vmem>>, vector<16xf32>,
        %swap3A_1027 = arith.index_cast %select_n3A_918 : i32 to index
        %swap3A_1028 = arith.index_cast %select_n3A_934 : i32 to index
        %swap3A_1029 = arith.constant 112 : index
        %swap3A_1030 = tpu.vector_load %arg14[%swap3A_1027, %swap3A_1028, %swap3A_1029] {strides = array<i32>} : memref<2x8x128xf32, #tpu.memory_space<vmem>>, vector<16xf32>,
        tpu.vector_store %arg14[%swap3A_1027, %swap3A_1028, %swap3A_1029], %add3A_878 {strides = array<i32>} : memref<2x8x128xf32, #tpu.memory_space<vmem>>, vector<16xf32>,
        %jit3A_1031 = arith.constant 8 : i32
        %eq3A_1032 = arith.constant 0 : i32
        %eq3A_1033 = arith.cmpi eq, %jit3A_1031, %eq3A_1032 : i32
        %jit3A_1034 = arith.constant 1 : i32
        %select_n3A_1035 = arith.select %eq3A_1033, %jit3A_1034, %jit3A_1031 : i32
        %rem3A_1036 = arith.remsi %sub3A_639, %select_n3A_1035 : i32
        %ne3A_1037 = arith.constant 0 : i32
        %ne3A_1038 = arith.cmpi ne, %rem3A_1036, %ne3A_1037 : i32
        %lt3A_1039 = arith.constant 0 : i32
        %lt3A_1040 = arith.cmpi slt, %rem3A_1036, %lt3A_1039 : i32
        %lt3A_1041 = arith.constant 0 : i32
        %lt3A_1042 = arith.cmpi slt, %select_n3A_1035, %lt3A_1041 : i32
        %ne3A_1043 = arith.xori %lt3A_1040, %lt3A_1042 : i1
        %and3A_1044 = arith.andi %ne3A_1043, %ne3A_1038 : i1
        %add3A_1045 = arith.addi %rem3A_1036, %select_n3A_1035 : i32
        %select_n3A_1046 = arith.select %and3A_1044, %add3A_1045, %rem3A_1036 : i32
        %eq3A_1047 = arith.constant 7 : i32
        %eq3A_1048 = arith.cmpi eq, %select_n3A_1046, %eq3A_1047 : i32
        %convert_element_type3A_1049 = arith.extui %eq3A_1048 : i1 to i32
        %cond3A_1050 = arith.constant 0 : i32
        %cond3A_1051 = arith.cmpi ne, %convert_element_type3A_1049, %cond3A_1050 : i32
        scf.if %cond3A_1051 {
          %jit3A_1052 = arith.constant 8 : i32
          %div3A_1053 = arith.divsi %sub3A_639, %jit3A_1052 : i32
          %sign3A_1054 = arith.constant 0 : i32
          %sign3A_1055 = arith.cmpi sgt, %sub3A_639, %sign3A_1054 : i32
          %sign3A_1056 = arith.extui %sign3A_1055 : i1 to i32
          %sign3A_1057 = arith.constant 0 : i32
          %sign3A_1058 = arith.cmpi slt, %sub3A_639, %sign3A_1057 : i32
          %sign3A_1059 = arith.extui %sign3A_1058 : i1 to i32
          %sign3A_1060 = arith.subi %sign3A_1056, %sign3A_1059 : i32
          %sign3A_1061 = arith.constant 0 : i32
          %sign3A_1062 = arith.cmpi sgt, %jit3A_1052, %sign3A_1061 : i32
          %sign3A_1063 = arith.extui %sign3A_1062 : i1 to i32
          %sign3A_1064 = arith.constant 0 : i32
          %sign3A_1065 = arith.cmpi slt, %jit3A_1052, %sign3A_1064 : i32
          %sign3A_1066 = arith.extui %sign3A_1065 : i1 to i32
          %sign3A_1067 = arith.subi %sign3A_1063, %sign3A_1066 : i32
          %ne3A_1068 = arith.cmpi ne, %sign3A_1060, %sign3A_1067 : i32
          %rem3A_1069 = arith.remsi %sub3A_639, %jit3A_1052 : i32
          %ne3A_1070 = arith.constant 0 : i32
          %ne3A_1071 = arith.cmpi ne, %rem3A_1069, %ne3A_1070 : i32
          %and3A_1072 = arith.andi %ne3A_1068, %ne3A_1071 : i1
          %sub3A_1073 = arith.constant 1 : i32
          %sub3A_1074 = arith.subi %div3A_1053, %sub3A_1073 : i32
          %select_n3A_1075 = arith.select %and3A_1072, %sub3A_1074, %div3A_1053 : i32
          %mul3A_1076 = arith.constant 8 : i32
          %mul3A_1077 = arith.muli %mul3A_1076, %select_n3A_1075 : i32
          %add3A_1078 = arith.addi %mul3A_32, %mul3A_1077 : i32
          %jit3A_1079 = arith.constant 2 : i32
          %eq3A_1080 = arith.constant 0 : i32
          %eq3A_1081 = arith.cmpi eq, %jit3A_1079, %eq3A_1080 : i32
          %jit3A_1082 = arith.constant 1 : i32
          %select_n3A_1083 = arith.select %eq3A_1081, %jit3A_1082, %jit3A_1079 : i32
          %rem3A_1084 = arith.remsi %select_n3A_1075, %select_n3A_1083 : i32
          %ne3A_1085 = arith.constant 0 : i32
          %ne3A_1086 = arith.cmpi ne, %rem3A_1084, %ne3A_1085 : i32
          %lt3A_1087 = arith.constant 0 : i32
          %lt3A_1088 = arith.cmpi slt, %rem3A_1084, %lt3A_1087 : i32
          %lt3A_1089 = arith.constant 0 : i32
          %lt3A_1090 = arith.cmpi slt, %select_n3A_1083, %lt3A_1089 : i32
          %ne3A_1091 = arith.xori %lt3A_1088, %lt3A_1090 : i1
          %and3A_1092 = arith.andi %ne3A_1091, %ne3A_1086 : i1
          %add3A_1093 = arith.addi %rem3A_1084, %select_n3A_1083 : i32
          %select_n3A_1094 = arith.select %and3A_1092, %add3A_1093, %rem3A_1084 : i32
          %dma_start3A_1095 = arith.constant 0 : i32
          %dma_start3A_1096 = arith.constant 0 : i32
          %dma_start3A_1097 = tpu.memref_slice %arg12[%select_n3A_1094, %dma_start3A_1095, %dma_start3A_1096] : memref<2x8x128xf32, #tpu.memory_space<vmem>> -> memref<1x8x128xf32, #tpu.memory_space<vmem>>
          %dma_start3A_1098 = tpu.memref_squeeze %dma_start3A_1097 : memref<1x8x128xf32, #tpu.memory_space<vmem>> -> memref<8x128xf32, #tpu.memory_space<vmem>>
          %dma_start3A_1099 = arith.constant 0 : i32
          %dma_start3A_1100 = tpu.memref_slice %arg4[%select_n3A, %add3A_1078, %dma_start3A_1099] : memref<16x1024x128xf32, #tpu.memory_space<hbm>> -> memref<1x8x128xf32, #tpu.memory_space<hbm>>
          %dma_start3A_1101 = tpu.memref_squeeze %dma_start3A_1100 : memref<1x8x128xf32, #tpu.memory_space<hbm>> -> memref<8x128xf32, #tpu.memory_space<hbm>>
          %dma_start3A_1102 = arith.constant 0 : i32
          %dma_start3A_1103 = tpu.memref_slice %arg4[%select_n3A, %add3A_1078, %dma_start3A_1102] : memref<16x1024x128xf32, #tpu.memory_space<hbm>> -> memref<1x8x128xf32, #tpu.memory_space<hbm>>
          %dma_start3A_1104 = tpu.memref_squeeze %dma_start3A_1103 : memref<1x8x128xf32, #tpu.memory_space<hbm>> -> memref<8x128xf32, #tpu.memory_space<hbm>>
          %dma_start3A_1105 = arith.constant 0 : i32
          %dma_start3A_1106 = arith.constant 0 : i32
          %dma_start3A_1107 = tpu.memref_slice %arg12[%select_n3A_1094, %dma_start3A_1105, %dma_start3A_1106] : memref<2x8x128xf32, #tpu.memory_space<vmem>> -> memref<1x8x128xf32, #tpu.memory_space<vmem>>
          %dma_start3A_1108 = tpu.memref_squeeze %dma_start3A_1107 : memref<1x8x128xf32, #tpu.memory_space<vmem>> -> memref<8x128xf32, #tpu.memory_space<vmem>>
          tpu.enqueue_dma source(%dma_start3A_1108 : memref<8x128xf32, #tpu.memory_space<vmem>>) target(%dma_start3A_1104 : memref<8x128xf32, #tpu.memory_space<hbm>>) target_semaphore(%arg18 : memref<!tpu.dma_semaphore, #tpu.memory_space<semaphore_mem>>)
          %dma_start3A_1109 = arith.constant 0 : i32
          %dma_start3A_1110 = arith.constant 0 : i32
          %dma_start3A_1111 = tpu.memref_slice %arg13[%select_n3A_1094, %dma_start3A_1109, %dma_start3A_1110] : memref<2x8x128xf32, #tpu.memory_space<vmem>> -> memref<1x8x128xf32, #tpu.memory_space<vmem>>
          %dma_start3A_1112 = tpu.memref_squeeze %dma_start3A_1111 : memref<1x8x128xf32, #tpu.memory_space<vmem>> -> memref<8x128xf32, #tpu.memory_space<vmem>>
          %dma_start3A_1113 = arith.constant 0 : i32
          %dma_start3A_1114 = tpu.memref_slice %arg5[%select_n3A, %add3A_1078, %dma_start3A_1113] : memref<16x1024x128xf32, #tpu.memory_space<hbm>> -> memref<1x8x128xf32, #tpu.memory_space<hbm>>
          %dma_start3A_1115 = tpu.memref_squeeze %dma_start3A_1114 : memref<1x8x128xf32, #tpu.memory_space<hbm>> -> memref<8x128xf32, #tpu.memory_space<hbm>>
          %dma_start3A_1116 = arith.constant 0 : i32
          %dma_start3A_1117 = tpu.memref_slice %arg5[%select_n3A, %add3A_1078, %dma_start3A_1116] : memref<16x1024x128xf32, #tpu.memory_space<hbm>> -> memref<1x8x128xf32, #tpu.memory_space<hbm>>
          %dma_start3A_1118 = tpu.memref_squeeze %dma_start3A_1117 : memref<1x8x128xf32, #tpu.memory_space<hbm>> -> memref<8x128xf32, #tpu.memory_space<hbm>>
          %dma_start3A_1119 = arith.constant 0 : i32
          %dma_start3A_1120 = arith.constant 0 : i32
          %dma_start3A_1121 = tpu.memref_slice %arg13[%select_n3A_1094, %dma_start3A_1119, %dma_start3A_1120] : memref<2x8x128xf32, #tpu.memory_space<vmem>> -> memref<1x8x128xf32, #tpu.memory_space<vmem>>
          %dma_start3A_1122 = tpu.memref_squeeze %dma_start3A_1121 : memref<1x8x128xf32, #tpu.memory_space<vmem>> -> memref<8x128xf32, #tpu.memory_space<vmem>>
          tpu.enqueue_dma source(%dma_start3A_1122 : memref<8x128xf32, #tpu.memory_space<vmem>>) target(%dma_start3A_1118 : memref<8x128xf32, #tpu.memory_space<hbm>>) target_semaphore(%arg18 : memref<!tpu.dma_semaphore, #tpu.memory_space<semaphore_mem>>)
          %dma_start3A_1123 = arith.constant 0 : i32
          %dma_start3A_1124 = arith.constant 0 : i32
          %dma_start3A_1125 = tpu.memref_slice %arg14[%select_n3A_1094, %dma_start3A_1123, %dma_start3A_1124] : memref<2x8x128xf32, #tpu.memory_space<vmem>> -> memref<1x8x128xf32, #tpu.memory_space<vmem>>
          %dma_start3A_1126 = tpu.memref_squeeze %dma_start3A_1125 : memref<1x8x128xf32, #tpu.memory_space<vmem>> -> memref<8x128xf32, #tpu.memory_space<vmem>>
          %dma_start3A_1127 = arith.constant 0 : i32
          %dma_start3A_1128 = tpu.memref_slice %arg6[%select_n3A, %add3A_1078, %dma_start3A_1127] : memref<16x1024x128xf32, #tpu.memory_space<hbm>> -> memref<1x8x128xf32, #tpu.memory_space<hbm>>
          %dma_start3A_1129 = tpu.memref_squeeze %dma_start3A_1128 : memref<1x8x128xf32, #tpu.memory_space<hbm>> -> memref<8x128xf32, #tpu.memory_space<hbm>>
          %dma_start3A_1130 = arith.constant 0 : i32
          %dma_start3A_1131 = tpu.memref_slice %arg6[%select_n3A, %add3A_1078, %dma_start3A_1130] : memref<16x1024x128xf32, #tpu.memory_space<hbm>> -> memref<1x8x128xf32, #tpu.memory_space<hbm>>
          %dma_start3A_1132 = tpu.memref_squeeze %dma_start3A_1131 : memref<1x8x128xf32, #tpu.memory_space<hbm>> -> memref<8x128xf32, #tpu.memory_space<hbm>>
          %dma_start3A_1133 = arith.constant 0 : i32
          %dma_start3A_1134 = arith.constant 0 : i32
          %dma_start3A_1135 = tpu.memref_slice %arg14[%select_n3A_1094, %dma_start3A_1133, %dma_start3A_1134] : memref<2x8x128xf32, #tpu.memory_space<vmem>> -> memref<1x8x128xf32, #tpu.memory_space<vmem>>
          %dma_start3A_1136 = tpu.memref_squeeze %dma_start3A_1135 : memref<1x8x128xf32, #tpu.memory_space<vmem>> -> memref<8x128xf32, #tpu.memory_space<vmem>>
          tpu.enqueue_dma source(%dma_start3A_1136 : memref<8x128xf32, #tpu.memory_space<vmem>>) target(%dma_start3A_1132 : memref<8x128xf32, #tpu.memory_space<hbm>>) target_semaphore(%arg18 : memref<!tpu.dma_semaphore, #tpu.memory_space<semaphore_mem>>)
        } else {
        }
      } else {
      }
      %lt3A_643 = arith.constant 512 : i32
      %lt3A_644 = arith.cmpi slt, %scan3A_637, %lt3A_643 : i32
      %convert_element_type3A_645 = arith.extui %lt3A_644 : i1 to i32
      %cond3A_646 = arith.constant 0 : i32
      %cond3A_647 = arith.cmpi ne, %convert_element_type3A_645, %cond3A_646 : i32
      scf.if %cond3A_647 {
        %jit3A_648 = arith.constant 8 : i32
        %eq3A_649 = arith.constant 0 : i32
        %eq3A_650 = arith.cmpi eq, %jit3A_648, %eq3A_649 : i32
        %jit3A_651 = arith.constant 1 : i32
        %select_n3A_652 = arith.select %eq3A_650, %jit3A_651, %jit3A_648 : i32
        %rem3A_653 = arith.remsi %scan3A_637, %select_n3A_652 : i32
        %ne3A_654 = arith.constant 0 : i32
        %ne3A_655 = arith.cmpi ne, %rem3A_653, %ne3A_654 : i32
        %lt3A_656 = arith.constant 0 : i32
        %lt3A_657 = arith.cmpi slt, %rem3A_653, %lt3A_656 : i32
        %lt3A_658 = arith.constant 0 : i32
        %lt3A_659 = arith.cmpi slt, %select_n3A_652, %lt3A_658 : i32
        %ne3A_660 = arith.xori %lt3A_657, %lt3A_659 : i1
        %and3A_661 = arith.andi %ne3A_660, %ne3A_655 : i1
        %add3A_662 = arith.addi %rem3A_653, %select_n3A_652 : i32
        %select_n3A_663 = arith.select %and3A_661, %add3A_662, %rem3A_653 : i32
        %eq3A_664 = arith.constant 0 : i32
        %eq3A_665 = arith.cmpi eq, %select_n3A_663, %eq3A_664 : i32
        %convert_element_type3A_666 = arith.extui %eq3A_665 : i1 to i32
        %cond3A_667 = arith.constant 0 : i32
        %cond3A_668 = arith.cmpi ne, %convert_element_type3A_666, %cond3A_667 : i32
        scf.if %cond3A_668 {
          %jit3A_822 = arith.constant 8 : i32
          %div3A_823 = arith.divsi %scan3A_637, %jit3A_822 : i32
          %sign3A_824 = arith.constant 0 : i32
          %sign3A_825 = arith.cmpi sgt, %scan3A_637, %sign3A_824 : i32
          %sign3A_826 = arith.extui %sign3A_825 : i1 to i32
          %sign3A_827 = arith.constant 0 : i32
          %sign3A_828 = arith.cmpi slt, %scan3A_637, %sign3A_827 : i32
          %sign3A_829 = arith.extui %sign3A_828 : i1 to i32
          %sign3A_830 = arith.subi %sign3A_826, %sign3A_829 : i32
          %sign3A_831 = arith.constant 0 : i32
          %sign3A_832 = arith.cmpi sgt, %jit3A_822, %sign3A_831 : i32
          %sign3A_833 = arith.extui %sign3A_832 : i1 to i32
          %sign3A_834 = arith.constant 0 : i32
          %sign3A_835 = arith.cmpi slt, %jit3A_822, %sign3A_834 : i32
          %sign3A_836 = arith.extui %sign3A_835 : i1 to i32
          %sign3A_837 = arith.subi %sign3A_833, %sign3A_836 : i32
          %ne3A_838 = arith.cmpi ne, %sign3A_830, %sign3A_837 : i32
          %rem3A_839 = arith.remsi %scan3A_637, %jit3A_822 : i32
          %ne3A_840 = arith.constant 0 : i32
          %ne3A_841 = arith.cmpi ne, %rem3A_839, %ne3A_840 : i32
          %and3A_842 = arith.andi %ne3A_838, %ne3A_841 : i1
          %sub3A_843 = arith.constant 1 : i32
          %sub3A_844 = arith.subi %div3A_823, %sub3A_843 : i32
          %select_n3A_845 = arith.select %and3A_842, %sub3A_844, %div3A_823 : i32
          %mul3A_846 = arith.constant 8 : i32
          %mul3A_847 = arith.muli %mul3A_846, %select_n3A_845 : i32
          %add3A_848 = arith.addi %mul3A_32, %mul3A_847 : i32
          %jit3A_849 = arith.constant 2 : i32
          %eq3A_850 = arith.constant 0 : i32
          %eq3A_851 = arith.cmpi eq, %jit3A_849, %eq3A_850 : i32
          %jit3A_852 = arith.constant 1 : i32
          %select_n3A_853 = arith.select %eq3A_851, %jit3A_852, %jit3A_849 : i32
          %rem3A_854 = arith.remsi %select_n3A_845, %select_n3A_853 : i32
          %ne3A_855 = arith.constant 0 : i32
          %ne3A_856 = arith.cmpi ne, %rem3A_854, %ne3A_855 : i32
          %lt3A_857 = arith.constant 0 : i32
          %lt3A_858 = arith.cmpi slt, %rem3A_854, %lt3A_857 : i32
          %lt3A_859 = arith.constant 0 : i32
          %lt3A_860 = arith.cmpi slt, %select_n3A_853, %lt3A_859 : i32
          %ne3A_861 = arith.xori %lt3A_858, %lt3A_860 : i1
          %and3A_862 = arith.andi %ne3A_861, %ne3A_856 : i1
          %add3A_863 = arith.addi %rem3A_854, %select_n3A_853 : i32
          %select_n3A_864 = arith.select %and3A_862, %add3A_863, %rem3A_854 : i32
          %dma_wait3A_865 = arith.constant 0 : i32
          %dma_wait3A_866 = arith.constant 0 : i32
          %dma_wait3A_867 = tpu.memref_slice %arg8[%select_n3A_864, %dma_wait3A_865, %dma_wait3A_866] : memref<2x8x1024xf32, #tpu.memory_space<vmem>> -> memref<1x8x1024xf32, #tpu.memory_space<vmem>>
          %dma_wait3A_868 = tpu.memref_squeeze %dma_wait3A_867 : memref<1x8x1024xf32, #tpu.memory_space<vmem>> -> memref<8x1024xf32, #tpu.memory_space<vmem>>
          %dma_wait3A_869 = arith.constant 0 : i32
          %dma_wait3A_870 = tpu.memref_slice %arg2[%select_n3A, %add3A_848, %dma_wait3A_869] : memref<16x1024x1024xf32, #tpu.memory_space<hbm>> -> memref<1x8x1024xf32, #tpu.memory_space<hbm>>
          %dma_wait3A_871 = tpu.memref_squeeze %dma_wait3A_870 : memref<1x8x1024xf32, #tpu.memory_space<hbm>> -> memref<8x1024xf32, #tpu.memory_space<hbm>>
          %dma_wait3A_872 = arith.constant 0 : i32
          %dma_wait3A_873 = arith.constant 0 : i32
          %dma_wait3A_874 = tpu.memref_slice %arg8[%select_n3A_864, %dma_wait3A_872, %dma_wait3A_873] : memref<2x8x1024xf32, #tpu.memory_space<vmem>> -> memref<1x8x1024xf32, #tpu.memory_space<vmem>>
          %dma_wait3A_875 = tpu.memref_squeeze %dma_wait3A_874 : memref<1x8x1024xf32, #tpu.memory_space<vmem>> -> memref<8x1024xf32, #tpu.memory_space<vmem>>
          %dma_wait3A_876 = arith.constant 0 : i32
          %dma_wait3A_877 = tpu.memref_slice %arg2[%select_n3A, %add3A_848, %dma_wait3A_876] : memref<16x1024x1024xf32, #tpu.memory_space<hbm>> -> memref<1x8x1024xf32, #tpu.memory_space<hbm>>
          %dma_wait3A_878 = tpu.memref_squeeze %dma_wait3A_877 : memref<1x8x1024xf32, #tpu.memory_space<hbm>> -> memref<8x1024xf32, #tpu.memory_space<hbm>>
          tpu.wait_dma2 semaphore(%arg16 : memref<!tpu.dma_semaphore, #tpu.memory_space<semaphore_mem>>) src(%dma_wait3A_878 : memref<8x1024xf32, #tpu.memory_space<hbm>>) dst(%dma_wait3A_875 : memref<8x1024xf32, #tpu.memory_space<vmem>>)
          %jit3A_879 = arith.constant 8 : i32
          %div3A_880 = arith.divsi %scan3A_637, %jit3A_879 : i32
          %sign3A_881 = arith.constant 0 : i32
          %sign3A_882 = arith.cmpi sgt, %scan3A_637, %sign3A_881 : i32
          %sign3A_883 = arith.extui %sign3A_882 : i1 to i32
          %sign3A_884 = arith.constant 0 : i32
          %sign3A_885 = arith.cmpi slt, %scan3A_637, %sign3A_884 : i32
          %sign3A_886 = arith.extui %sign3A_885 : i1 to i32
          %sign3A_887 = arith.subi %sign3A_883, %sign3A_886 : i32
          %sign3A_888 = arith.constant 0 : i32
          %sign3A_889 = arith.cmpi sgt, %jit3A_879, %sign3A_888 : i32
          %sign3A_890 = arith.extui %sign3A_889 : i1 to i32
          %sign3A_891 = arith.constant 0 : i32
          %sign3A_892 = arith.cmpi slt, %jit3A_879, %sign3A_891 : i32
          %sign3A_893 = arith.extui %sign3A_892 : i1 to i32
          %sign3A_894 = arith.subi %sign3A_890, %sign3A_893 : i32
          %ne3A_895 = arith.cmpi ne, %sign3A_887, %sign3A_894 : i32
          %rem3A_896 = arith.remsi %scan3A_637, %jit3A_879 : i32
          %ne3A_897 = arith.constant 0 : i32
          %ne3A_898 = arith.cmpi ne, %rem3A_896, %ne3A_897 : i32
          %and3A_899 = arith.andi %ne3A_895, %ne3A_898 : i1
          %sub3A_900 = arith.constant 1 : i32
          %sub3A_901 = arith.subi %div3A_880, %sub3A_900 : i32
          %select_n3A_902 = arith.select %and3A_899, %sub3A_901, %div3A_880 : i32
          %add3A_903 = arith.constant 1 : i32
          %add3A_904 = arith.addi %select_n3A_902, %add3A_903 : i32
          %lt3A_905 = arith.constant 64 : i32
          %lt3A_906 = arith.cmpi slt, %add3A_904, %lt3A_905 : i32
          %convert_element_type3A_907 = arith.extui %lt3A_906 : i1 to i32
          %cond3A_908 = arith.constant 0 : i32
          %cond3A_909 = arith.cmpi ne, %convert_element_type3A_907, %cond3A_908 : i32
          scf.if %cond3A_909 {
            %jit3A_910 = arith.constant 8 : i32
            %div3A_911 = arith.divsi %scan3A_637, %jit3A_910 : i32
            %sign3A_912 = arith.constant 0 : i32
            %sign3A_913 = arith.cmpi sgt, %scan3A_637, %sign3A_912 : i32
            %sign3A_914 = arith.extui %sign3A_913 : i1 to i32
            %sign3A_915 = arith.constant 0 : i32
            %sign3A_916 = arith.cmpi slt, %scan3A_637, %sign3A_915 : i32
            %sign3A_917 = arith.extui %sign3A_916 : i1 to i32
            %sign3A_918 = arith.subi %sign3A_914, %sign3A_917 : i32
            %sign3A_919 = arith.constant 0 : i32
            %sign3A_920 = arith.cmpi sgt, %jit3A_910, %sign3A_919 : i32
            %sign3A_921 = arith.extui %sign3A_920 : i1 to i32
            %sign3A_922 = arith.constant 0 : i32
            %sign3A_923 = arith.cmpi slt, %jit3A_910, %sign3A_922 : i32
            %sign3A_924 = arith.extui %sign3A_923 : i1 to i32
            %sign3A_925 = arith.subi %sign3A_921, %sign3A_924 : i32
            %ne3A_926 = arith.cmpi ne, %sign3A_918, %sign3A_925 : i32
            %rem3A_927 = arith.remsi %scan3A_637, %jit3A_910 : i32
            %ne3A_928 = arith.constant 0 : i32
            %ne3A_929 = arith.cmpi ne, %rem3A_927, %ne3A_928 : i32
            %and3A_930 = arith.andi %ne3A_926, %ne3A_929 : i1
            %sub3A_931 = arith.constant 1 : i32
            %sub3A_932 = arith.subi %div3A_911, %sub3A_931 : i32
            %select_n3A_933 = arith.select %and3A_930, %sub3A_932, %div3A_911 : i32
            %add3A_934 = arith.constant 1 : i32
            %add3A_935 = arith.addi %select_n3A_933, %add3A_934 : i32
            %mul3A_936 = arith.constant 8 : i32
            %mul3A_937 = arith.muli %mul3A_936, %add3A_935 : i32
            %add3A_938 = arith.addi %mul3A_32, %mul3A_937 : i32
            %jit3A_939 = arith.constant 2 : i32
            %eq3A_940 = arith.constant 0 : i32
            %eq3A_941 = arith.cmpi eq, %jit3A_939, %eq3A_940 : i32
            %jit3A_942 = arith.constant 1 : i32
            %select_n3A_943 = arith.select %eq3A_941, %jit3A_942, %jit3A_939 : i32
            %rem3A_944 = arith.remsi %add3A_935, %select_n3A_943 : i32
            %ne3A_945 = arith.constant 0 : i32
            %ne3A_946 = arith.cmpi ne, %rem3A_944, %ne3A_945 : i32
            %lt3A_947 = arith.constant 0 : i32
            %lt3A_948 = arith.cmpi slt, %rem3A_944, %lt3A_947 : i32
            %lt3A_949 = arith.constant 0 : i32
            %lt3A_950 = arith.cmpi slt, %select_n3A_943, %lt3A_949 : i32
            %ne3A_951 = arith.xori %lt3A_948, %lt3A_950 : i1
            %and3A_952 = arith.andi %ne3A_951, %ne3A_946 : i1
            %add3A_953 = arith.addi %rem3A_944, %select_n3A_943 : i32
            %select_n3A_954 = arith.select %and3A_952, %add3A_953, %rem3A_944 : i32
            %dma_start3A_955 = arith.constant 0 : i32
            %dma_start3A_956 = arith.constant 0 : i32
            %dma_start3A_957 = tpu.memref_slice %arg8[%select_n3A_954, %dma_start3A_955, %dma_start3A_956] : memref<2x8x1024xf32, #tpu.memory_space<vmem>> -> memref<1x8x1024xf32, #tpu.memory_space<vmem>>
            %dma_start3A_958 = tpu.memref_squeeze %dma_start3A_957 : memref<1x8x1024xf32, #tpu.memory_space<vmem>> -> memref<8x1024xf32, #tpu.memory_space<vmem>>
            %dma_start3A_959 = arith.constant 0 : i32
            %dma_start3A_960 = tpu.memref_slice %arg2[%select_n3A, %add3A_938, %dma_start3A_959] : memref<16x1024x1024xf32, #tpu.memory_space<hbm>> -> memref<1x8x1024xf32, #tpu.memory_space<hbm>>
            %dma_start3A_961 = tpu.memref_squeeze %dma_start3A_960 : memref<1x8x1024xf32, #tpu.memory_space<hbm>> -> memref<8x1024xf32, #tpu.memory_space<hbm>>
            %dma_start3A_962 = arith.constant 0 : i32
            %dma_start3A_963 = arith.constant 0 : i32
            %dma_start3A_964 = tpu.memref_slice %arg8[%select_n3A_954, %dma_start3A_962, %dma_start3A_963] : memref<2x8x1024xf32, #tpu.memory_space<vmem>> -> memref<1x8x1024xf32, #tpu.memory_space<vmem>>
            %dma_start3A_965 = tpu.memref_squeeze %dma_start3A_964 : memref<1x8x1024xf32, #tpu.memory_space<vmem>> -> memref<8x1024xf32, #tpu.memory_space<vmem>>
            %dma_start3A_966 = arith.constant 0 : i32
            %dma_start3A_967 = tpu.memref_slice %arg2[%select_n3A, %add3A_938, %dma_start3A_966] : memref<16x1024x1024xf32, #tpu.memory_space<hbm>> -> memref<1x8x1024xf32, #tpu.memory_space<hbm>>
            %dma_start3A_968 = tpu.memref_squeeze %dma_start3A_967 : memref<1x8x1024xf32, #tpu.memory_space<hbm>> -> memref<8x1024xf32, #tpu.memory_space<hbm>>
            tpu.enqueue_dma source(%dma_start3A_968 : memref<8x1024xf32, #tpu.memory_space<hbm>>) target(%dma_start3A_965 : memref<8x1024xf32, #tpu.memory_space<vmem>>) target_semaphore(%arg16 : memref<!tpu.dma_semaphore, #tpu.memory_space<semaphore_mem>>)
          } else {
          }
        } else {
        }
        %jit3A_669 = arith.constant 4 : i32
        %eq3A_670 = arith.constant 0 : i32
        %eq3A_671 = arith.cmpi eq, %jit3A_669, %eq3A_670 : i32
        %jit3A_672 = arith.constant 1 : i32
        %select_n3A_673 = arith.select %eq3A_671, %jit3A_672, %jit3A_669 : i32
        %rem3A_674 = arith.remsi %scan3A_637, %select_n3A_673 : i32
        %ne3A_675 = arith.constant 0 : i32
        %ne3A_676 = arith.cmpi ne, %rem3A_674, %ne3A_675 : i32
        %lt3A_677 = arith.constant 0 : i32
        %lt3A_678 = arith.cmpi slt, %rem3A_674, %lt3A_677 : i32
        %lt3A_679 = arith.constant 0 : i32
        %lt3A_680 = arith.cmpi slt, %select_n3A_673, %lt3A_679 : i32
        %ne3A_681 = arith.xori %lt3A_678, %lt3A_680 : i1
        %and3A_682 = arith.andi %ne3A_681, %ne3A_676 : i1
        %add3A_683 = arith.addi %rem3A_674, %select_n3A_673 : i32
        %select_n3A_684 = arith.select %and3A_682, %add3A_683, %rem3A_674 : i32
        %jit3A_685 = arith.constant 8 : i32
        %div3A_686 = arith.divsi %scan3A_637, %jit3A_685 : i32
        %sign3A_687 = arith.constant 0 : i32
        %sign3A_688 = arith.cmpi sgt, %scan3A_637, %sign3A_687 : i32
        %sign3A_689 = arith.extui %sign3A_688 : i1 to i32
        %sign3A_690 = arith.constant 0 : i32
        %sign3A_691 = arith.cmpi slt, %scan3A_637, %sign3A_690 : i32
        %sign3A_692 = arith.extui %sign3A_691 : i1 to i32
        %sign3A_693 = arith.subi %sign3A_689, %sign3A_692 : i32
        %sign3A_694 = arith.constant 0 : i32
        %sign3A_695 = arith.cmpi sgt, %jit3A_685, %sign3A_694 : i32
        %sign3A_696 = arith.extui %sign3A_695 : i1 to i32
        %sign3A_697 = arith.constant 0 : i32
        %sign3A_698 = arith.cmpi slt, %jit3A_685, %sign3A_697 : i32
        %sign3A_699 = arith.extui %sign3A_698 : i1 to i32
        %sign3A_700 = arith.subi %sign3A_696, %sign3A_699 : i32
        %ne3A_701 = arith.cmpi ne, %sign3A_693, %sign3A_700 : i32
        %rem3A_702 = arith.remsi %scan3A_637, %jit3A_685 : i32
        %ne3A_703 = arith.constant 0 : i32
        %ne3A_704 = arith.cmpi ne, %rem3A_702, %ne3A_703 : i32
        %and3A_705 = arith.andi %ne3A_701, %ne3A_704 : i1
        %sub3A_706 = arith.constant 1 : i32
        %sub3A_707 = arith.subi %div3A_686, %sub3A_706 : i32
        %select_n3A_708 = arith.select %and3A_705, %sub3A_707, %div3A_686 : i32
        %jit3A_709 = arith.constant 2 : i32
        %eq3A_710 = arith.constant 0 : i32
        %eq3A_711 = arith.cmpi eq, %jit3A_709, %eq3A_710 : i32
        %jit3A_712 = arith.constant 1 : i32
        %select_n3A_713 = arith.select %eq3A_711, %jit3A_712, %jit3A_709 : i32
        %rem3A_714 = arith.remsi %select_n3A_708, %select_n3A_713 : i32
        %ne3A_715 = arith.constant 0 : i32
        %ne3A_716 = arith.cmpi ne, %rem3A_714, %ne3A_715 : i32
        %lt3A_717 = arith.constant 0 : i32
        %lt3A_718 = arith.cmpi slt, %rem3A_714, %lt3A_717 : i32
        %lt3A_719 = arith.constant 0 : i32
        %lt3A_720 = arith.cmpi slt, %select_n3A_713, %lt3A_719 : i32
        %ne3A_721 = arith.xori %lt3A_718, %lt3A_720 : i1
        %and3A_722 = arith.andi %ne3A_721, %ne3A_716 : i1
        %add3A_723 = arith.addi %rem3A_714, %select_n3A_713 : i32
        %select_n3A_724 = arith.select %and3A_722, %add3A_723, %rem3A_714 : i32
        %jit3A_725 = arith.constant 8 : i32
        %eq3A_726 = arith.constant 0 : i32
        %eq3A_727 = arith.cmpi eq, %jit3A_725, %eq3A_726 : i32
        %jit3A_728 = arith.constant 1 : i32
        %select_n3A_729 = arith.select %eq3A_727, %jit3A_728, %jit3A_725 : i32
        %rem3A_730 = arith.remsi %scan3A_637, %select_n3A_729 : i32
        %ne3A_731 = arith.constant 0 : i32
        %ne3A_732 = arith.cmpi ne, %rem3A_730, %ne3A_731 : i32
        %lt3A_733 = arith.constant 0 : i32
        %lt3A_734 = arith.cmpi slt, %rem3A_730, %lt3A_733 : i32
        %lt3A_735 = arith.constant 0 : i32
        %lt3A_736 = arith.cmpi slt, %select_n3A_729, %lt3A_735 : i32
        %ne3A_737 = arith.xori %lt3A_734, %lt3A_736 : i1
        %and3A_738 = arith.andi %ne3A_737, %ne3A_732 : i1
        %add3A_739 = arith.addi %rem3A_730, %select_n3A_729 : i32
        %select_n3A_740 = arith.select %and3A_738, %add3A_739, %rem3A_730 : i32
        %get3A = arith.index_cast %select_n3A_724 : i32 to index
        %get3A_741 = arith.index_cast %select_n3A_740 : i32 to index
        %get3A_742 = arith.constant 0 : index
        %get3A_743 = tpu.vector_load %arg8[%get3A, %get3A_741, %get3A_742] {strides = array<i32>} : memref<2x8x1024xf32, #tpu.memory_space<vmem>>, vector<16xf32>,
        %get3A_744 = arith.index_cast %select_n3A_724 : i32 to index
        %get3A_745 = arith.index_cast %select_n3A_740 : i32 to index
        %get3A_746 = arith.constant 16 : index
        %get3A_747 = tpu.vector_load %arg8[%get3A_744, %get3A_745, %get3A_746] {strides = array<i32>} : memref<2x8x1024xf32, #tpu.memory_space<vmem>>, vector<16xf32>,
        %get3A_748 = arith.constant 0 : index
        %get3A_749 = tpu.vector_load %arg9[%get3A_748] {strides = array<i32>} : memref<1024xi32, #tpu.memory_space<vmem>>, vector<16xi32>,
        %get3A_750 = arith.constant 16 : index
        %get3A_751 = tpu.vector_load %arg9[%get3A_750] {strides = array<i32>} : memref<1024xi32, #tpu.memory_space<vmem>>, vector<16xi32>,
        %jit3A_752 = arith.constant 2 : i32
        %eq3A_753 = arith.constant 0 : i32
        %eq3A_754 = arith.cmpi eq, %jit3A_752, %eq3A_753 : i32
        %jit3A_755 = arith.constant 1 : i32
        %select_n3A_756 = arith.select %eq3A_754, %jit3A_755, %jit3A_752 : i32
        %rem3A_757 = arith.remsi %scan3A_637, %select_n3A_756 : i32
        %ne3A_758 = arith.constant 0 : i32
        %ne3A_759 = arith.cmpi ne, %rem3A_757, %ne3A_758 : i32
        %lt3A_760 = arith.constant 0 : i32
        %lt3A_761 = arith.cmpi slt, %rem3A_757, %lt3A_760 : i32
        %lt3A_762 = arith.constant 0 : i32
        %lt3A_763 = arith.cmpi slt, %select_n3A_756, %lt3A_762 : i32
        %ne3A_764 = arith.xori %lt3A_761, %lt3A_763 : i1
        %and3A_765 = arith.andi %ne3A_764, %ne3A_759 : i1
        %add3A_766 = arith.addi %rem3A_757, %select_n3A_756 : i32
        %select_n3A_767 = arith.select %and3A_765, %add3A_766, %rem3A_757 : i32
        %mul3A_768 = arith.constant 24 : i32
        %mul3A_769 = arith.muli %select_n3A_767, %mul3A_768 : i32
        %jit3A_770 = arith.constant 2 : i32
        %div3A_771 = arith.divsi %scan3A_637, %jit3A_770 : i32
        %sign3A_772 = arith.constant 0 : i32
        %sign3A_773 = arith.cmpi sgt, %scan3A_637, %sign3A_772 : i32
        %sign3A_774 = arith.extui %sign3A_773 : i1 to i32
        %sign3A_775 = arith.constant 0 : i32
        %sign3A_776 = arith.cmpi slt, %scan3A_637, %sign3A_775 : i32
        %sign3A_777 = arith.extui %sign3A_776 : i1 to i32
        %sign3A_778 = arith.subi %sign3A_774, %sign3A_777 : i32
        %sign3A_779 = arith.constant 0 : i32
        %sign3A_780 = arith.cmpi sgt, %jit3A_770, %sign3A_779 : i32
        %sign3A_781 = arith.extui %sign3A_780 : i1 to i32
        %sign3A_782 = arith.constant 0 : i32
        %sign3A_783 = arith.cmpi slt, %jit3A_770, %sign3A_782 : i32
        %sign3A_784 = arith.extui %sign3A_783 : i1 to i32
        %sign3A_785 = arith.subi %sign3A_781, %sign3A_784 : i32
        %ne3A_786 = arith.cmpi ne, %sign3A_778, %sign3A_785 : i32
        %rem3A_787 = arith.remsi %scan3A_637, %jit3A_770 : i32
        %ne3A_788 = arith.constant 0 : i32
        %ne3A_789 = arith.cmpi ne, %rem3A_787, %ne3A_788 : i32
        %and3A_790 = arith.andi %ne3A_786, %ne3A_789 : i1
        %sub3A_791 = arith.constant 1 : i32
        %sub3A_792 = arith.subi %div3A_771, %sub3A_791 : i32
        %select_n3A_793 = arith.select %and3A_790, %sub3A_792, %div3A_771 : i32
        %jit3A_794 = arith.constant 2 : i32
        %eq3A_795 = arith.constant 0 : i32
        %eq3A_796 = arith.cmpi eq, %jit3A_794, %eq3A_795 : i32
        %jit3A_797 = arith.constant 1 : i32
        %select_n3A_798 = arith.select %eq3A_796, %jit3A_797, %jit3A_794 : i32
        %rem3A_799 = arith.remsi %select_n3A_793, %select_n3A_798 : i32
        %ne3A_800 = arith.constant 0 : i32
        %ne3A_801 = arith.cmpi ne, %rem3A_799, %ne3A_800 : i32
        %lt3A_802 = arith.constant 0 : i32
        %lt3A_803 = arith.cmpi slt, %rem3A_799, %lt3A_802 : i32
        %lt3A_804 = arith.constant 0 : i32
        %lt3A_805 = arith.cmpi slt, %select_n3A_798, %lt3A_804 : i32
        %ne3A_806 = arith.xori %lt3A_803, %lt3A_805 : i1
        %and3A_807 = arith.andi %ne3A_806, %ne3A_801 : i1
        %add3A_808 = arith.addi %rem3A_799, %select_n3A_798 : i32
        %select_n3A_809 = arith.select %and3A_807, %add3A_808, %rem3A_799 : i32
        %add3A_810 = vector.broadcast %mul3A_486 : i32 to vector<16xi32>
        %add3A_811 = arith.addi %get3A_751, %add3A_810 : vector<16xi32>
        %swap3A_812 = arith.index_cast %select_n3A_809 : i32 to index
        %swap3A_813 = arith.index_cast %mul3A_769 : i32 to index
        %swap3A_814 = tpu.vector_load %arg10[%swap3A_812, %swap3A_813] {strides = array<i32>} : memref<2x56xi32, #tpu.memory_space<vmem>>, vector<16xi32>,
        tpu.vector_store %arg10[%swap3A_812, %swap3A_813], %add3A_811 {strides = array<i32>} : memref<2x56xi32, #tpu.memory_space<vmem>>, vector<16xi32>,
        %add3A_815 = arith.constant 16 : i32
        %add3A_816 = arith.addi %mul3A_769, %add3A_815 : i32
        %add3A_817 = vector.broadcast %mul3A_486 : i32 to vector<16xi32>
        %add3A_818 = arith.addi %get3A_749, %add3A_817 : vector<16xi32>
        %swap3A_819 = arith.index_cast %select_n3A_809 : i32 to index
        %swap3A_820 = arith.index_cast %add3A_816 : i32 to index
        %swap3A_821 = tpu.vector_load %arg10[%swap3A_819, %swap3A_820] masked %ge3A_37 {strides = array<i32>} : memref<2x56xi32, #tpu.memory_space<vmem>>, vector<16xi32>, vector<16xi1>
        tpu.vector_store %arg10[%swap3A_819, %swap3A_820], %add3A_818 masked %ge3A_37 {strides = array<i32>} : memref<2x56xi32, #tpu.memory_space<vmem>>, vector<16xi32>, vector<16xi1>
        tpu.vector_store_idx %arg15[%get3A_749], %broadcast_in_dim3A_35 masked %ge3A_37 {add = true} : memref<1024xi32, #tpu.memory_space<vmem>>[vector<16xi32>], vector<16xi32>, vector<16xi1>
        tpu.vector_store_idx %arg15[%get3A_751], %broadcast_in_dim3A_35 {add = true} : memref<1024xi32, #tpu.memory_space<vmem>>[vector<16xi32>], vector<16xi32>,
      } else {
      }
    }
    %scan3A_543 = arith.constant 516 : i32
    %add3A_544 = arith.constant 496 : i32
    %add3A_545 = arith.addi %mul3A_32, %add3A_544 : i32
    %dma_wait3A = arith.constant 0 : i32
    %dma_wait3A_546 = arith.constant 0 : i32
    %dma_wait3A_547 = arith.constant 0 : i32
    %dma_wait3A_548 = tpu.memref_slice %arg12[%dma_wait3A, %dma_wait3A_546, %dma_wait3A_547] : memref<2x8x128xf32, #tpu.memory_space<vmem>> -> memref<1x8x128xf32, #tpu.memory_space<vmem>>
    %dma_wait3A_549 = tpu.memref_squeeze %dma_wait3A_548 : memref<1x8x128xf32, #tpu.memory_space<vmem>> -> memref<8x128xf32, #tpu.memory_space<vmem>>
    %dma_wait3A_550 = arith.constant 0 : i32
    %dma_wait3A_551 = tpu.memref_slice %arg4[%select_n3A, %add3A_545, %dma_wait3A_550] : memref<16x1024x128xf32, #tpu.memory_space<hbm>> -> memref<1x8x128xf32, #tpu.memory_space<hbm>>
    %dma_wait3A_552 = tpu.memref_squeeze %dma_wait3A_551 : memref<1x8x128xf32, #tpu.memory_space<hbm>> -> memref<8x128xf32, #tpu.memory_space<hbm>>
    %dma_wait3A_553 = arith.constant 0 : i32
    %dma_wait3A_554 = tpu.memref_slice %arg4[%select_n3A, %add3A_545, %dma_wait3A_553] : memref<16x1024x128xf32, #tpu.memory_space<hbm>> -> memref<1x8x128xf32, #tpu.memory_space<hbm>>
    %dma_wait3A_555 = tpu.memref_squeeze %dma_wait3A_554 : memref<1x8x128xf32, #tpu.memory_space<hbm>> -> memref<8x128xf32, #tpu.memory_space<hbm>>
    %dma_wait3A_556 = arith.constant 0 : i32
    %dma_wait3A_557 = arith.constant 0 : i32
    %dma_wait3A_558 = tpu.memref_slice %arg12[%dma_wait3A, %dma_wait3A_556, %dma_wait3A_557] : memref<2x8x128xf32, #tpu.memory_space<vmem>> -> memref<1x8x128xf32, #tpu.memory_space<vmem>>
    %dma_wait3A_559 = tpu.memref_squeeze %dma_wait3A_558 : memref<1x8x128xf32, #tpu.memory_space<vmem>> -> memref<8x128xf32, #tpu.memory_space<vmem>>
    tpu.wait_dma2 semaphore(%arg18 : memref<!tpu.dma_semaphore, #tpu.memory_space<semaphore_mem>>) src(%dma_wait3A_559 : memref<8x128xf32, #tpu.memory_space<vmem>>) dst(%dma_wait3A_555 : memref<8x128xf32, #tpu.memory_space<hbm>>)
    %dma_wait3A_560 = arith.constant 0 : i32
    %dma_wait3A_561 = arith.constant 0 : i32
    %dma_wait3A_562 = arith.constant 0 : i32
    %dma_wait3A_563 = tpu.memref_slice %arg13[%dma_wait3A_560, %dma_wait3A_561, %dma_wait3A_562] : memref<2x8x128xf32, #tpu.memory_space<vmem>> -> memref<1x8x128xf32, #tpu.memory_space<vmem>>
    %dma_wait3A_564 = tpu.memref_squeeze %dma_wait3A_563 : memref<1x8x128xf32, #tpu.memory_space<vmem>> -> memref<8x128xf32, #tpu.memory_space<vmem>>
    %dma_wait3A_565 = arith.constant 0 : i32
    %dma_wait3A_566 = tpu.memref_slice %arg5[%select_n3A, %add3A_545, %dma_wait3A_565] : memref<16x1024x128xf32, #tpu.memory_space<hbm>> -> memref<1x8x128xf32, #tpu.memory_space<hbm>>
    %dma_wait3A_567 = tpu.memref_squeeze %dma_wait3A_566 : memref<1x8x128xf32, #tpu.memory_space<hbm>> -> memref<8x128xf32, #tpu.memory_space<hbm>>
    %dma_wait3A_568 = arith.constant 0 : i32
    %dma_wait3A_569 = tpu.memref_slice %arg5[%select_n3A, %add3A_545, %dma_wait3A_568] : memref<16x1024x128xf32, #tpu.memory_space<hbm>> -> memref<1x8x128xf32, #tpu.memory_space<hbm>>
    %dma_wait3A_570 = tpu.memref_squeeze %dma_wait3A_569 : memref<1x8x128xf32, #tpu.memory_space<hbm>> -> memref<8x128xf32, #tpu.memory_space<hbm>>
    %dma_wait3A_571 = arith.constant 0 : i32
    %dma_wait3A_572 = arith.constant 0 : i32
    %dma_wait3A_573 = tpu.memref_slice %arg13[%dma_wait3A_560, %dma_wait3A_571, %dma_wait3A_572] : memref<2x8x128xf32, #tpu.memory_space<vmem>> -> memref<1x8x128xf32, #tpu.memory_space<vmem>>
    %dma_wait3A_574 = tpu.memref_squeeze %dma_wait3A_573 : memref<1x8x128xf32, #tpu.memory_space<vmem>> -> memref<8x128xf32, #tpu.memory_space<vmem>>
    tpu.wait_dma2 semaphore(%arg18 : memref<!tpu.dma_semaphore, #tpu.memory_space<semaphore_mem>>) src(%dma_wait3A_574 : memref<8x128xf32, #tpu.memory_space<vmem>>) dst(%dma_wait3A_570 : memref<8x128xf32, #tpu.memory_space<hbm>>)
    %dma_wait3A_575 = arith.constant 0 : i32
    %dma_wait3A_576 = arith.constant 0 : i32
    %dma_wait3A_577 = arith.constant 0 : i32
    %dma_wait3A_578 = tpu.memref_slice %arg14[%dma_wait3A_575, %dma_wait3A_576, %dma_wait3A_577] : memref<2x8x128xf32, #tpu.memory_space<vmem>> -> memref<1x8x128xf32, #tpu.memory_space<vmem>>
    %dma_wait3A_579 = tpu.memref_squeeze %dma_wait3A_578 : memref<1x8x128xf32, #tpu.memory_space<vmem>> -> memref<8x128xf32, #tpu.memory_space<vmem>>
    %dma_wait3A_580 = arith.constant 0 : i32
    %dma_wait3A_581 = tpu.memref_slice %arg6[%select_n3A, %add3A_545, %dma_wait3A_580] : memref<16x1024x128xf32, #tpu.memory_space<hbm>> -> memref<1x8x128xf32, #tpu.memory_space<hbm>>
    %dma_wait3A_582 = tpu.memref_squeeze %dma_wait3A_581 : memref<1x8x128xf32, #tpu.memory_space<hbm>> -> memref<8x128xf32, #tpu.memory_space<hbm>>
    %dma_wait3A_583 = arith.constant 0 : i32
    %dma_wait3A_584 = tpu.memref_slice %arg6[%select_n3A, %add3A_545, %dma_wait3A_583] : memref<16x1024x128xf32, #tpu.memory_space<hbm>> -> memref<1x8x128xf32, #tpu.memory_space<hbm>>
    %dma_wait3A_585 = tpu.memref_squeeze %dma_wait3A_584 : memref<1x8x128xf32, #tpu.memory_space<hbm>> -> memref<8x128xf32, #tpu.memory_space<hbm>>
    %dma_wait3A_586 = arith.constant 0 : i32
    %dma_wait3A_587 = arith.constant 0 : i32
    %dma_wait3A_588 = tpu.memref_slice %arg14[%dma_wait3A_575, %dma_wait3A_586, %dma_wait3A_587] : memref<2x8x128xf32, #tpu.memory_space<vmem>> -> memref<1x8x128xf32, #tpu.memory_space<vmem>>
    %dma_wait3A_589 = tpu.memref_squeeze %dma_wait3A_588 : memref<1x8x128xf32, #tpu.memory_space<vmem>> -> memref<8x128xf32, #tpu.memory_space<vmem>>
    tpu.wait_dma2 semaphore(%arg18 : memref<!tpu.dma_semaphore, #tpu.memory_space<semaphore_mem>>) src(%dma_wait3A_589 : memref<8x128xf32, #tpu.memory_space<vmem>>) dst(%dma_wait3A_585 : memref<8x128xf32, #tpu.memory_space<hbm>>)
    %add3A_590 = arith.constant 504 : i32
    %add3A_591 = arith.addi %mul3A_32, %add3A_590 : i32
    %dma_wait3A_592 = arith.constant 1 : i32
    %dma_wait3A_593 = arith.constant 0 : i32
    %dma_wait3A_594 = arith.constant 0 : i32
    %dma_wait3A_595 = tpu.memref_slice %arg12[%dma_wait3A_592, %dma_wait3A_593, %dma_wait3A_594] : memref<2x8x128xf32, #tpu.memory_space<vmem>> -> memref<1x8x128xf32, #tpu.memory_space<vmem>>
    %dma_wait3A_596 = tpu.memref_squeeze %dma_wait3A_595 : memref<1x8x128xf32, #tpu.memory_space<vmem>> -> memref<8x128xf32, #tpu.memory_space<vmem>>
    %dma_wait3A_597 = arith.constant 0 : i32
    %dma_wait3A_598 = tpu.memref_slice %arg4[%select_n3A, %add3A_591, %dma_wait3A_597] : memref<16x1024x128xf32, #tpu.memory_space<hbm>> -> memref<1x8x128xf32, #tpu.memory_space<hbm>>
    %dma_wait3A_599 = tpu.memref_squeeze %dma_wait3A_598 : memref<1x8x128xf32, #tpu.memory_space<hbm>> -> memref<8x128xf32, #tpu.memory_space<hbm>>
    %dma_wait3A_600 = arith.constant 0 : i32
    %dma_wait3A_601 = tpu.memref_slice %arg4[%select_n3A, %add3A_591, %dma_wait3A_600] : memref<16x1024x128xf32, #tpu.memory_space<hbm>> -> memref<1x8x128xf32, #tpu.memory_space<hbm>>
    %dma_wait3A_602 = tpu.memref_squeeze %dma_wait3A_601 : memref<1x8x128xf32, #tpu.memory_space<hbm>> -> memref<8x128xf32, #tpu.memory_space<hbm>>
    %dma_wait3A_603 = arith.constant 0 : i32
    %dma_wait3A_604 = arith.constant 0 : i32
    %dma_wait3A_605 = tpu.memref_slice %arg12[%dma_wait3A_592, %dma_wait3A_603, %dma_wait3A_604] : memref<2x8x128xf32, #tpu.memory_space<vmem>> -> memref<1x8x128xf32, #tpu.memory_space<vmem>>
    %dma_wait3A_606 = tpu.memref_squeeze %dma_wait3A_605 : memref<1x8x128xf32, #tpu.memory_space<vmem>> -> memref<8x128xf32, #tpu.memory_space<vmem>>
    tpu.wait_dma2 semaphore(%arg18 : memref<!tpu.dma_semaphore, #tpu.memory_space<semaphore_mem>>) src(%dma_wait3A_606 : memref<8x128xf32, #tpu.memory_space<vmem>>) dst(%dma_wait3A_602 : memref<8x128xf32, #tpu.memory_space<hbm>>)
    %dma_wait3A_607 = arith.constant 1 : i32
    %dma_wait3A_608 = arith.constant 0 : i32
    %dma_wait3A_609 = arith.constant 0 : i32
    %dma_wait3A_610 = tpu.memref_slice %arg13[%dma_wait3A_607, %dma_wait3A_608, %dma_wait3A_609] : memref<2x8x128xf32, #tpu.memory_space<vmem>> -> memref<1x8x128xf32, #tpu.memory_space<vmem>>
    %dma_wait3A_611 = tpu.memref_squeeze %dma_wait3A_610 : memref<1x8x128xf32, #tpu.memory_space<vmem>> -> memref<8x128xf32, #tpu.memory_space<vmem>>
    %dma_wait3A_612 = arith.constant 0 : i32
    %dma_wait3A_613 = tpu.memref_slice %arg5[%select_n3A, %add3A_591, %dma_wait3A_612] : memref<16x1024x128xf32, #tpu.memory_space<hbm>> -> memref<1x8x128xf32, #tpu.memory_space<hbm>>
    %dma_wait3A_614 = tpu.memref_squeeze %dma_wait3A_613 : memref<1x8x128xf32, #tpu.memory_space<hbm>> -> memref<8x128xf32, #tpu.memory_space<hbm>>
    %dma_wait3A_615 = arith.constant 0 : i32
    %dma_wait3A_616 = tpu.memref_slice %arg5[%select_n3A, %add3A_591, %dma_wait3A_615] : memref<16x1024x128xf32, #tpu.memory_space<hbm>> -> memref<1x8x128xf32, #tpu.memory_space<hbm>>
    %dma_wait3A_617 = tpu.memref_squeeze %dma_wait3A_616 : memref<1x8x128xf32, #tpu.memory_space<hbm>> -> memref<8x128xf32, #tpu.memory_space<hbm>>
    %dma_wait3A_618 = arith.constant 0 : i32
    %dma_wait3A_619 = arith.constant 0 : i32
    %dma_wait3A_620 = tpu.memref_slice %arg13[%dma_wait3A_607, %dma_wait3A_618, %dma_wait3A_619] : memref<2x8x128xf32, #tpu.memory_space<vmem>> -> memref<1x8x128xf32, #tpu.memory_space<vmem>>
    %dma_wait3A_621 = tpu.memref_squeeze %dma_wait3A_620 : memref<1x8x128xf32, #tpu.memory_space<vmem>> -> memref<8x128xf32, #tpu.memory_space<vmem>>
    tpu.wait_dma2 semaphore(%arg18 : memref<!tpu.dma_semaphore, #tpu.memory_space<semaphore_mem>>) src(%dma_wait3A_621 : memref<8x128xf32, #tpu.memory_space<vmem>>) dst(%dma_wait3A_617 : memref<8x128xf32, #tpu.memory_space<hbm>>)
    %dma_wait3A_622 = arith.constant 1 : i32
    %dma_wait3A_623 = arith.constant 0 : i32
    %dma_wait3A_624 = arith.constant 0 : i32
    %dma_wait3A_625 = tpu.memref_slice %arg14[%dma_wait3A_622, %dma_wait3A_623, %dma_wait3A_624] : memref<2x8x128xf32, #tpu.memory_space<vmem>> -> memref<1x8x128xf32, #tpu.memory_space<vmem>>
    %dma_wait3A_626 = tpu.memref_squeeze %dma_wait3A_625 : memref<1x8x128xf32, #tpu.memory_space<vmem>> -> memref<8x128xf32, #tpu.memory_space<vmem>>
    %dma_wait3A_627 = arith.constant 0 : i32
    %dma_wait3A_628 = tpu.memref_slice %arg6[%select_n3A, %add3A_591, %dma_wait3A_627] : memref<16x1024x128xf32, #tpu.memory_space<hbm>> -> memref<1x8x128xf32, #tpu.memory_space<hbm>>
    %dma_wait3A_629 = tpu.memref_squeeze %dma_wait3A_628 : memref<1x8x128xf32, #tpu.memory_space<hbm>> -> memref<8x128xf32, #tpu.memory_space<hbm>>
    %dma_wait3A_630 = arith.constant 0 : i32
    %dma_wait3A_631 = tpu.memref_slice %arg6[%select_n3A, %add3A_591, %dma_wait3A_630] : memref<16x1024x128xf32, #tpu.memory_space<hbm>> -> memref<1x8x128xf32, #tpu.memory_space<hbm>>
    %dma_wait3A_632 = tpu.memref_squeeze %dma_wait3A_631 : memref<1x8x128xf32, #tpu.memory_space<hbm>> -> memref<8x128xf32, #tpu.memory_space<hbm>>
    %dma_wait3A_633 = arith.constant 0 : i32
    %dma_wait3A_634 = arith.constant 0 : i32
    %dma_wait3A_635 = tpu.memref_slice %arg14[%dma_wait3A_622, %dma_wait3A_633, %dma_wait3A_634] : memref<2x8x128xf32, #tpu.memory_space<vmem>> -> memref<1x8x128xf32, #tpu.memory_space<vmem>>
    %dma_wait3A_636 = tpu.memref_squeeze %dma_wait3A_635 : memref<1x8x128xf32, #tpu.memory_space<vmem>> -> memref<8x128xf32, #tpu.memory_space<vmem>>
    tpu.wait_dma2 semaphore(%arg18 : memref<!tpu.dma_semaphore, #tpu.memory_space<semaphore_mem>>) src(%dma_wait3A_636 : memref<8x128xf32, #tpu.memory_space<vmem>>) dst(%dma_wait3A_632 : memref<8x128xf32, #tpu.memory_space<hbm>>)
    "tpu.region"() ({
      %run_scoped3A = tpu.sem_alloc : memref<!tpu.dma_semaphore, #tpu.memory_space<semaphore_mem>>
      %dma_start3A_637 = arith.constant 0 : i32
      %dma_start3A_638 = tpu.memref_slice %arg7[%add3A, %dma_start3A_637] : memref<32x1024xi32, #tpu.memory_space<hbm>> -> memref<1x1024xi32, #tpu.memory_space<hbm>>
      %dma_start3A_639 = tpu.memref_squeeze %dma_start3A_638 : memref<1x1024xi32, #tpu.memory_space<hbm>> -> memref<1024xi32, #tpu.memory_space<hbm>>
      %dma_start3A_640 = arith.constant 0 : i32
      %dma_start3A_641 = tpu.memref_slice %arg7[%add3A, %dma_start3A_640] : memref<32x1024xi32, #tpu.memory_space<hbm>> -> memref<1x1024xi32, #tpu.memory_space<hbm>>
      %dma_start3A_642 = tpu.memref_squeeze %dma_start3A_641 : memref<1x1024xi32, #tpu.memory_space<hbm>> -> memref<1024xi32, #tpu.memory_space<hbm>>
      tpu.enqueue_dma source(%arg15 : memref<1024xi32, #tpu.memory_space<vmem>>) target(%dma_start3A_642 : memref<1024xi32, #tpu.memory_space<hbm>>) target_semaphore(%run_scoped3A : memref<!tpu.dma_semaphore, #tpu.memory_space<semaphore_mem>>)
      %dma_wait3A_643 = arith.constant 0 : i32
      %dma_wait3A_644 = tpu.memref_slice %arg7[%add3A, %dma_wait3A_643] : memref<32x1024xi32, #tpu.memory_space<hbm>> -> memref<1x1024xi32, #tpu.memory_space<hbm>>
      %dma_wait3A_645 = tpu.memref_squeeze %dma_wait3A_644 : memref<1x1024xi32, #tpu.memory_space<hbm>> -> memref<1024xi32, #tpu.memory_space<hbm>>
      %dma_wait3A_646 = arith.constant 0 : i32
      %dma_wait3A_647 = tpu.memref_slice %arg7[%add3A, %dma_wait3A_646] : memref<32x1024xi32, #tpu.memory_space<hbm>> -> memref<1x1024xi32, #tpu.memory_space<hbm>>
      %dma_wait3A_648 = tpu.memref_squeeze %dma_wait3A_647 : memref<1x1024xi32, #tpu.memory_space<hbm>> -> memref<1024xi32, #tpu.memory_space<hbm>>
      tpu.wait_dma2 semaphore(%run_scoped3A : memref<!tpu.dma_semaphore, #tpu.memory_space<semaphore_mem>>) src(%arg15 : memref<1024xi32, #tpu.memory_space<vmem>>) dst(%dma_wait3A_648 : memref<1024xi32, #tpu.memory_space<hbm>>)
      tpu.yield
    }) : () -> ()
    return
  }
}

module attributes {stable_mosaic.version = 14 : i64} {
  func.func @_prep_body(%arg0: i32, %arg1: memref<1x64x1024xf32, #tpu.memory_space<vmem>>, %arg2: memref<128x128xf32, #tpu.memory_space<vmem>>, %arg3: memref<1x1024x1024xf32, #tpu.memory_space<vmem>>, %arg4: memref<1x1024x128xf32, #tpu.memory_space<vmem>>, %arg5: memref<1x1024x128xf32, #tpu.memory_space<vmem>>) attributes {dimension_semantics = [#tpu.dimension_semantics<arbitrary>], iteration_bounds = array<i64: 16>, scalar_prefetch = 0 : i64, scratch_operands = 0 : i64, tpu.core_type = #tpu.core_type<tc>, window_params = [{transform_indices = @transform_0, window_bounds = array<i64: 1, 64, 1024>}, {pipeline_mode = #tpu.pipeline_mode<synchronous>, transform_indices = @transform_1, window_bounds = array<i64: 128, 128>}, {transform_indices = @transform_2, window_bounds = array<i64: 1, 1024, 1024>}, {transform_indices = @transform_3, window_bounds = array<i64: 1, 1024, 128>}, {transform_indices = @transform_4, window_bounds = array<i64: 1, 1024, 128>}]} {
    %get3A = arith.constant 0 : index
    %get3A_0 = arith.constant 0 : index
    %get3A_1 = arith.constant 0 : index
    %get3A_2 = vector.load %arg1[%get3A, %get3A_0, %get3A_1] : memref<1x64x1024xf32, #tpu.memory_space<vmem>>, vector<1x64x1024xf32>
    %get3A_3 = vector.shape_cast %get3A_2 : vector<1x64x1024xf32> to vector<64x1024xf32>
    %get3A_4 = arith.constant 0 : index
    %get3A_5 = arith.constant 0 : index
    %get3A_6 = vector.load %arg2[%get3A_4, %get3A_5] : memref<128x128xf32, #tpu.memory_space<vmem>>, vector<128x64xf32>
    %get3A_7 = arith.constant 0 : index
    %get3A_8 = arith.constant 64 : index
    %get3A_9 = vector.load %arg2[%get3A_7, %get3A_8] : memref<128x128xf32, #tpu.memory_space<vmem>>, vector<128x64xf32>
    %sub3A = arith.subf %get3A_9, %get3A_6 : vector<128x64xf32>
    %mul3A = arith.mulf %get3A_3, %get3A_3 : vector<64x1024xf32>
    %reduce_sum3A = arith.constant dense<0.000000e+00> : vector<1024xf32>
    %reduce_sum3A_10 = vector.multi_reduction <add>, %mul3A, %reduce_sum3A [0] : vector<64x1024xf32> to vector<1024xf32>
    %broadcast_in_dim3A = vector.shape_cast %reduce_sum3A_10 : vector<1024xf32> to vector<1x1024xf32>
    %dot_general3A = arith.constant dense<0.000000e+00> : vector<1024x1024xf32>
    %dot_general3A_11 = tpu.matmul %get3A_3, %get3A_3, %dot_general3A {dimension_numbers = #tpu.dot_dimension_numbers<[0], [0], [1], [1], [0, 1, 1, 1], [], []>, transpose_lhs_hint = false} : vector<64x1024xf32>, vector<64x1024xf32>, vector<1024x1024xf32> -> vector<1024x1024xf32>
    %mul3A_12 = arith.constant 2.000000e+00 : f32
    %mul3A_13 = vector.broadcast %mul3A_12 : f32 to vector<1024x1024xf32>
    %mul3A_14 = arith.mulf %mul3A_13, %dot_general3A_11 : vector<1024x1024xf32>
    %sub3A_15 = vector.broadcast %broadcast_in_dim3A : vector<1x1024xf32> to vector<1024x1024xf32>
    %sub3A_16 = arith.subf %mul3A_14, %sub3A_15 : vector<1024x1024xf32>
    %swap3A = arith.constant 0 : index
    %swap3A_17 = arith.constant 0 : index
    %swap3A_18 = arith.constant 0 : index
    %swap3A_19 = vector.load %arg3[%swap3A, %swap3A_17, %swap3A_18] : memref<1x1024x1024xf32, #tpu.memory_space<vmem>>, vector<1x1024x1024xf32>
    %swap3A_20 = vector.shape_cast %swap3A_19 : vector<1x1024x1024xf32> to vector<1024x1024xf32>
    %swap3A_21 = vector.shape_cast %sub3A_16 : vector<1024x1024xf32> to vector<1x1024x1024xf32>
    tpu.vector_store %arg3[%swap3A, %swap3A_17, %swap3A_18], %swap3A_21 {strides = array<i32>} : memref<1x1024x1024xf32, #tpu.memory_space<vmem>>, vector<1x1024x1024xf32>,
    %dot_general3A_22 = arith.constant dense<0.000000e+00> : vector<1024x128xf32>
    %dot_general3A_23 = tpu.matmul %get3A_3, %get3A_6, %dot_general3A_22 {dimension_numbers = #tpu.dot_dimension_numbers<[0], [1], [1], [0], [0, 1, 1, 0], [], []>, transpose_lhs_hint = false} : vector<64x1024xf32>, vector<128x64xf32>, vector<1024x128xf32> -> vector<1024x128xf32>
    %swap3A_24 = arith.constant 0 : index
    %swap3A_25 = arith.constant 0 : index
    %swap3A_26 = arith.constant 0 : index
    %swap3A_27 = vector.load %arg4[%swap3A_24, %swap3A_25, %swap3A_26] : memref<1x1024x128xf32, #tpu.memory_space<vmem>>, vector<1x1024x128xf32>
    %swap3A_28 = vector.shape_cast %swap3A_27 : vector<1x1024x128xf32> to vector<1024x128xf32>
    %swap3A_29 = vector.shape_cast %dot_general3A_23 : vector<1024x128xf32> to vector<1x1024x128xf32>
    tpu.vector_store %arg4[%swap3A_24, %swap3A_25, %swap3A_26], %swap3A_29 {strides = array<i32>} : memref<1x1024x128xf32, #tpu.memory_space<vmem>>, vector<1x1024x128xf32>,
    %dot_general3A_30 = arith.constant dense<0.000000e+00> : vector<1024x128xf32>
    %dot_general3A_31 = tpu.matmul %get3A_3, %sub3A, %dot_general3A_30 {dimension_numbers = #tpu.dot_dimension_numbers<[0], [1], [1], [0], [0, 1, 1, 0], [], []>, transpose_lhs_hint = false} : vector<64x1024xf32>, vector<128x64xf32>, vector<1024x128xf32> -> vector<1024x128xf32>
    %swap3A_32 = arith.constant 0 : index
    %swap3A_33 = arith.constant 0 : index
    %swap3A_34 = arith.constant 0 : index
    %swap3A_35 = vector.load %arg5[%swap3A_32, %swap3A_33, %swap3A_34] : memref<1x1024x128xf32, #tpu.memory_space<vmem>>, vector<1x1024x128xf32>
    %swap3A_36 = vector.shape_cast %swap3A_35 : vector<1x1024x128xf32> to vector<1024x128xf32>
    %swap3A_37 = vector.shape_cast %dot_general3A_31 : vector<1024x128xf32> to vector<1x1024x128xf32>
    tpu.vector_store %arg5[%swap3A_32, %swap3A_33, %swap3A_34], %swap3A_37 {strides = array<i32>} : memref<1x1024x128xf32, #tpu.memory_space<vmem>>, vector<1x1024x128xf32>,
    return
  }
  func.func @transform_0(%arg0: i32) -> (i32, i32, i32) {
    %c0_i32 = arith.constant 0 : i32
    %c0_i32_0 = arith.constant 0 : i32
    %c0_i32_1 = arith.constant 0 : i32
    return %arg0, %c0_i32, %c0_i32_0 : i32, i32, i32
  }
  func.func @transform_1(%arg0: i32) -> (i32, i32) {
    %c0_i32 = arith.constant 0 : i32
    %c0_i32_0 = arith.constant 0 : i32
    %c0_i32_1 = arith.constant 0 : i32
    return %c0_i32, %c0_i32_0 : i32, i32
  }
  func.func @transform_2(%arg0: i32) -> (i32, i32, i32) {
    %c0_i32 = arith.constant 0 : i32
    %c0_i32_0 = arith.constant 0 : i32
    %c0_i32_1 = arith.constant 0 : i32
    return %arg0, %c0_i32, %c0_i32_0 : i32, i32, i32
  }
  func.func @transform_3(%arg0: i32) -> (i32, i32, i32) {
    %c0_i32 = arith.constant 0 : i32
    %c0_i32_0 = arith.constant 0 : i32
    %c0_i32_1 = arith.constant 0 : i32
    return %arg0, %c0_i32, %c0_i32_0 : i32, i32, i32
  }
  func.func @transform_4(%arg0: i32) -> (i32, i32, i32) {
    %c0_i32 = arith.constant 0 : i32
    %c0_i32_0 = arith.constant 0 : i32
    %c0_i32_1 = arith.constant 0 : i32
    return %arg0, %c0_i32, %c0_i32_0 : i32, i32, i32
  }
}

module attributes {stable_mosaic.version = 14 : i64} {
  func.func @_stats_body(%arg0: i32, %arg1: memref<1x1024x128xf32, #tpu.memory_space<vmem>>, %arg2: memref<1x1024x128xf32, #tpu.memory_space<vmem>>, %arg3: memref<1x1024x128xf32, #tpu.memory_space<vmem>>, %arg4: memref<1x1024x1xf32, #tpu.memory_space<vmem>>, %arg5: memref<8x128xf32, #tpu.memory_space<vmem>>) attributes {dimension_semantics = [#tpu.dimension_semantics<arbitrary>], iteration_bounds = array<i64: 16>, scalar_prefetch = 0 : i64, scratch_operands = 0 : i64, tpu.core_type = #tpu.core_type<tc>, window_params = [{transform_indices = @transform_0, window_bounds = array<i64: 1, 1024, 128>}, {transform_indices = @transform_1, window_bounds = array<i64: 1, 1024, 128>}, {transform_indices = @transform_2, window_bounds = array<i64: 1, 1024, 128>}, {transform_indices = @transform_3, window_bounds = array<i64: 1, 1024, 1>}, {pipeline_mode = #tpu.pipeline_mode<synchronous>, transform_indices = @transform_4, window_bounds = array<i64: 8, 128>}]} {
    %eq3A = arith.constant 0 : i32
    %eq3A_0 = arith.cmpi eq, %arg0, %eq3A : i32
    %convert_element_type3A = arith.extui %eq3A_0 : i1 to i32
    %cond3A = arith.constant 0 : i32
    %cond3A_1 = arith.cmpi ne, %convert_element_type3A, %cond3A : i32
    scf.if %cond3A_1 {
      %broadcast_in_dim3A = arith.constant 0.000000e+00 : f32
      %broadcast_in_dim3A_82 = vector.broadcast %broadcast_in_dim3A : f32 to vector<8x128xf32>
      %swap3A_83 = arith.constant 0 : index
      %swap3A_84 = arith.constant 0 : index
      %swap3A_85 = vector.load %arg5[%swap3A_83, %swap3A_84] : memref<8x128xf32, #tpu.memory_space<vmem>>, vector<8x128xf32>
      tpu.vector_store %arg5[%swap3A_83, %swap3A_84], %broadcast_in_dim3A_82 {strides = array<i32>} : memref<8x128xf32, #tpu.memory_space<vmem>>, vector<8x128xf32>,
    } else {
    }
    %get3A = arith.constant 0 : index
    %get3A_2 = arith.constant 0 : index
    %get3A_3 = arith.constant 0 : index
    %get3A_4 = vector.load %arg1[%get3A, %get3A_2, %get3A_3] : memref<1x1024x128xf32, #tpu.memory_space<vmem>>, vector<1x1024x128xf32>
    %get3A_5 = vector.shape_cast %get3A_4 : vector<1x1024x128xf32> to vector<1024x128xf32>
    %get3A_6 = arith.constant 0 : index
    %get3A_7 = arith.constant 0 : index
    %get3A_8 = arith.constant 0 : index
    %get3A_9 = vector.load %arg2[%get3A_6, %get3A_7, %get3A_8] : memref<1x1024x128xf32, #tpu.memory_space<vmem>>, vector<1x1024x128xf32>
    %get3A_10 = vector.shape_cast %get3A_9 : vector<1x1024x128xf32> to vector<1024x128xf32>
    %get3A_11 = arith.constant 0 : index
    %get3A_12 = arith.constant 0 : index
    %get3A_13 = arith.constant 0 : index
    %get3A_14 = vector.load %arg3[%get3A_11, %get3A_12, %get3A_13] : memref<1x1024x128xf32, #tpu.memory_space<vmem>>, vector<1x1024x128xf32>
    %get3A_15 = vector.shape_cast %get3A_14 : vector<1x1024x128xf32> to vector<1024x128xf32>
    %get3A_16 = arith.constant 0 : index
    %get3A_17 = arith.constant 0 : index
    %get3A_18 = arith.constant 0 : index
    %get3A_19 = vector.load %arg4[%get3A_16, %get3A_17, %get3A_18] : memref<1x1024x1xf32, #tpu.memory_space<vmem>>, vector<1x1024x1xf32>
    %get3A_20 = vector.shape_cast %get3A_19 : vector<1x1024x1xf32> to vector<1024x1xf32>
    %get3A_21 = arith.constant 0 : index
    %get3A_22 = arith.constant 0 : index
    %get3A_23 = vector.load %arg5[%get3A_21, %get3A_22] : memref<8x128xf32, #tpu.memory_space<vmem>>, vector<1x128xf32>
    %get3A_24 = vector.shape_cast %get3A_23 : vector<1x128xf32> to vector<128xf32>
    %reduce_sum3A = arith.constant dense<0.000000e+00> : vector<128xf32>
    %reduce_sum3A_25 = vector.multi_reduction <add>, %get3A_5, %reduce_sum3A [0] : vector<1024x128xf32> to vector<128xf32>
    %add3A = arith.addf %get3A_24, %reduce_sum3A_25 : vector<128xf32>
    %swap3A = arith.constant 0 : index
    %swap3A_26 = arith.constant 0 : index
    %swap3A_27 = vector.load %arg5[%swap3A, %swap3A_26] : memref<8x128xf32, #tpu.memory_space<vmem>>, vector<1x128xf32>
    %swap3A_28 = vector.shape_cast %swap3A_27 : vector<1x128xf32> to vector<128xf32>
    %swap3A_29 = vector.shape_cast %add3A : vector<128xf32> to vector<1x128xf32>
    tpu.vector_store %arg5[%swap3A, %swap3A_26], %swap3A_29 {strides = array<i32>} : memref<8x128xf32, #tpu.memory_space<vmem>>, vector<1x128xf32>,
    %get3A_30 = arith.constant 1 : index
    %get3A_31 = arith.constant 0 : index
    %get3A_32 = vector.load %arg5[%get3A_30, %get3A_31] : memref<8x128xf32, #tpu.memory_space<vmem>>, vector<1x128xf32>
    %get3A_33 = vector.shape_cast %get3A_32 : vector<1x128xf32> to vector<128xf32>
    %reduce_sum3A_34 = arith.constant dense<0.000000e+00> : vector<128xf32>
    %reduce_sum3A_35 = vector.multi_reduction <add>, %get3A_10, %reduce_sum3A_34 [0] : vector<1024x128xf32> to vector<128xf32>
    %add3A_36 = arith.addf %get3A_33, %reduce_sum3A_35 : vector<128xf32>
    %swap3A_37 = arith.constant 1 : index
    %swap3A_38 = arith.constant 0 : index
    %swap3A_39 = vector.load %arg5[%swap3A_37, %swap3A_38] : memref<8x128xf32, #tpu.memory_space<vmem>>, vector<1x128xf32>
    %swap3A_40 = vector.shape_cast %swap3A_39 : vector<1x128xf32> to vector<128xf32>
    %swap3A_41 = vector.shape_cast %add3A_36 : vector<128xf32> to vector<1x128xf32>
    tpu.vector_store %arg5[%swap3A_37, %swap3A_38], %swap3A_41 {strides = array<i32>} : memref<8x128xf32, #tpu.memory_space<vmem>>, vector<1x128xf32>,
    %get3A_42 = arith.constant 2 : index
    %get3A_43 = arith.constant 0 : index
    %get3A_44 = vector.load %arg5[%get3A_42, %get3A_43] : memref<8x128xf32, #tpu.memory_space<vmem>>, vector<1x128xf32>
    %get3A_45 = vector.shape_cast %get3A_44 : vector<1x128xf32> to vector<128xf32>
    %mul3A = arith.mulf %get3A_10, %get3A_10 : vector<1024x128xf32>
    %reduce_sum3A_46 = arith.constant dense<0.000000e+00> : vector<128xf32>
    %reduce_sum3A_47 = vector.multi_reduction <add>, %mul3A, %reduce_sum3A_46 [0] : vector<1024x128xf32> to vector<128xf32>
    %add3A_48 = arith.addf %get3A_45, %reduce_sum3A_47 : vector<128xf32>
    %swap3A_49 = arith.constant 2 : index
    %swap3A_50 = arith.constant 0 : index
    %swap3A_51 = vector.load %arg5[%swap3A_49, %swap3A_50] : memref<8x128xf32, #tpu.memory_space<vmem>>, vector<1x128xf32>
    %swap3A_52 = vector.shape_cast %swap3A_51 : vector<1x128xf32> to vector<128xf32>
    %swap3A_53 = vector.shape_cast %add3A_48 : vector<128xf32> to vector<1x128xf32>
    tpu.vector_store %arg5[%swap3A_49, %swap3A_50], %swap3A_53 {strides = array<i32>} : memref<8x128xf32, #tpu.memory_space<vmem>>, vector<1x128xf32>,
    %get3A_54 = arith.constant 3 : index
    %get3A_55 = arith.constant 0 : index
    %get3A_56 = vector.load %arg5[%get3A_54, %get3A_55] : memref<8x128xf32, #tpu.memory_space<vmem>>, vector<1x128xf32>
    %get3A_57 = vector.shape_cast %get3A_56 : vector<1x128xf32> to vector<128xf32>
    %mul3A_58 = arith.mulf %get3A_10, %get3A_5 : vector<1024x128xf32>
    %reduce_sum3A_59 = arith.constant dense<0.000000e+00> : vector<128xf32>
    %reduce_sum3A_60 = vector.multi_reduction <add>, %mul3A_58, %reduce_sum3A_59 [0] : vector<1024x128xf32> to vector<128xf32>
    %add3A_61 = arith.addf %get3A_57, %reduce_sum3A_60 : vector<128xf32>
    %swap3A_62 = arith.constant 3 : index
    %swap3A_63 = arith.constant 0 : index
    %swap3A_64 = vector.load %arg5[%swap3A_62, %swap3A_63] : memref<8x128xf32, #tpu.memory_space<vmem>>, vector<1x128xf32>
    %swap3A_65 = vector.shape_cast %swap3A_64 : vector<1x128xf32> to vector<128xf32>
    %swap3A_66 = vector.shape_cast %add3A_61 : vector<128xf32> to vector<1x128xf32>
    tpu.vector_store %arg5[%swap3A_62, %swap3A_63], %swap3A_66 {strides = array<i32>} : memref<8x128xf32, #tpu.memory_space<vmem>>, vector<1x128xf32>,
    %get3A_67 = arith.constant 4 : index
    %get3A_68 = arith.constant 0 : index
    %get3A_69 = vector.load %arg5[%get3A_67, %get3A_68] : memref<8x128xf32, #tpu.memory_space<vmem>>, vector<1x128xf32>
    %get3A_70 = vector.shape_cast %get3A_69 : vector<1x128xf32> to vector<128xf32>
    %mul3A_71 = vector.broadcast %get3A_20 : vector<1024x1xf32> to vector<1024x128xf32>
    %mul3A_72 = arith.mulf %mul3A_71, %get3A_15 : vector<1024x128xf32>
    %mul3A_73 = arith.mulf %mul3A_72, %get3A_15 : vector<1024x128xf32>
    %reduce_sum3A_74 = arith.constant dense<0.000000e+00> : vector<128xf32>
    %reduce_sum3A_75 = vector.multi_reduction <add>, %mul3A_73, %reduce_sum3A_74 [0] : vector<1024x128xf32> to vector<128xf32>
    %add3A_76 = arith.addf %get3A_70, %reduce_sum3A_75 : vector<128xf32>
    %swap3A_77 = arith.constant 4 : index
    %swap3A_78 = arith.constant 0 : index
    %swap3A_79 = vector.load %arg5[%swap3A_77, %swap3A_78] : memref<8x128xf32, #tpu.memory_space<vmem>>, vector<1x128xf32>
    %swap3A_80 = vector.shape_cast %swap3A_79 : vector<1x128xf32> to vector<128xf32>
    %swap3A_81 = vector.shape_cast %add3A_76 : vector<128xf32> to vector<1x128xf32>
    tpu.vector_store %arg5[%swap3A_77, %swap3A_78], %swap3A_81 {strides = array<i32>} : memref<8x128xf32, #tpu.memory_space<vmem>>, vector<1x128xf32>,
    return
  }
  func.func @transform_0(%arg0: i32) -> (i32, i32, i32) {
    %c0_i32 = arith.constant 0 : i32
    %c0_i32_0 = arith.constant 0 : i32
    %c0_i32_1 = arith.constant 0 : i32
    return %arg0, %c0_i32, %c0_i32_0 : i32, i32, i32
  }
  func.func @transform_1(%arg0: i32) -> (i32, i32, i32) {
    %c0_i32 = arith.constant 0 : i32
    %c0_i32_0 = arith.constant 0 : i32
    %c0_i32_1 = arith.constant 0 : i32
    return %arg0, %c0_i32, %c0_i32_0 : i32, i32, i32
  }
  func.func @transform_2(%arg0: i32) -> (i32, i32, i32) {
    %c0_i32 = arith.constant 0 : i32
    %c0_i32_0 = arith.constant 0 : i32
    %c0_i32_1 = arith.constant 0 : i32
    return %arg0, %c0_i32, %c0_i32_0 : i32, i32, i32
  }
  func.func @transform_3(%arg0: i32) -> (i32, i32, i32) {
    %c0_i32 = arith.constant 0 : i32
    %c0_i32_0 = arith.constant 0 : i32
    %c0_i32_1 = arith.constant 0 : i32
    return %arg0, %c0_i32, %c0_i32_0 : i32, i32, i32
  }
  func.func @transform_4(%arg0: i32) -> (i32, i32) {
    %c0_i32 = arith.constant 0 : i32
    %c0_i32_0 = arith.constant 0 : i32
    %c0_i32_1 = arith.constant 0 : i32
    return %c0_i32, %c0_i32_0 : i32, i32
  }
}

module attributes {stable_mosaic.version = 14 : i64} {
  func.func @_final_body(%arg0: i32, %arg1: memref<1x1024x128xf32, #tpu.memory_space<vmem>>, %arg2: memref<1x1024x128xf32, #tpu.memory_space<vmem>>, %arg3: memref<1x1024x128xf32, #tpu.memory_space<vmem>>, %arg4: memref<1x128xf32, #tpu.memory_space<vmem>>, %arg5: memref<1x128xf32, #tpu.memory_space<vmem>>, %arg6: memref<1x128x1024xf32, #tpu.memory_space<vmem>>) attributes {dimension_semantics = [#tpu.dimension_semantics<arbitrary>], iteration_bounds = array<i64: 16>, scalar_prefetch = 0 : i64, scratch_operands = 0 : i64, tpu.core_type = #tpu.core_type<tc>, window_params = [{transform_indices = @transform_0, window_bounds = array<i64: 1, 1024, 128>}, {transform_indices = @transform_1, window_bounds = array<i64: 1, 1024, 128>}, {transform_indices = @transform_2, window_bounds = array<i64: 1, 1024, 128>}, {pipeline_mode = #tpu.pipeline_mode<synchronous>, transform_indices = @transform_3, window_bounds = array<i64: 1, 128>}, {pipeline_mode = #tpu.pipeline_mode<synchronous>, transform_indices = @transform_4, window_bounds = array<i64: 1, 128>}, {transform_indices = @transform_5, window_bounds = array<i64: 1, 128, 1024>}]} {
    %get3A = arith.constant 0 : index
    %get3A_0 = arith.constant 0 : index
    %get3A_1 = arith.constant 0 : index
    %get3A_2 = vector.load %arg3[%get3A, %get3A_0, %get3A_1] : memref<1x1024x128xf32, #tpu.memory_space<vmem>>, vector<1x1024x128xf32>
    %get3A_3 = vector.shape_cast %get3A_2 : vector<1x1024x128xf32> to vector<1024x128xf32>
    %get3A_4 = arith.constant 0 : index
    %get3A_5 = arith.constant 0 : index
    %get3A_6 = vector.load %arg4[%get3A_4, %get3A_5] : memref<1x128xf32, #tpu.memory_space<vmem>>, vector<1x128xf32>
    %get3A_7 = vector.shape_cast %get3A_6 : vector<1x128xf32> to vector<128xf32>
    %get3A_8 = arith.constant 0 : index
    %get3A_9 = arith.constant 0 : index
    %get3A_10 = vector.load %arg5[%get3A_8, %get3A_9] : memref<1x128xf32, #tpu.memory_space<vmem>>, vector<1x128xf32>
    %get3A_11 = vector.shape_cast %get3A_10 : vector<1x128xf32> to vector<128xf32>
    %get3A_12 = arith.constant 0 : index
    %get3A_13 = arith.constant 0 : index
    %get3A_14 = arith.constant 0 : index
    %get3A_15 = vector.load %arg1[%get3A_12, %get3A_13, %get3A_14] : memref<1x1024x128xf32, #tpu.memory_space<vmem>>, vector<1x1024x128xf32>
    %get3A_16 = vector.shape_cast %get3A_15 : vector<1x1024x128xf32> to vector<1024x128xf32>
    %add3A = arith.addf %get3A_16, %get3A_3 : vector<1024x128xf32>
    %broadcast_in_dim3A = vector.shape_cast %get3A_7 : vector<128xf32> to vector<1x128xf32>
    %mul3A = vector.broadcast %broadcast_in_dim3A : vector<1x128xf32> to vector<1024x128xf32>
    %mul3A_17 = arith.mulf %add3A, %mul3A : vector<1024x128xf32>
    %broadcast_in_dim3A_18 = vector.shape_cast %get3A_11 : vector<128xf32> to vector<1x128xf32>
    %add3A_19 = vector.broadcast %broadcast_in_dim3A_18 : vector<1x128xf32> to vector<1024x128xf32>
    %add3A_20 = arith.addf %mul3A_17, %add3A_19 : vector<1024x128xf32>
    %get3A_21 = arith.constant 0 : index
    %get3A_22 = arith.constant 0 : index
    %get3A_23 = arith.constant 0 : index
    %get3A_24 = vector.load %arg2[%get3A_21, %get3A_22, %get3A_23] : memref<1x1024x128xf32, #tpu.memory_space<vmem>>, vector<1x1024x128xf32>
    %get3A_25 = vector.shape_cast %get3A_24 : vector<1x1024x128xf32> to vector<1024x128xf32>
    %add3A_26 = arith.addf %get3A_25, %get3A_3 : vector<1024x128xf32>
    %broadcast_in_dim3A_27 = vector.shape_cast %get3A_7 : vector<128xf32> to vector<1x128xf32>
    %mul3A_28 = vector.broadcast %broadcast_in_dim3A_27 : vector<1x128xf32> to vector<1024x128xf32>
    %mul3A_29 = arith.mulf %add3A_26, %mul3A_28 : vector<1024x128xf32>
    %broadcast_in_dim3A_30 = vector.shape_cast %get3A_11 : vector<128xf32> to vector<1x128xf32>
    %add3A_31 = vector.broadcast %broadcast_in_dim3A_30 : vector<1x128xf32> to vector<1024x128xf32>
    %add3A_32 = arith.addf %mul3A_29, %add3A_31 : vector<1024x128xf32>
    %mul3A_33 = arith.constant 5.000000e-01 : f32
    %mul3A_34 = vector.broadcast %mul3A_33 : f32 to vector<1024x128xf32>
    %mul3A_35 = arith.mulf %mul3A_34, %add3A_20 : vector<1024x128xf32>
    %mul3A_36 = arith.constant 0.707106769 : f32
    %mul3A_37 = vector.broadcast %mul3A_36 : f32 to vector<1024x128xf32>
    %mul3A_38 = arith.mulf %add3A_20, %mul3A_37 : vector<1024x128xf32>
    %erf3A = math.erf %mul3A_38 : vector<1024x128xf32>
    %add3A_39 = arith.constant 1.000000e+00 : f32
    %add3A_40 = vector.broadcast %add3A_39 : f32 to vector<1024x128xf32>
    %add3A_41 = arith.addf %add3A_40, %erf3A : vector<1024x128xf32>
    %mul3A_42 = arith.mulf %mul3A_35, %add3A_41 : vector<1024x128xf32>
    %mul3A_43 = arith.constant 5.000000e-01 : f32
    %mul3A_44 = vector.broadcast %mul3A_43 : f32 to vector<1024x128xf32>
    %mul3A_45 = arith.mulf %mul3A_44, %add3A_32 : vector<1024x128xf32>
    %mul3A_46 = arith.constant 0.707106769 : f32
    %mul3A_47 = vector.broadcast %mul3A_46 : f32 to vector<1024x128xf32>
    %mul3A_48 = arith.mulf %add3A_32, %mul3A_47 : vector<1024x128xf32>
    %erf3A_49 = math.erf %mul3A_48 : vector<1024x128xf32>
    %add3A_50 = arith.constant 1.000000e+00 : f32
    %add3A_51 = vector.broadcast %add3A_50 : f32 to vector<1024x128xf32>
    %add3A_52 = arith.addf %add3A_51, %erf3A_49 : vector<1024x128xf32>
    %mul3A_53 = arith.mulf %mul3A_45, %add3A_52 : vector<1024x128xf32>
    %max3A = arith.maximumf %mul3A_42, %mul3A_53 : vector<1024x128xf32>
    %transpose3A = tpu.transpose %max3A, [1, 0] : vector<1024x128xf32> -> vector<128x1024xf32>
    %swap3A = arith.constant 0 : index
    %swap3A_54 = arith.constant 0 : index
    %swap3A_55 = arith.constant 0 : index
    %swap3A_56 = vector.load %arg6[%swap3A, %swap3A_54, %swap3A_55] : memref<1x128x1024xf32, #tpu.memory_space<vmem>>, vector<1x128x1024xf32>
    %swap3A_57 = vector.shape_cast %swap3A_56 : vector<1x128x1024xf32> to vector<128x1024xf32>
    %swap3A_58 = vector.shape_cast %transpose3A : vector<128x1024xf32> to vector<1x128x1024xf32>
    tpu.vector_store %arg6[%swap3A, %swap3A_54, %swap3A_55], %swap3A_58 {strides = array<i32>} : memref<1x128x1024xf32, #tpu.memory_space<vmem>>, vector<1x128x1024xf32>,
    return
  }
  func.func @transform_0(%arg0: i32) -> (i32, i32, i32) {
    %c0_i32 = arith.constant 0 : i32
    %c0_i32_0 = arith.constant 0 : i32
    %c0_i32_1 = arith.constant 0 : i32
    return %arg0, %c0_i32, %c0_i32_0 : i32, i32, i32
  }
  func.func @transform_1(%arg0: i32) -> (i32, i32, i32) {
    %c0_i32 = arith.constant 0 : i32
    %c0_i32_0 = arith.constant 0 : i32
    %c0_i32_1 = arith.constant 0 : i32
    return %arg0, %c0_i32, %c0_i32_0 : i32, i32, i32
  }
  func.func @transform_2(%arg0: i32) -> (i32, i32, i32) {
    %c0_i32 = arith.constant 0 : i32
    %c0_i32_0 = arith.constant 0 : i32
    %c0_i32_1 = arith.constant 0 : i32
    return %arg0, %c0_i32, %c0_i32_0 : i32, i32, i32
  }
  func.func @transform_3(%arg0: i32) -> (i32, i32) {
    %c0_i32 = arith.constant 0 : i32
    %c0_i32_0 = arith.constant 0 : i32
    %c0_i32_1 = arith.constant 0 : i32
    return %c0_i32, %c0_i32_0 : i32, i32
  }
  func.func @transform_4(%arg0: i32) -> (i32, i32) {
    %c0_i32 = arith.constant 0 : i32
    %c0_i32_0 = arith.constant 0 : i32
    %c0_i32_1 = arith.constant 0 : i32
    return %c0_i32, %c0_i32_0 : i32, i32
  }
  func.func @transform_5(%arg0: i32) -> (i32, i32, i32) {
    %c0_i32 = arith.constant 0 : i32
    %c0_i32_0 = arith.constant 0 : i32
    %c0_i32_1 = arith.constant 0 : i32
    return %arg0, %c0_i32, %c0_i32_0 : i32, i32, i32
  }
}

</mosaic_0001>

<sc_bundles>
// kernel: kernel.6.cloned.1.call-start
scs
__scs_entry_jumppad:
0x0: {  	(pc) =	sbr.rel $0x88, $3  }
0x1: {  	(tag) =	ssettag $0x0;
	lr =	simm.s32 $0x1  }
0x2: {  	[smem:$0x3F9D] =	sst lr;
	_ =	strace $0xD0000000  }
0x3: {  	_ = 	snop  }
0x4: {  	_ = 	snop  }
0x5: {  	_ = 	snop  }
0x6: {  	_ = 	snop  }
0x7: {  	_ = 	snop  }
__scs_overlays_trampoline_lowered:
0x8: {  	[smem:$0x3FAC] =	sst s0  }
0x9: {  	[smem:$0x3FAD] =	sst s1  }
0xa: {  	[smem:$0x3FAE] =	sst s2  }
0xb: {  	[smem:$0x3FAF] =	sst s3  }
0xc: {  	[smem:$0x3FB0] =	sst s4  }
0xd: {  	[smem:$0x3FB1] =	sst s5  }
0xe: {  	[smem:$0x3FB2] =	sst s6  }
0xf: {  	[smem:$0x3FB3] =	sst s7  }
0x10: {  	[smem:$0x3FB4] =	sst s8  }
0x11: {  	[smem:$0x3FB5] =	sst s9;
	s0 =	simm.s32 @!p0 $0x0  }
0x12: {  	s1 =	sld [smem:$0x3F9B];
	s0 =	simm.s32 @p0 $0x1  }
0x13: {  	[smem:$0x3FB6] =	sst s0;
	s0 =	simm.s32 @!p1 $0x0  }
0x14: {  	s2 =	sld [smem:$0x3F9A];
	s0 =	simm.s32 @p1 $0x1  }
0x15: {  	[smem:$0x3FB7] =	sst s0;
	s0 =	simm.s32 @!p2 $0x0  }
0x16: {  	s3 =	sld [smem:$0x3FDB];
	s0 =	simm.s32 @p2 $0x1  }
0x17: {  	s4 =	simm.s32 $0x1BF5;
	[smem:$0x3FB9] =	sst s0  }
0x18: {  	s0 =	sld [smem:$0x3F9C];
	_ =	swait.ge [sflag:s4], $0x0  }
0x19: {  	s7 =	sld [smem:$0x3F9D]  }
0x1a: {  	s8 =	sadd.s32 $0xFFFFE003, lr  }
0x1b: {  	s9 =	sadd.s32 $0xFFFFFEF7, lr;
	s5 =	simm.s32 $0xFFFFFFFF;
	p2 =	slt.u32 s8, $0xFFFFF086  }
0x1c: {  	p1 =	slt.u32 s9, $0xF7A;
	s5 =	simm.s32 @!p2 $0x0  }
0x1d: {  	s5 =	simm.s32 @p1 $0x1;
	p0 =	seq.s32 s7, s2  }
0x1e: {  	s7 =	smul.u32 @!p0 $0xF7A, s2;
	p2 =	seq.s32 @!p0 s5, $0x0  }
0x1f: {  	s9 =	smul.u32 $0xF7A, s1;
	s8 =	simm.s32 @!p0 $0x1BF5;
	p2 =	por !p2, p0  }
0x20: {  	[sflag:s8] =	ssyncset.s32 @!p0 $0xFFFFF086;
	s6 =	sadd.s32 @!p0 s3, s7;
	s7 =	simm.s32 @!p0 $0x108  }
0x21: {  	s3 =	sadd.s32 s3, s9;
	s6 =	sadd.s32 @!p0 $0x88, s6;
	s7 =	simm.s32 @p2 $0x1082  }
0x22: {  	[simem:s7], [sflag:s8] =	dma.local @!p0 [hbm:s6], $0xF7A  }
0x23: {  	s9 =	sor.u32 $0xD0000000, s2;
	s6 =	simm.s32 $0x108;
	_ =	swait.ge @!p0 [sflag:s8], $0x0  }
0x24: {  	s3 =	sadd.s32 $0x88, s3;
	s6 =	simm.s32 @!p1 $0x1082;
	[sflag:s4] =	ssyncset.s32 $0xFFFFF086  }
0x25: {  	[simem:s6], [sflag:s4] =	dma.local [hbm:s3], $0xF7A  }
0x26: {  	[smem:$0x3F9D] =	sst s1;
	(tag) =	ssettag s2;
	_ =	strace s9  }
0x27: {  	s1 =	sld [smem:$0x3FAD]  }
0x28: {  	s2 =	sld [smem:$0x3FAE]  }
0x29: {  	s4 =	sld [smem:$0x3FB0]  }
0x2a: {  	p0 =	seq.s32 s5, $0x0;
	s5 =	sld [smem:$0x3FB1]  }
0x2b: {  	s6 =	sld [smem:$0x3FB2]  }
0x2c: {  	s7 =	sld [smem:$0x3FB3]  }
0x2d: {  	s3 =	simm.s32 $0x108;
	s8 =	sld [smem:$0x3FB4]  }
0x2e: {  	s3 =	simm.s32 @!p0 $0x1082;
	s9 =	sld [smem:$0x3FB5]  }
0x2f: {  	lr =	sadd.s32 s0, s3;
	s0 =	sld [smem:$0x3FAC]  }
0x30: {  	s3 =	sld [smem:$0x3FAF]  }
0x31: {  	[smem:$0x3FB8] =	sst s10  }
0x32: {  	s10 =	sld [smem:$0x3FB6];
	_ =	sdelay $0x3  }
0x33: {  	p0 =	seq.s32 s10, $0x1;
	s10 =	sld [smem:$0x3FB8];
	_ =	sdelay $0x3  }
0x34: {  	[smem:$0x3FB8] =	sst s10  }
0x35: {  	s10 =	sld [smem:$0x3FB7];
	_ =	sdelay $0x3  }
0x36: {  	p1 =	seq.s32 s10, $0x1;
	s10 =	sld [smem:$0x3FB8];
	_ =	sdelay $0x3  }
0x37: {  	[smem:$0x3FB8] =	sst s10  }
0x38: {  	s10 =	sld [smem:$0x3FB9]  }
0x39: {  	_ = 	snop;
	(pc) =	sbr.ind lr, $3  }
0x3a: {  	_ = 	snop  }
0x3b: {  	_ = 	snop  }
0x3c: {  	p2 =	seq.s32 s10, $0x1;
	s10 =	sld [smem:$0x3FB8]  }
0x3d: {  	_ =	shalt  }
0x3e: {  	_ =	shalt  }
0x3f: {  	_ =	shalt  }
0x40: {  	_ =	shalt  }
0x41: {  	_ =	shalt  }
0x42: {  	_ =	shalt  }
0x43: {  	_ =	shalt  }
0x44: {  	_ =	shalt  }
0x45: {  	_ =	shalt  }
0x46: {  	_ =	shalt  }
0x47: {  	_ =	shalt  }
0x48: {  	_ =	shalt  }
0x49: {  	_ =	shalt  }
0x4a: {  	_ =	shalt  }
0x4b: {  	_ =	shalt  }
0x4c: {  	_ =	shalt  }
0x4d: {  	_ =	shalt  }
0x4e: {  	_ =	shalt  }
0x4f: {  	_ =	shalt  }
0x50: {  	_ =	shalt  }
0x51: {  	_ =	shalt  }
0x52: {  	_ =	shalt  }
0x53: {  	_ =	shalt  }
0x54: {  	_ =	shalt  }
0x55: {  	_ =	shalt  }
0x56: {  	_ =	shalt  }
0x57: {  	_ =	shalt  }
0x58: {  	_ =	shalt  }
0x59: {  	_ =	shalt  }
0x5a: {  	_ =	shalt  }
0x5b: {  	_ =	shalt  }
0x5c: {  	_ =	shalt  }
0x5d: {  	_ =	shalt  }
0x5e: {  	_ =	shalt  }
0x5f: {  	_ =	shalt  }
0x60: {  	_ =	shalt  }
0x61: {  	_ =	shalt  }
0x62: {  	_ =	shalt  }
0x63: {  	_ =	shalt  }
0x64: {  	_ =	shalt  }
0x65: {  	_ =	shalt  }
0x66: {  	_ =	shalt  }
0x67: {  	_ =	shalt  }
0x68: {  	_ =	shalt  }
0x69: {  	_ =	shalt  }
0x6a: {  	_ =	shalt  }
0x6b: {  	_ =	shalt  }
0x6c: {  	_ =	shalt  }
0x6d: {  	_ =	shalt  }
0x6e: {  	_ =	shalt  }
0x6f: {  	_ =	shalt  }
0x70: {  	_ =	shalt  }
0x71: {  	_ =	shalt  }
0x72: {  	_ =	shalt  }
0x73: {  	_ =	shalt  }
0x74: {  	_ =	shalt  }
0x75: {  	_ =	shalt  }
0x76: {  	_ =	shalt  }
0x77: {  	_ =	shalt  }
0x78: {  	_ =	shalt  }
0x79: {  	_ =	shalt  }
0x7a: {  	_ =	shalt  }
0x7b: {  	_ =	shalt  }
0x7c: {  	_ =	shalt  }
0x7d: {  	_ =	shalt  }
0x7e: {  	_ =	shalt  }
0x7f: {  	_ =	shalt  }
0x80: {  	_ =	shalt  }
0x81: {  	_ =	shalt  }
0x82: {  	_ =	shalt  }
0x83: {  	_ =	shalt  }
0x84: {  	_ =	shalt  }
0x85: {  	_ =	shalt  }
0x86: {  	_ =	shalt  }
0x87: {  	_ =	shalt  }
.Lfunc_end0:
.L_simem_size_0:
called_computation_lowered:
.L_overlay_start_0:
0x88: {  	s2 =	sld [smem:$0x3FD9]  }
0x89: {  	s3 =	sld [smem:$0x3FFE];
	_ =	sdelay $0x1  }
0x8a: {  	s1 =	srdreg.scid  }
0x8b: {  	s0 =	sand.u32 $0x1, s1  }
0x8c: {  	s16 =	sshll.u32 s0, $0xA;
	s2 =	sadd.s32 s3, s2  }
0x8d: {  	s2 =	sadd.s32 s2, s16  }
0x8e: {  	[smem:$0x3FC4] =	sst s2  }
0x8f: {  	_ = 	snop  }
0x90: {  	(tm) =	ssettm $0x1  }
0x91: {  	s17 =	sld [smem:$0x3FFB];
	_ =	sdelay $0x3  }
0x92: {  	_ =	strace s17  }
0x93: {  	s2 =	sld [smem:$0x3FFC];
	_ =	sdelay $0x3  }
0x94: {  	_ =	strace s2  }
0x95: {  	s2 =	sld [smem:$0x3FFD];
	_ =	sdelay $0x3  }
0x96: {  	_ =	strace s2  }
0x97: {  	_ =	strace $0x8FFFFFFF  }
0x98: {  	s18 =	sld [smem:$0x3FDB];
	_ =	sdelay $0x1  }
0x99: {  	s19 =	simm.s32 $_scs_section_size  }
0x9a: {  	s4 =	simm.s32 $_size__tile_overlayer_lowered;
	s5 =	simm.s32 $_tile_overlayer_lowered  }
0x9b: {  	s22 =	simm.s32 $0x1BFF;
	s21 =	sshll.u32 s5, $0x1;
	s2 =	sadd.s32 s19, s18  }
0x9c: {  	s6 =	simm.s32 $0x0;
	s20 =	sshll.u32 s4, $0x1;
	s4 =	sadd.s32 s21, s2  }
0x9d: {  	[timem:s6], [sflag:s22] =	dma.local [hbm:s4], s20  }
0x9e: {  	_ =	swait.ge [sflag:s22], s20  }
0x9f: {  	s3 =	ssub.s32 $0x0, s20;
	[sflag:s22] =	ssyncset.done $0x0  }
0xa0: {  	[sflag:s22] =	ssyncadd.s32 s3;
	_ =	sdelay $0x1  }
0xa1: {  	s23 =	simm.s32 $0x1B8B  }
0xa2: {  	_ =	swait.ge [sflag:s23], $0x1  }
0xa3: {  	[sflag:s23] =	ssyncset.done $0x0  }
0xa4: {  	s25 =	simm.s32 $0x1B8E;
	s24 =	sld [smem:$0x3FFE];
	[sflag:s23] =	ssyncadd.s32 $0xFFFFFFFF  }
0xa5: {  	s26 =	simm.s32 $execute0_lowered;
	[smem:$0x3FD2] =	sst s25  }
0xa6: {  	s4 =	sshll.u32 s26, $0x1;
	_ =	strace $0x80000046;
	[dreg:$0x1] =	wrdreg $0xFFFFFFFF  }
0xa7: {  	s28 =	simm.s32 $_size_execute0_lowered;
	s2 =	sadd.s32 s2, s4;
	[dreg:$0x0] =	wrdreg $0x0  }
0xa8: {  	s4 =	sshll.u32 s28, $0x1;
	[dreg:$0x2] =	wrdreg s2  }
0xa9: {  	[dreg:$0x3] =	wrdreg s4  }
0xaa: {  	[dreg:$0x4] =	wrdreg $0xC0  }
0xab: {  	_ =	task [dreg:s6], $0x5FFFF  }
0xac: {  	[dreg:$0x1] =	wrdreg $0xFFFFFFFF  }
0xad: {  	[dreg:$0x0] =	wrdreg $0x60  }
0xae: {  	[dreg:$0x2] =	wrdreg s24  }
0xaf: {  	[dreg:$0x3] =	wrdreg $0x9  }
0xb0: {  	_ =	task.clear_ibuf [dreg:s6], $0x4FFFF;
	_ =	strace $0x90000046  }
0xb1: {  	s29 =	simm.s32 $0x9;
	_ =	strace $0x80000048  }
0xb2: {  	_ =	swait.ge [sflag:s29], $0x1  }
0xb3: {  	[sflag:s29] =	ssyncadd.s32 $0xFFFFFFFF  }
0xb4: {  	_ =	strace $0x90000048  }
0xb5: {  	_ =	sfence  }
0xb6: {  	s30 =	sld [smem:$0x0];
	_ =	sdelay $0x2  }
0xb7: {  	s31 =	sshll.u32 s1, $0xD;
	s1 =	sshrl.u32 s1, $0x2  }
0xb8: {  	s3 =	sand.u32 $0x4000, s31;
	s1 =	sadd.s32 s1, s30  }
0xb9: {  	s0 =	sor.u32 s3, s0;
	s1 =	sshll.u32 s1, $0x11  }
0xba: {  	s0 =	sor.u32 s1, s0  }
0xbb: {  	s0 =	sadd.s32 $0x8F2B, s0  }
0xbc: {  	[sflag:s0] =	ssyncadd.remote.s32 $0x1  }
0xbd: {  	_ =	sfence.sel $0xFFFF  }
0xbe: {  	[dreg:$0x0] =	wrdreg $0xFFFFFFFF;
	(pc) =	sbr.abs _section_cstart, $3  }
0xbf: {  	[dreg:$0x1] =	wrdreg $0xFFFFFFFF  }
0xc0: {  	_ =	task.clear_ibuf [dreg:s6], $0x2FFFF;
	_ =	strace $0x9FFFFFFF  }
0xc1: {  	(tm) =	ssettm $0x7FFFFFFF  }
tec
execute0_lowered:
.L_overlay_start_1:
0x0: {  	(tag) =	ssettag $0x1  }
0x1: {  	s0 =	stileid.u32;
	s1 =	srdreg.scid  }
0x2: {  	s8 =	sand.u32 $0x1, s1;
	s28 =	sshll.u32 s0, $0x1  }
0x3: {  	s9 =	sor.u32 s8, s28  }
0x4: {  	p1 =	seq.s32 s8, $0x1;
	p0 =	seq.s32 s9, $0x0  }
0x5: {  	p0 =	por !p0, !p1  }
0x6: {  	s1 =	simm.s32 $0x1;
	p0 =	por !p0, !p0  }
0x7: {  	s1 =	simm.s32 @!p0 $0x0  }
0x8: {  	v0 =	vlaneseq.u32;
	s10 =	ssub.s32 s0, s1  }
0x9: {  	v5 =	vimm.s32 $0x0;
	vm0 =	vcmask $0x3F30;
	v3 =	vor.u32 $0x10, v0;
	s1 =	sshll.u32 s10, $0xA  }
0xa: {  	v25 =	vor.u32 $0x150, v0;
	[tilespmem:$0x1FEC0] =	vst v3;
	v4 =	vor.u32 s1, v3;
	v3 =	vor.u32 $0x20, v0  }
0xb: {  	v26 =	vor.u32 $0x160, v0;
	v27 =	vor.u32 $0x170, v0;
	[tilespmem:$0x1FED0] =	vst v3;
	v3 =	vor.u32 $0x30, v0  }
0xc: {  	v28 =	vor.u32 $0x180, v0;
	v29 =	vor.u32 $0x190, v0;
	[tilespmem:$0x1FEE0] =	vst v3;
	v3 =	vor.u32 $0x40, v0  }
0xd: {  	v30 =	vor.u32 $0x1A0, v0;
	v31 =	vor.u32 $0x1B0, v0;
	[tilespmem:$0x1FEF0] =	vst v3;
	v3 =	vor.u32 $0x50, v0  }
0xe: {  	v32 =	vor.u32 $0x1C0, v0;
	v33 =	vor.u32 $0x1D0, v0;
	[tilespmem:$0x1FF00] =	vst v3;
	v3 =	vor.u32 $0x60, v0  }
0xf: {  	v34 =	vor.u32 $0x1E0, v0;
	v35 =	vor.u32 $0x1F0, v0;
	[tilespmem:$0x1FF10] =	vst v3;
	v3 =	vor.u32 $0x70, v0  }
0x10: {  	v36 =	vor.u32 $0x200, v0;
	v37 =	vor.u32 $0x210, v0;
	[tilespmem:$0x1FF20] =	vst v3;
	v3 =	vor.u32 $0x80, v0  }
0x11: {  	s7 =	rddreg [dreg:$0x0];
	s2 =	simm.s32 $0x0;
	v38 =	vor.u32 $0x220, v0;
	v39 =	vor.u32 $0x230, v0;
	[tilespmem:$0x1FF30] =	vst v3;
	v3 =	vor.u32 $0x90, v0  }
0x12: {  	s15 =	simm.s32 $0xFFFFFFFF;
	s16 =	simm.s32 $0x3;
	[smem:$0x7FF] =	sst s2;
	v40 =	vor.u32 $0x240, v0;
	v41 =	vor.u32 $0x250, v0;
	[tilespmem:$0x1FF40] =	vst v3;
	v3 =	vor.u32 $0xA0, v0  }
0x13: {  	s17 =	simm.s32 $0x0;
	s3 =	sadd.s32 $0x2000, s7;
	s4 =	sadd.s32 $0x2C3000, s7;
	v42 =	vor.u32 $0x260, v0;
	v43 =	vor.u32 $0x270, v0;
	[tilespmem:$0x1FF50] =	vst v3;
	v3 =	vor.u32 $0xB0, v0  }
0x14: {  	s5 =	sadd.s32 $0x283000, s7;
	s6 =	sadd.s32 $0x243000, s7;
	s11 =	sshll.u32 s0, $0x8;
	v44 =	vor.u32 $0x280, v0;
	v45 =	vor.u32 $0x290, v0;
	[tilespmem:$0x1FF60] =	vst v3;
	v3 =	vor.u32 $0xC0, v0  }
0x15: {  	v7 =	vimm.s32 $0x1;
	v46 =	vor.u32 $0x2A0, v0;
	s30 =	sshll.u32 s0, $0x14;
	s11 =	sand.u32 $0xC00, s11;
	s13 =	sshll.u32 s8, $0x13;
	[tilespmem:$0x1FF70] =	vst v3;
	v3 =	vor.u32 $0xD0, v0  }
0x16: {  	v47 =	vor.u32 $0x2B0, v0;
	v48 =	vor.u32 $0x2C0, v0;
	s29 =	ssub.s32 $0x2, s8;
	s8 =	sshll.u32 s8, $0x10;
	s9 =	sshll.u32 s9, $0x4;
	[tilespmem:$0x1FF80] =	vst v3;
	v3 =	vor.u32 $0xE0, v0  }
0x17: {  	v49 =	vor.u32 $0x2D0, v0;
	v50 =	vor.u32 $0x2E0, v0;
	s11 =	sadd.s32 s11, s7;
	s14 =	sshrl.u32 s29, $0x1;
	s9 =	sand.u32 $0x70, s9;
	[tilespmem:$0x1FF90] =	vst v3;
	v3 =	vor.u32 $0xF0, v0  }
0x18: {  	v51 =	vor.u32 $0x2F0, v0;
	v52 =	vor.u32 $0x300, v0;
	s14 =	ssub.s32 s29, s14;
	s9 =	sadd.s32 s9, s11;
	s15 =	simm.s32 @!p0 $0x0;
	[tilespmem:$0x1FFA0] =	vst v3;
	v3 =	vor.u32 $0x100, v0  }
0x19: {  	v53 =	vor.u32 $0x310, v0;
	v54 =	vor.u32 $0x320, v0;
	s9 =	sadd.s32 $0x242000, s9;
	s15 =	sshll.u32 s15, $0x14;
	s12 =	sshll.u32 s10, $0x14;
	[tilespmem:$0x1FFB0] =	vst v3;
	v3 =	vor.u32 $0x110, v0  }
.Ltmp0:
0x1a: {  	v55 =	vor.u32 $0x330, v0;
	v56 =	vor.u32 $0x340, v0;
	s10 =	sshll.u32 s10, $0x11;
	s31 =	sadd.s32 s15, s30;
	[tilespmem:$0x1FFC0] =	vst v3;
	v3 =	vor.u32 $0x120, v0;
	(pc) =	sbr.rel .LBB2_1-.Ltmp0, $4  }
0x1b: {  	s15 =	simm.s32 $0x400;
	v1 =	vmov s1;
	v2 =	vor.u32 s1, v0;
	s1 =	rddreg [dreg:$0x1];
	s12 =	sor.u32 s13, s12;
	[tilespmem:$0x1FFD0] =	vst v3;
	v3 =	vor.u32 $0x130, v0  }
0x1c: {  	v57 =	vor.u32 $0x350, v0;
	v58 =	vor.u32 $0x360, v0;
	s8 =	sor.u32 s8, s10;
	s10 =	smax.u32 s14, $0x1;
	s11 =	sor.u32 s13, s31;
	[tilespmem:$0x1FFE0] =	vst v3;
	v3 =	vor.u32 $0x140, v0  }
0x1d: {  	v59 =	vor.u32 $0x370, v0;
	v60 =	vor.u32 $0x380, v0;
	v61 =	vor.u32 $0x390, v0;
	s13 =	simm.s32 $0x2;
	s14 =	simm.s32 $0x80;
	s12 =	sshrl.u32 s12, $0x3;
	[tilespmem:$0x1FFF0] =	vst v3  }
0x1e: {  	v62 =	vor.u32 $0x3A0, v0;
	v63 =	vor.u32 $0x3B0, v0;
	v6 =	vor.u32 $0x3C0, v0;
	s7 =	sadd.s32 s3, s12;
	s12 =	simm.s32 $0x8D00;
	_ =	strace $0x80000047  }
.LBB2_5:
0x1f: {  	_ =	swait.ge [sflag:s13], $0x400  }
0x20: {  	[sflag:s13] =	ssyncset.done $0x0  }
0x21: {  	[sflag:s13] =	ssyncadd.s32 $0xFFFFFC00  }
0x22: {  	_ =	swait.ge [sflag:s13], $0x400  }
0x23: {  	[sflag:s13] =	ssyncset.done $0x0  }
0x24: {  	[sflag:s13] =	ssyncadd.s32 $0xFFFFFC00  }
0x25: {  	_ =	swait.ge [sflag:s13], $0x400  }
0x26: {  	[sflag:s13] =	ssyncset.done $0x0  }
0x27: {  	[sflag:s13] =	ssyncadd.s32 $0xFFFFFC00  }
0x28: {  	_ =	swait.ge [sflag:s13], $0x400  }
0x29: {  	[sflag:s13] =	ssyncset.done $0x0  }
0x2a: {  	[sflag:s13] =	ssyncadd.s32 $0xFFFFFC00  }
0x2b: {  	_ =	swait.ge [sflag:s13], $0x400  }
0x2c: {  	[sflag:s13] =	ssyncset.done $0x0  }
0x2d: {  	[sflag:s13] =	ssyncadd.s32 $0xFFFFFC00  }
0x2e: {  	s17 =	sadd.s32 $0x1, s17;
	_ =	swait.ge [sflag:s13], $0x400  }
0x2f: {  	p0 =	sne.s32 s17, s10;
	[sflag:s13] =	ssyncset.done $0x0  }
.Ltmp1:
0x30: {  	[sflag:s13] =	ssyncadd.s32 $0xFFFFFC00;
	(pc) =	sbr.rel @!p0 .LBB2_6-.Ltmp1, $4  }
0x31: {  	[hbm4b:s9+s14] =	stream.strided.scatter [tilespmem:s12], [sflag:$0x3], $0x400, s15, s14, $0x38;
	[tilespmem:$0x9100] =	vst v63  }
0x32: {  	_ =	swait.ge [sflag:s16], $0x400  }
0x33: {  	[sflag:s16] =	ssyncset.done $0x0  }
0x34: {  	[sflag:s16] =	ssyncadd.s32 $0xFFFFFC00  }
.LBB2_1:
0x35: {  	[tilespmem:$0x4000] =	vst v0  }
0x36: {  	[tilespmem:$0x8D00] =	vst v5  }
0x37: {  	[tilespmem:$0x8D10] =	vst v5  }
0x38: {  	[tilespmem:$0x8D20] =	vst v5  }
0x39: {  	[tilespmem:$0x8D30] =	vst v5  }
0x3a: {  	[tilespmem:$0x8D40] =	vst v5  }
0x3b: {  	[tilespmem:$0x8D50] =	vst v5  }
0x3c: {  	[tilespmem:$0x8D60] =	vst v5  }
0x3d: {  	[tilespmem:$0x8D70] =	vst v5  }
0x3e: {  	[tilespmem:$0x8D80] =	vst v5  }
0x3f: {  	[tilespmem:$0x8D90] =	vst v5  }
0x40: {  	[tilespmem:$0x8DA0] =	vst v5  }
0x41: {  	[tilespmem:$0x8DB0] =	vst v5  }
0x42: {  	[tilespmem:$0x8DC0] =	vst v5  }
0x43: {  	[tilespmem:$0x8DD0] =	vst v5  }
0x44: {  	[tilespmem:$0x8DE0] =	vst v5  }
0x45: {  	[tilespmem:$0x8DF0] =	vst v5  }
0x46: {  	[tilespmem:$0x8E00] =	vst v5  }
0x47: {  	[tilespmem:$0x8E10] =	vst v5  }
0x48: {  	[tilespmem:$0x8E20] =	vst v5  }
0x49: {  	[tilespmem:$0x8E30] =	vst v5  }
0x4a: {  	[tilespmem:$0x8E40] =	vst v5  }
0x4b: {  	[tilespmem:$0x4150] =	vst v25  }
0x4c: {  	[tilespmem:$0x8E50] =	vst v5  }
0x4d: {  	[tilespmem:$0x4160] =	vst v26  }
0x4e: {  	[tilespmem:$0x8E60] =	vst v5  }
0x4f: {  	[tilespmem:$0x4170] =	vst v27  }
0x50: {  	[tilespmem:$0x8E70] =	vst v5  }
0x51: {  	[tilespmem:$0x4180] =	vst v28  }
0x52: {  	[tilespmem:$0x8E80] =	vst v5  }
0x53: {  	[tilespmem:$0x4190] =	vst v29  }
0x54: {  	v3 =	vld [tilespmem:$0x1FEC0];
	[tilespmem:$0x8E90] =	vst v5  }
0x55: {  	[tilespmem:$0x41A0] =	vst v30  }
0x56: {  	[tilespmem:$0x8EA0] =	vst v5  }
0x57: {  	[tilespmem:$0x41B0] =	vst v31  }
0x58: {  	[tilespmem:$0x8EB0] =	vst v5  }
0x59: {  	[tilespmem:$0x4010] =	vst v3;
	v3 =	vld [tilespmem:$0x1FED0]  }
0x5a: {  	[tilespmem:$0x41C0] =	vst v32  }
0x5b: {  	[tilespmem:$0x8EC0] =	vst v5  }
0x5c: {  	[tilespmem:$0x41D0] =	vst v33  }
0x5d: {  	[tilespmem:$0x8ED0] =	vst v5  }
0x5e: {  	[tilespmem:$0x4020] =	vst v3;
	v3 =	vld [tilespmem:$0x1FEE0]  }
0x5f: {  	[tilespmem:$0x41E0] =	vst v34  }
0x60: {  	[tilespmem:$0x8EE0] =	vst v5  }
0x61: {  	[tilespmem:$0x41F0] =	vst v35  }
0x62: {  	[tilespmem:$0x8EF0] =	vst v5  }
0x63: {  	[tilespmem:$0x4030] =	vst v3;
	v3 =	vld [tilespmem:$0x1FEF0]  }
0x64: {  	[tilespmem:$0x4200] =	vst v36  }
0x65: {  	[tilespmem:$0x8F00] =	vst v5  }
0x66: {  	[tilespmem:$0x4210] =	vst v37  }
0x67: {  	[tilespmem:$0x8F10] =	vst v5  }
0x68: {  	[tilespmem:$0x4040] =	vst v3;
	v3 =	vld [tilespmem:$0x1FF00]  }
0x69: {  	[tilespmem:$0x4220] =	vst v38  }
0x6a: {  	[tilespmem:$0x8F20] =	vst v5  }
0x6b: {  	[tilespmem:$0x4230] =	vst v39  }
0x6c: {  	[tilespmem:$0x8F30] =	vst v5  }
0x6d: {  	[tilespmem:$0x4050] =	vst v3;
	v3 =	vld [tilespmem:$0x1FF10]  }
0x6e: {  	[tilespmem:$0x4240] =	vst v40  }
0x6f: {  	[tilespmem:$0x8F40] =	vst v5  }
0x70: {  	[tilespmem:$0x4250] =	vst v41  }
0x71: {  	[tilespmem:$0x8F50] =	vst v5  }
0x72: {  	[tilespmem:$0x4060] =	vst v3;
	v3 =	vld [tilespmem:$0x1FF20]  }
0x73: {  	[tilespmem:$0x4260] =	vst v42  }
0x74: {  	[tilespmem:$0x8F60] =	vst v5  }
0x75: {  	[tilespmem:$0x4270] =	vst v43  }
0x76: {  	[tilespmem:$0x8F70] =	vst v5  }
0x77: {  	[tilespmem:$0x4070] =	vst v3;
	v3 =	vld [tilespmem:$0x1FF30]  }
0x78: {  	[tilespmem:$0x4280] =	vst v44  }
0x79: {  	[tilespmem:$0x8F80] =	vst v5  }
0x7a: {  	[tilespmem:$0x4290] =	vst v45  }
0x7b: {  	[tilespmem:$0x8F90] =	vst v5  }
0x7c: {  	[tilespmem:$0x4080] =	vst v3;
	v3 =	vld [tilespmem:$0x1FF40]  }
0x7d: {  	[tilespmem:$0x42A0] =	vst v46  }
0x7e: {  	[tilespmem:$0x8FA0] =	vst v5  }
0x7f: {  	[tilespmem:$0x42B0] =	vst v47  }
0x80: {  	[tilespmem:$0x8FB0] =	vst v5  }
0x81: {  	[tilespmem:$0x4090] =	vst v3;
	v3 =	vld [tilespmem:$0x1FF50]  }
0x82: {  	[tilespmem:$0x42C0] =	vst v48  }
0x83: {  	[tilespmem:$0x8FC0] =	vst v5  }
0x84: {  	[tilespmem:$0x42D0] =	vst v49  }
0x85: {  	[tilespmem:$0x8FD0] =	vst v5  }
0x86: {  	[tilespmem:$0x40A0] =	vst v3;
	v3 =	vld [tilespmem:$0x1FF60]  }
0x87: {  	[tilespmem:$0x42E0] =	vst v50  }
0x88: {  	[tilespmem:$0x8FE0] =	vst v5  }
0x89: {  	[tilespmem:$0x42F0] =	vst v51  }
0x8a: {  	[tilespmem:$0x8FF0] =	vst v5  }
0x8b: {  	[tilespmem:$0x40B0] =	vst v3;
	v3 =	vld [tilespmem:$0x1FF70]  }
0x8c: {  	[tilespmem:$0x4300] =	vst v52  }
0x8d: {  	[tilespmem:$0x9000] =	vst v5  }
0x8e: {  	[tilespmem:$0x4310] =	vst v53  }
0x8f: {  	[tilespmem:$0x9010] =	vst v5  }
0x90: {  	[tilespmem:$0x40C0] =	vst v3;
	v3 =	vld [tilespmem:$0x1FF80]  }
0x91: {  	[tilespmem:$0x4320] =	vst v54  }
0x92: {  	[tilespmem:$0x9020] =	vst v5  }
0x93: {  	[tilespmem:$0x4330] =	vst v55  }
0x94: {  	[tilespmem:$0x9030] =	vst v5  }
0x95: {  	[tilespmem:$0x40D0] =	vst v3;
	v3 =	vld [tilespmem:$0x1FF90]  }
0x96: {  	[tilespmem:$0x4340] =	vst v56  }
0x97: {  	[tilespmem:$0x9040] =	vst v5  }
0x98: {  	[tilespmem:$0x4350] =	vst v57  }
0x99: {  	[tilespmem:$0x9050] =	vst v5  }
0x9a: {  	[tilespmem:$0x40E0] =	vst v3;
	v3 =	vld [tilespmem:$0x1FFA0]  }
0x9b: {  	[tilespmem:$0x4360] =	vst v58  }
0x9c: {  	[tilespmem:$0x9060] =	vst v5  }
0x9d: {  	[tilespmem:$0x4370] =	vst v59  }
0x9e: {  	[tilespmem:$0x9070] =	vst v5  }
0x9f: {  	[tilespmem:$0x40F0] =	vst v3;
	v3 =	vld [tilespmem:$0x1FFB0]  }
0xa0: {  	[tilespmem:$0x4380] =	vst v60  }
0xa1: {  	[tilespmem:$0x9080] =	vst v5  }
0xa2: {  	[tilespmem:$0x4390] =	vst v61  }
0xa3: {  	[tilespmem:$0x9090] =	vst v5  }
0xa4: {  	[tilespmem:$0x4100] =	vst v3;
	v3 =	vld [tilespmem:$0x1FFC0]  }
0xa5: {  	[tilespmem:$0x43A0] =	vst v62  }
0xa6: {  	[tilespmem:$0x90A0] =	vst v5  }
0xa7: {  	[tilespmem:$0x43B0] =	vst v63  }
0xa8: {  	[tilespmem:$0x90B0] =	vst v5  }
0xa9: {  	[tilespmem:$0x4110] =	vst v3;
	v3 =	vld [tilespmem:$0x1FFD0]  }
0xaa: {  	[tilespmem:$0x43C0] =	vst v6  }
0xab: {  	[tilespmem:$0x90C0] =	vst v5  }
0xac: {  	[tilespmem:$0x90D0] =	vst v5  }
0xad: {  	[tilespmem:$0x90E0] =	vst v5  }
0xae: {  	[tilespmem:$0x4120] =	vst v3;
	v3 =	vld [tilespmem:$0x1FFE0]  }
0xaf: {  	[tilespmem:$0x90F0] =	vst v5  }
0xb0: {  	[tilespmem:$0x4410] =	vst v2  }
0xb1: {  	[tilespmem:$0x4428] =	vst v4  }
0xb2: {  	[tilespmem:$0x4490] =	vst v2  }
0xb3: {  	[tilespmem:$0x4130] =	vst v3;
	v3 =	vld [tilespmem:$0x1FFF0]  }
0xb4: {  	v8 =	vor.u32 $0x3D0, v0;
	[tilespmem:$0x44A8] =	vst v4  }
.Ltmp2:
0xb5: {  	[tilespmem:$0x43D0] =	vst v8;
	v8 =	vor.u32 $0x3E0, v0;
	(pc) =	sbr.rel .LBB2_2-.Ltmp2, $4  }
0xb6: {  	[tilespmem:$0x43E0] =	vst v8;
	v8 =	vor.u32 $0x3F0, v0  }
0xb7: {  	s18 =	simm.s32 $0x2000;
	[tilespmem:$0x43F0] =	vst v8  }
0xb8: {  	s19 =	simm.s32 $0xFFFFFE00;
	s20 =	simm.s32 $0x0;
	s21 =	simm.s32 $0x0;
	[tilespmem:$0x4140] =	vst v3  }
0xb9: {  	[tilespmem:s2], [sflag:$0x1] =	stream.linear.gather [hbm4b:s7+s2], $0x2000, $0x38;
	[tilespmem:$0x9100] =	vst v63  }
.LBB2_4:
0xba: {  	s18 =	sadd.s32 $0x400, s18  }
0xbb: {  	p0 =	sne.s32 s18, $0x83000  }
.Ltmp3:
0xbc: {  	_ = 	snop;
	(pc) =	sbr.rel @!p0 .LBB2_5-.Ltmp3, $2  }
0xbd: {  	_ =	sdelay $0x2  }
0xbe: {  	s21 =	sadd.s32 $0x1, s21;
	s19 =	sadd.s32 $0x80, s19;
	s20 =	sadd.s32 $0x40, s20  }
.LBB2_2:
0xbf: {  	p0 =	slt.u32 s21, $0x4  }
0xc0: {  	s22 =	sadd.s32 $0xFFFFFFFC, s21;
	p1 =	slt.u32 @!p0 s21, $0x14  }
0xc1: {  	s22 =	sand.u32 @!p0 $0x7, s22;
	p2 =	por p1, p0  }
0xc2: {  	p2 =	sne.s32 @!p2 s22, $0x0  }
0xc3: {  	p1 =	por @!p0 p2, p1  }
0xc4: {  	p1 =	por p1, p0  }
0xc5: {  	s24 =	sand.u32 @!p0 $0x1, s21;
	s23 =	simm.s32 @!p1 $0x2  }
0xc6: {  	s25 =	simm.s32 @!p0 $0x1800;
	p3 =	seq.s32 @!p0 s24, $0x1;
	_ =	swait.ge @!p1 [sflag:s23], $0x400  }
0xc7: {  	s24 =	sshrl.u32 @!p0 s21, $0x1;
	p2 =	seq.s32 @!p0 s18, $0x3000;
	[sflag:s23] =	ssyncset.done @!p1 $0x0  }
0xc8: {  	s24 =	sand.u32 @!p0 $0x1, s24;
	p2 =	por @!p0 !p2, !p3;
	[sflag:s23] =	ssyncadd.s32 @!p1 $0xFFFFFC00  }
0xc9: {  	p4 =	seq.s32 @!p0 s24, $0x1;
	p2 =	por @!p0 !p2, !p2;
	_ =	swait.ge @!p1 [sflag:s23], $0x400  }
0xca: {  	p4 =	por !p4, p0;
	p5 =	por @!p0 !p2, !p2;
	[sflag:s23] =	ssyncset.done @!p1 $0x0  }
0xcb: {  	s24 =	simm.s32 @!p0 $0xC00;
	p2 =	por @!p4 p5, p5;
	[sflag:s23] =	ssyncadd.s32 @!p1 $0xFFFFFC00  }
0xcc: {  	p3 =	por !p3, p0;
	p2 =	por !p2, p0;
	_ =	swait.ge @!p1 [sflag:s23], $0x400  }
0xcd: {  	s24 =	simm.s32 @p3 $0x0;
	s25 =	simm.s32 @p2 $0x0;
	[sflag:s23] =	ssyncset.done @!p1 $0x0  }
0xce: {  	s24 =	sadd.s32 @!p0 s24, s25;
	[sflag:s23] =	ssyncadd.s32 @!p1 $0xFFFFFC00  }
0xcf: {  	v8 =	vld @!p0 [tilespmem:s24+$0x4500]  }
0xd0: {  	v9 =	vld @!p0 [tilespmem:s24+$0x4510]  }
0xd1: {  	v10 =	vld @!p0 [tilespmem:s24+$0x4520]  }
0xd2: {  	v11 =	vld @!p0 [tilespmem:s24+$0x4530]  }
0xd3: {  	v12 =	vld @!p0 [tilespmem:s24+$0x4540]  }
0xd4: {  	v13 =	vld @!p0 [tilespmem:s24+$0x4550]  }
0xd5: {  	v14 =	vld @!p0 [tilespmem:s24+$0x4560]  }
0xd6: {  	v15 =	vld @!p0 [tilespmem:s24+$0x4570]  }
0xd7: {  	v16 =	vld @!p0 [tilespmem:s24+$0x4580]  }
0xd8: {  	v3 =	vld @!p0 [tilespmem:s24+$0x4590]  }
0xd9: {  	v17 =	vld @!p0 [tilespmem:s24+$0x45A0]  }
0xda: {  	v18 =	vld @!p0 [tilespmem:s24+$0x45B0]  }
0xdb: {  	v19 =	vld @!p0 [tilespmem:s24+$0x45C0]  }
0xdc: {  	v20 =	vld @!p0 [tilespmem:s24+$0x45D0]  }
0xdd: {  	s25 =	sshll.u32 @!p0 s22, $0x7;
	s23 =	sand.u32 @!p0 $0x400, s19;
	v21 =	vld @!p0 [tilespmem:s24+$0x45E0]  }
0xde: {  	v23 =	vld @!p0 [tilespmem:s24+$0x45F0];
	s24 =	sor.u32 @!p0 s25, s23;
	v22 =	vmin.f32 @!p0 v8, v16  }
0xdf: {  	v24 =	vmax.f32 @!p0 v8, v16;
	[tilespmem:s24+$0x7500] =	vst @!p0 v22  }
0xe0: {  	v8 =	vadd.f32 @!p0 v16, v8;
	v16 =	vmin.f32 @!p0 v9, v3;
	[tilespmem:s24+$0x7D00] =	vst @!p0 v24  }
0xe1: {  	[tilespmem:s24+$0x7510] =	vst @!p0 v16  }
0xe2: {  	[tilespmem:s24+$0x8500] =	vst @!p0 v8;
	v8 =	vmax.f32 @!p0 v9, v3;
	v3 =	vadd.f32 @!p0 v3, v9  }
0xe3: {  	[tilespmem:s24+$0x7D10] =	vst @!p0 v8  }
0xe4: {  	v9 =	vadd.f32 @!p0 v17, v10;
	v8 =	vmin.f32 @!p0 v10, v17;
	[tilespmem:s24+$0x8510] =	vst @!p0 v3  }
0xe5: {  	[tilespmem:s24+$0x7520] =	vst @!p0 v8  }
0xe6: {  	v3 =	vmax.f32 @!p0 v10, v17;
	[tilespmem:s24+$0x8520] =	vst @!p0 v9  }
0xe7: {  	v8 =	vmax.f32 @!p0 v11, v18;
	[tilespmem:s24+$0x7D20] =	vst @!p0 v3  }
0xe8: {  	v9 =	vadd.f32 @!p0 v18, v11;
	v3 =	vmin.f32 @!p0 v11, v18;
	[tilespmem:s24+$0x7D30] =	vst @!p0 v8  }
0xe9: {  	[tilespmem:s24+$0x7530] =	vst @!p0 v3  }
0xea: {  	v8 =	vmax.f32 @!p0 v12, v19;
	[tilespmem:s24+$0x8530] =	vst @!p0 v9  }
0xeb: {  	v3 =	vmin.f32 @!p0 v12, v19;
	[tilespmem:s24+$0x7D40] =	vst @!p0 v8  }
0xec: {  	v9 =	vadd.f32 @!p0 v19, v12;
	v8 =	vmax.f32 @!p0 v13, v20;
	[tilespmem:s24+$0x7540] =	vst @!p0 v3  }
0xed: {  	[tilespmem:s24+$0x7D50] =	vst @!p0 v8  }
0xee: {  	v3 =	vmin.f32 @!p0 v13, v20;
	[tilespmem:s24+$0x8540] =	vst @!p0 v9  }
0xef: {  	v8 =	vmax.f32 @!p0 v14, v21;
	[tilespmem:s24+$0x7550] =	vst @!p0 v3  }
0xf0: {  	v9 =	vadd.f32 @!p0 v20, v13;
	v3 =	vmin.f32 @!p0 v14, v21;
	[tilespmem:s24+$0x7D60] =	vst @!p0 v8  }
0xf1: {  	p1 =	sne.s32 @!p0 s22, $0x7;
	[tilespmem:s24+$0x7560] =	vst @!p0 v3  }
0xf2: {  	p1 =	por p1, p0;
	v8 =	vmax.f32 @!p0 v15, v23;
	[tilespmem:s24+$0x8550] =	vst @!p0 v9;
	v9 =	vadd.f32 @!p0 v21, v14  }
0xf3: {  	s22 =	sand.u32 @!p1 $0xFFFFFC00, s19;
	[tilespmem:s24+$0x7D70] =	vst @!p0 v8  }
0xf4: {  	s22 =	sadd.s32 @!p1 s22, s8;
	v3 =	vmin.f32 @!p0 v15, v23;
	[tilespmem:s24+$0x8560] =	vst @!p0 v9;
	v9 =	vadd.f32 @!p0 v23, v15  }
0xf5: {  	s22 =	sshrl.u32 @!p1 s22, $0x3;
	[tilespmem:s24+$0x7570] =	vst @!p0 v3  }
0xf6: {  	s25 =	sadd.s32 @!p1 $0x7500, s23;
	s26 =	simm.s32 @!p1 $0x0;
	[tilespmem:s24+$0x8570] =	vst @!p0 v9;
	s24 =	sadd.s32 @!p1 s4, s22  }
0xf7: {  	[hbm4b:s24+s26] =	stream.linear.scatter @!p1 [tilespmem:s25], [sflag:$0x2], $0x400, $0x38;
	[tilespmem:$0x9100] =	vst v63  }
0xf8: {  	s24 =	sadd.s32 @!p1 s5, s22;
	s25 =	sadd.s32 @!p1 $0x7D00, s23  }
0xf9: {  	[hbm4b:s24+s26] =	stream.linear.scatter @!p1 [tilespmem:s25], [sflag:$0x2], $0x400, $0x38;
	[tilespmem:$0x9100] =	vst v63  }
0xfa: {  	s22 =	sadd.s32 @!p1 s6, s22;
	s23 =	sadd.s32 @!p1 $0x8500, s23  }
0xfb: {  	[hbm4b:s22+s26] =	stream.linear.scatter @!p1 [tilespmem:s23], [sflag:$0x2], $0x400, $0x38;
	[tilespmem:$0x9100] =	vst v63  }
0xfc: {  	p1 =	sgt.u32 @!p0 s21, $0x1FF  }
0xfd: {  	p0 =	por p0, !p1  }
.Ltmp4:
0xfe: {  	_ = 	snop;
	(pc) =	sbr.rel @!p0 .LBB2_4-.Ltmp4, $1  }
0xff: {  	_ =	sdelay $0x3  }
0x100: {  	s22 =	sand.u32 $0x7, s21  }
0x101: {  	p0 =	sne.s32 s22, $0x0  }
0x102: {  	s22 =	simm.s32 @!p0 $0x1;
	p1 =	sgt.u32 @!p0 s21, $0x1F7  }
0x103: {  	_ =	swait.ge @!p0 [sflag:s22], $0x2000;
	p1 =	por p1, p0  }
0x104: {  	[sflag:s22] =	ssyncset.done @!p0 $0x0;
	s23 =	sadd.s32 @!p1 s18, s11  }
0x105: {  	[sflag:s22] =	ssyncadd.s32 @!p0 $0xFFFFE000;
	s22 =	sshrl.u32 @!p1 s23, $0x3  }
0x106: {  	s24 =	simm.s32 @!p1 $0x0;
	s23 =	sand.u32 @!p1 $0x2000, s18;
	s22 =	sadd.s32 @!p1 s3, s22  }
0x107: {  	[tilespmem:s23], [sflag:$0x1] =	stream.linear.gather @!p1 [hbm4b:s22+s24], $0x2000, $0x38;
	[tilespmem:$0x9100] =	vst v63  }
0x108: {  	v3 =	vld [tilespmem:$0x4000]  }
0x109: {  	v8 =	vld [tilespmem:$0x4010];
	_ =	sdelay $0x1  }
0x10a: {  	s30 =	sand.u32 $0x1, s21  }
0x10b: {  	p0 =	seq.s32 s30, $0x1;
	s22 =	simm.s32 $0x18  }
0x10c: {  	s31 =	sand.u32 $0x80, s20;
	s22 =	simm.s32 @!p0 $0x0  }
.Ltmp5:
0x10d: {  	s22 =	sor.u32 s22, s31;
	v9 =	vadd.s32 v1, v8;
	(pc) =	sbr.rel .LBB2_4-.Ltmp5, $4  }
0x10e: {  	v23 =	vadd.s32 v1, v3;
	[tilespmem:s22+$0x4400] =	vst v9  }
0x10f: {  	[tilespmem:s22+$0x4410] =	vst.msk vm0, v23  }
0x110: {  	[tilespmem:v3+s12+$0x0] =	vst.idx.add.s32.msk vm0, v7  }
0x111: {  	[tilespmem:v8+s12+$0x0] =	vst.idx.add.s32.msk $0xffff, v7  }
.LBB2_6:
0x112: {  	_ =	sfence.sel $0x180000  }
0x113: {  	[bflag:$0x0] =	sbarrier.arrive $0xFFFF  }
0x114: {  	p0 =	sne.s32 s0, $0x0;
	_ =	strace $0x90000047  }
0x115: {  	s0 =	sadd.s32 @!p0 $0x100000, s1;
	[bflag:$0x2] =	sbarrier.arrive $0xFFFF  }
0x116: {  	[sflag:s0] =	ssyncadd.tile.s32 @!p0 $0x1;
	_ =	shalt  }
.Lfunc_end2:
_tile_overlayer_lowered:
.L_overlay_start_2:
0x117: {  	(tag) =	ssettag $0x2  }
0x118: {  	s0 =	rddreg [dreg:$0x0];
	s2 =	stileid.u32  }
0x119: {  	s1 =	rddreg [dreg:$0x1];
	p0 =	sne.s32 s2, $0x0  }
0x11a: {  	s3 =	rddreg [dreg:$0x2];
	[bflag:$0x3] =	sbarrier.arrive $0xFFFF;
	s2 =	simm.s32 @!p0 $0x1C03  }
0x11b: {  	[timem:s3], [sflag:s2] =	dma.local @!p0 [hbm:s0], s1  }
0x11c: {  	s0 =	simm.s32 @!p0 $0x3  }
0x11d: {  	_ =	swait.ge @!p0 [sflag:s0], s1  }
0x11e: {  	s1 =	ssub.s32 @!p0 $0x0, s1;
	[sflag:s0] =	ssyncset.done @!p0 $0x0  }
0x11f: {  	[sflag:s0] =	ssyncadd.s32 @!p0 s1  }
0x120: {  	[bflag:$0x3] =	sbarrier.arrive $0xFFFF  }
0x121: {  	_ =	shalt  }

</sc_bundles>
